<compile_context>
chip_gen: v7x
topology: tpu7x:2x2x1
jax: 0.10.2.dev20260603
libtpu: 0.0.44.dev20260713+nightly
codegen_flags: <defaults>
</compile_context>

<pallas_src>
import jax
import jax.numpy as jnp
from jax import lax
from jax.experimental import pallas as pl
from jax.experimental.pallas import tpu as pltpu
from jax.experimental.pallas import tpu_sc as plsc

_EMBED = 64
_CTX = 200
_NC = 2
_NS = 16
_NW = _NC * _NS
_CHUNK = 400
_SUB = 80
_NSUB = _CHUNK // _SUB
_NBUF = 4
_LANES = 16
_EG = _EMBED // _LANES
_K = _CHUNK // _CTX


def _emb_body(tb_hbm, e_hbm, p_hbm, out_hbm, p_v, *scratch):
    idx_v = scratch[0:_NBUF]
    rows_v = scratch[_NBUF:2 * _NBUF]
    isem = scratch[2 * _NBUF:3 * _NBUF]
    gsem = scratch[3 * _NBUF:4 * _NBUF]
    osem = scratch[4 * _NBUF:5 * _NBUF]

    wid = lax.axis_index("s") * _NC + lax.axis_index("c")
    n_per_w = (tb_hbm.shape[0] * tb_hbm.shape[1]) // _NW
    steps = n_per_w // _CHUNK
    sb = wid * (n_per_w // _CTX)

    pltpu.sync_copy(p_hbm, p_v)

    def issue_idx(g, b):
        for k in range(_K):
            pltpu.async_copy(tb_hbm.at[sb + g * _K + k],
                             idx_v[b].at[pl.ds(k * _CTX, _CTX)], isem[b])

    def wait_idx(b):
        for k in range(_K):
            pltpu.make_async_copy(tb_hbm.at[0],
                                  idx_v[b].at[pl.ds(k * _CTX, _CTX)],
                                  isem[b]).wait()

    def fire_gather(b):
        for s in range(_NSUB):
            pltpu.async_copy(
                e_hbm.at[idx_v[b].at[pl.ds(s * _SUB, _SUB)]],
                rows_v[b].at[pl.ds(s * _SUB, _SUB)],
                gsem[b],
            )

    def drain_gather(b):
        pltpu.make_async_copy(e_hbm.at[pl.ds(0, _CHUNK)],
                              rows_v[b], gsem[b]).wait()

    seq_base = wid * (n_per_w // _CTX)

    def issue_store(g, b):
        for k in range(_K):
            pltpu.async_copy(rows_v[b].at[pl.ds(k * _CTX, _CTX)],
                             out_hbm.at[seq_base + g * _K + k],
                             osem[b])

    def wait_store(b):
        for k in range(_K):
            pltpu.make_async_copy(rows_v[b].at[pl.ds(k * _CTX, _CTX)],
                                  out_hbm.at[0], osem[b]).wait()

    for b in range(_NBUF):
        issue_idx(b, b)
    wait_idx(0)
    fire_gather(0)

    def outer(i, carry):
        g0 = i * _NBUF
        for b in range(_NBUF):
            g = g0 + b
            b1 = (b + 1) % _NBUF
            drain_gather(b)
            pl.when(g + _NBUF < steps)(lambda: issue_idx(g + _NBUF, b))
            pl.when(g >= _NBUF - 1)(lambda: wait_store(b1))

            def _fire():
                wait_idx(b1)
                fire_gather(b1)
            pl.when(g + 1 < steps)(_fire)

            def add_row(p, c):
                for j in range(_EG):
                    pv = p_v[p, pl.ds(j * _LANES, _LANES)]
                    for k in range(_K):
                        r = p + k * _CTX
                        rows_v[b][r, pl.ds(j * _LANES, _LANES)] = (
                            rows_v[b][r, pl.ds(j * _LANES, _LANES)] + pv
                        )
                return c

            lax.fori_loop(0, _CTX, add_row, 0)
            issue_store(g, b)
        return carry

    lax.fori_loop(0, steps // _NBUF, outer, 0)

    for b in range(1, _NBUF):
        wait_store(b)


def kernel(token_batch, E, P):
    batch, seq = token_batch.shape
    tb = token_batch.astype(jnp.int32)

    emb = pl.kernel(
        _emb_body,
        out_type=jax.ShapeDtypeStruct((batch, seq, _EMBED), jnp.float32),
        mesh=plsc.VectorSubcoreMesh(core_axis_name="c", subcore_axis_name="s"),
        scratch_types=(
            [pltpu.VMEM((_CTX, _EMBED), jnp.float32)]
            + [pltpu.VMEM((_CHUNK,), jnp.int32) for _ in range(_NBUF)]
            + [pltpu.VMEM((_CHUNK, _EMBED), jnp.float32) for _ in range(_NBUF)]
            + [pltpu.SemaphoreType.DMA for _ in range(3 * _NBUF)]
        ),
        compiler_params=pltpu.CompilerParams(use_tc_tiling_on_sc=False),
    )
    return emb(tb, E, P)

# --- scband reference (transcript-rebuilt; emitter-appended) ---
"""Pipeline reference for scband-embedding-layer-19035295056089 (READ-ONLY COPY).

The authoritative reference and input builder live on the scoring server;
editing this copy changes nothing except your own understanding.
"""

import jax, jax.numpy as jnp
import numpy as np

VOCAB = 1000000
EMBED = 64
CTX = 200
BATCH = 4096
SEQ = 200

def setup_inputs(seed: int = 0) -> dict:
    key = jax.random.key(seed)
    k1, k2, k3 = jax.random.split(key, 3)
    token_batch = jax.random.randint(k1, (BATCH, SEQ), 0, VOCAB, dtype=jnp.int64) if jax.config.jax_enable_x64 else jax.random.randint(k1, (BATCH, SEQ), 0, VOCAB, dtype=jnp.int32)
    E = jax.random.normal(k2, (VOCAB, EMBED), dtype=jnp.float32) * 0.02
    P = jax.random.normal(k3, (CTX, EMBED), dtype=jnp.float32) * 0.02
    return {"token_batch": token_batch, "E": E, "P": P}

def reference(token_batch, E, P):
    seq_len = token_batch.shape[1]
    positions = jnp.arange(CTX)[None, :]  # registered buffer [1, CTX]
    tok_emb = jnp.take(E, token_batch, axis=0)            # [B, S, D]
    pos_emb = jnp.take(P, positions[:, :seq_len], axis=0) # [1, S, D]
    X = tok_emb + pos_emb
    return X

if __name__ == "__main__":
    import jax
    _d = setup_inputs()
    print(jax.jit(kernel)(*tuple(_d.values())))

</pallas_src>

<mosaic_0001>
#map = affine_map<(d0, d1) -> (0, 0)>
#map1 = affine_map<(d0, d1) -> (0, 0, 0)>
module attributes {stable_mosaic.version = 14 : i64} {
  func.func @_emb_body(%arg0: i32, %arg1: i32, %arg2: memref<4096x200xi32, #tpu.memory_space<hbm>>, %arg3: memref<1000000x64xf32, #tpu.memory_space<hbm>>, %arg4: memref<200x64xf32, #tpu.memory_space<hbm>>, %arg5: memref<4096x200x64xf32, #tpu.memory_space<hbm>>, %arg6: memref<200x64xf32, #tpu.memory_space<vmem>>, %arg7: memref<400xi32, #tpu.memory_space<vmem>>, %arg8: memref<400xi32, #tpu.memory_space<vmem>>, %arg9: memref<400xi32, #tpu.memory_space<vmem>>, %arg10: memref<400xi32, #tpu.memory_space<vmem>>, %arg11: memref<400x64xf32, #tpu.memory_space<vmem>>, %arg12: memref<400x64xf32, #tpu.memory_space<vmem>>, %arg13: memref<400x64xf32, #tpu.memory_space<vmem>>, %arg14: memref<400x64xf32, #tpu.memory_space<vmem>>, %arg15: memref<!tpu.dma_semaphore, #tpu.memory_space<semaphore_mem>>, %arg16: memref<!tpu.dma_semaphore, #tpu.memory_space<semaphore_mem>>, %arg17: memref<!tpu.dma_semaphore, #tpu.memory_space<semaphore_mem>>, %arg18: memref<!tpu.dma_semaphore, #tpu.memory_space<semaphore_mem>>, %arg19: memref<!tpu.dma_semaphore, #tpu.memory_space<semaphore_mem>>, %arg20: memref<!tpu.dma_semaphore, #tpu.memory_space<semaphore_mem>>, %arg21: memref<!tpu.dma_semaphore, #tpu.memory_space<semaphore_mem>>, %arg22: memref<!tpu.dma_semaphore, #tpu.memory_space<semaphore_mem>>, %arg23: memref<!tpu.dma_semaphore, #tpu.memory_space<semaphore_mem>>, %arg24: memref<!tpu.dma_semaphore, #tpu.memory_space<semaphore_mem>>, %arg25: memref<!tpu.dma_semaphore, #tpu.memory_space<semaphore_mem>>, %arg26: memref<!tpu.dma_semaphore, #tpu.memory_space<semaphore_mem>>) attributes {dimension_semantics = [#tpu.dimension_semantics<core_parallel>, #tpu.dimension_semantics<subcore_parallel>], iteration_bounds = array<i64: 2, 16>, scalar_prefetch = 0 : i64, scratch_operands = 21 : i64, tpu.core_type = #tpu.core_type<sc_vector_subcore>, window_params = [{transform_indices = #map}, {transform_indices = #map}, {transform_indices = #map}, {transform_indices = #map1}]} {
    %mul3A = arith.constant 2 : i32
    %mul3A_0 = arith.muli %arg1, %mul3A : i32
    %add3A = arith.addi %mul3A_0, %arg0 : i32
    %mul3A_1 = arith.constant 128 : i32
    %mul3A_2 = arith.muli %add3A, %mul3A_1 : i32
    "tpu.region"() ({
      %run_scoped3A = tpu.sem_alloc : memref<!tpu.dma_semaphore, #tpu.memory_space<semaphore_mem>>
      tpu.enqueue_dma source(%arg4 : memref<200x64xf32, #tpu.memory_space<hbm>>) target(%arg6 : memref<200x64xf32, #tpu.memory_space<vmem>>) target_semaphore(%run_scoped3A : memref<!tpu.dma_semaphore, #tpu.memory_space<semaphore_mem>>)
      tpu.wait_dma2 semaphore(%run_scoped3A : memref<!tpu.dma_semaphore, #tpu.memory_space<semaphore_mem>>) src(%arg4 : memref<200x64xf32, #tpu.memory_space<hbm>>) dst(%arg6 : memref<200x64xf32, #tpu.memory_space<vmem>>)
      tpu.yield
    }) : () -> ()
    %mul3A_3 = arith.constant 128 : i32
    %mul3A_4 = arith.muli %add3A, %mul3A_3 : i32
    %add3A_5 = arith.constant 0 : i32
    %add3A_6 = arith.addi %mul3A_2, %add3A_5 : i32
    %add3A_7 = arith.constant 0 : i32
    %add3A_8 = arith.addi %add3A_6, %add3A_7 : i32
    %dma_start3A = arith.constant 0 : i32
    %dma_start3A_9 = tpu.memref_slice %arg7[%dma_start3A] : memref<400xi32, #tpu.memory_space<vmem>> -> memref<200xi32, #tpu.memory_space<vmem>>
    %dma_start3A_10 = arith.constant 0 : i32
    %dma_start3A_11 = tpu.memref_slice %arg2[%add3A_8, %dma_start3A_10] : memref<4096x200xi32, #tpu.memory_space<hbm>> -> memref<1x200xi32, #tpu.memory_space<hbm>>
    %dma_start3A_12 = tpu.memref_squeeze %dma_start3A_11 : memref<1x200xi32, #tpu.memory_space<hbm>> -> memref<200xi32, #tpu.memory_space<hbm>>
    %dma_start3A_13 = arith.constant 0 : i32
    %dma_start3A_14 = tpu.memref_slice %arg7[%dma_start3A_13] : memref<400xi32, #tpu.memory_space<vmem>> -> memref<200xi32, #tpu.memory_space<vmem>>
    %dma_start3A_15 = arith.constant 0 : i32
    %dma_start3A_16 = tpu.memref_slice %arg2[%add3A_8, %dma_start3A_15] : memref<4096x200xi32, #tpu.memory_space<hbm>> -> memref<1x200xi32, #tpu.memory_space<hbm>>
    %dma_start3A_17 = tpu.memref_squeeze %dma_start3A_16 : memref<1x200xi32, #tpu.memory_space<hbm>> -> memref<200xi32, #tpu.memory_space<hbm>>
    tpu.enqueue_dma source(%dma_start3A_17 : memref<200xi32, #tpu.memory_space<hbm>>) target(%dma_start3A_14 : memref<200xi32, #tpu.memory_space<vmem>>) target_semaphore(%arg15 : memref<!tpu.dma_semaphore, #tpu.memory_space<semaphore_mem>>)
    %add3A_18 = arith.constant 0 : i32
    %add3A_19 = arith.addi %mul3A_2, %add3A_18 : i32
    %add3A_20 = arith.constant 1 : i32
    %add3A_21 = arith.addi %add3A_19, %add3A_20 : i32
    %dma_start3A_22 = arith.constant 200 : i32
    %dma_start3A_23 = tpu.memref_slice %arg7[%dma_start3A_22] : memref<400xi32, #tpu.memory_space<vmem>> -> memref<200xi32, #tpu.memory_space<vmem>>
    %dma_start3A_24 = arith.constant 0 : i32
    %dma_start3A_25 = tpu.memref_slice %arg2[%add3A_21, %dma_start3A_24] : memref<4096x200xi32, #tpu.memory_space<hbm>> -> memref<1x200xi32, #tpu.memory_space<hbm>>
    %dma_start3A_26 = tpu.memref_squeeze %dma_start3A_25 : memref<1x200xi32, #tpu.memory_space<hbm>> -> memref<200xi32, #tpu.memory_space<hbm>>
    %dma_start3A_27 = arith.constant 200 : i32
    %dma_start3A_28 = tpu.memref_slice %arg7[%dma_start3A_27] : memref<400xi32, #tpu.memory_space<vmem>> -> memref<200xi32, #tpu.memory_space<vmem>>
    %dma_start3A_29 = arith.constant 0 : i32
    %dma_start3A_30 = tpu.memref_slice %arg2[%add3A_21, %dma_start3A_29] : memref<4096x200xi32, #tpu.memory_space<hbm>> -> memref<1x200xi32, #tpu.memory_space<hbm>>
    %dma_start3A_31 = tpu.memref_squeeze %dma_start3A_30 : memref<1x200xi32, #tpu.memory_space<hbm>> -> memref<200xi32, #tpu.memory_space<hbm>>
    tpu.enqueue_dma source(%dma_start3A_31 : memref<200xi32, #tpu.memory_space<hbm>>) target(%dma_start3A_28 : memref<200xi32, #tpu.memory_space<vmem>>) target_semaphore(%arg15 : memref<!tpu.dma_semaphore, #tpu.memory_space<semaphore_mem>>)
    %add3A_32 = arith.constant 2 : i32
    %add3A_33 = arith.addi %mul3A_2, %add3A_32 : i32
    %add3A_34 = arith.constant 0 : i32
    %add3A_35 = arith.addi %add3A_33, %add3A_34 : i32
    %dma_start3A_36 = arith.constant 0 : i32
    %dma_start3A_37 = tpu.memref_slice %arg8[%dma_start3A_36] : memref<400xi32, #tpu.memory_space<vmem>> -> memref<200xi32, #tpu.memory_space<vmem>>
    %dma_start3A_38 = arith.constant 0 : i32
    %dma_start3A_39 = tpu.memref_slice %arg2[%add3A_35, %dma_start3A_38] : memref<4096x200xi32, #tpu.memory_space<hbm>> -> memref<1x200xi32, #tpu.memory_space<hbm>>
    %dma_start3A_40 = tpu.memref_squeeze %dma_start3A_39 : memref<1x200xi32, #tpu.memory_space<hbm>> -> memref<200xi32, #tpu.memory_space<hbm>>
    %dma_start3A_41 = arith.constant 0 : i32
    %dma_start3A_42 = tpu.memref_slice %arg8[%dma_start3A_41] : memref<400xi32, #tpu.memory_space<vmem>> -> memref<200xi32, #tpu.memory_space<vmem>>
    %dma_start3A_43 = arith.constant 0 : i32
    %dma_start3A_44 = tpu.memref_slice %arg2[%add3A_35, %dma_start3A_43] : memref<4096x200xi32, #tpu.memory_space<hbm>> -> memref<1x200xi32, #tpu.memory_space<hbm>>
    %dma_start3A_45 = tpu.memref_squeeze %dma_start3A_44 : memref<1x200xi32, #tpu.memory_space<hbm>> -> memref<200xi32, #tpu.memory_space<hbm>>
    tpu.enqueue_dma source(%dma_start3A_45 : memref<200xi32, #tpu.memory_space<hbm>>) target(%dma_start3A_42 : memref<200xi32, #tpu.memory_space<vmem>>) target_semaphore(%arg16 : memref<!tpu.dma_semaphore, #tpu.memory_space<semaphore_mem>>)
    %add3A_46 = arith.constant 2 : i32
    %add3A_47 = arith.addi %mul3A_2, %add3A_46 : i32
    %add3A_48 = arith.constant 1 : i32
    %add3A_49 = arith.addi %add3A_47, %add3A_48 : i32
    %dma_start3A_50 = arith.constant 200 : i32
    %dma_start3A_51 = tpu.memref_slice %arg8[%dma_start3A_50] : memref<400xi32, #tpu.memory_space<vmem>> -> memref<200xi32, #tpu.memory_space<vmem>>
    %dma_start3A_52 = arith.constant 0 : i32
    %dma_start3A_53 = tpu.memref_slice %arg2[%add3A_49, %dma_start3A_52] : memref<4096x200xi32, #tpu.memory_space<hbm>> -> memref<1x200xi32, #tpu.memory_space<hbm>>
    %dma_start3A_54 = tpu.memref_squeeze %dma_start3A_53 : memref<1x200xi32, #tpu.memory_space<hbm>> -> memref<200xi32, #tpu.memory_space<hbm>>
    %dma_start3A_55 = arith.constant 200 : i32
    %dma_start3A_56 = tpu.memref_slice %arg8[%dma_start3A_55] : memref<400xi32, #tpu.memory_space<vmem>> -> memref<200xi32, #tpu.memory_space<vmem>>
    %dma_start3A_57 = arith.constant 0 : i32
    %dma_start3A_58 = tpu.memref_slice %arg2[%add3A_49, %dma_start3A_57] : memref<4096x200xi32, #tpu.memory_space<hbm>> -> memref<1x200xi32, #tpu.memory_space<hbm>>
    %dma_start3A_59 = tpu.memref_squeeze %dma_start3A_58 : memref<1x200xi32, #tpu.memory_space<hbm>> -> memref<200xi32, #tpu.memory_space<hbm>>
    tpu.enqueue_dma source(%dma_start3A_59 : memref<200xi32, #tpu.memory_space<hbm>>) target(%dma_start3A_56 : memref<200xi32, #tpu.memory_space<vmem>>) target_semaphore(%arg16 : memref<!tpu.dma_semaphore, #tpu.memory_space<semaphore_mem>>)
    %add3A_60 = arith.constant 4 : i32
    %add3A_61 = arith.addi %mul3A_2, %add3A_60 : i32
    %add3A_62 = arith.constant 0 : i32
    %add3A_63 = arith.addi %add3A_61, %add3A_62 : i32
    %dma_start3A_64 = arith.constant 0 : i32
    %dma_start3A_65 = tpu.memref_slice %arg9[%dma_start3A_64] : memref<400xi32, #tpu.memory_space<vmem>> -> memref<200xi32, #tpu.memory_space<vmem>>
    %dma_start3A_66 = arith.constant 0 : i32
    %dma_start3A_67 = tpu.memref_slice %arg2[%add3A_63, %dma_start3A_66] : memref<4096x200xi32, #tpu.memory_space<hbm>> -> memref<1x200xi32, #tpu.memory_space<hbm>>
    %dma_start3A_68 = tpu.memref_squeeze %dma_start3A_67 : memref<1x200xi32, #tpu.memory_space<hbm>> -> memref<200xi32, #tpu.memory_space<hbm>>
    %dma_start3A_69 = arith.constant 0 : i32
    %dma_start3A_70 = tpu.memref_slice %arg9[%dma_start3A_69] : memref<400xi32, #tpu.memory_space<vmem>> -> memref<200xi32, #tpu.memory_space<vmem>>
    %dma_start3A_71 = arith.constant 0 : i32
    %dma_start3A_72 = tpu.memref_slice %arg2[%add3A_63, %dma_start3A_71] : memref<4096x200xi32, #tpu.memory_space<hbm>> -> memref<1x200xi32, #tpu.memory_space<hbm>>
    %dma_start3A_73 = tpu.memref_squeeze %dma_start3A_72 : memref<1x200xi32, #tpu.memory_space<hbm>> -> memref<200xi32, #tpu.memory_space<hbm>>
    tpu.enqueue_dma source(%dma_start3A_73 : memref<200xi32, #tpu.memory_space<hbm>>) target(%dma_start3A_70 : memref<200xi32, #tpu.memory_space<vmem>>) target_semaphore(%arg17 : memref<!tpu.dma_semaphore, #tpu.memory_space<semaphore_mem>>)
    %add3A_74 = arith.constant 4 : i32
    %add3A_75 = arith.addi %mul3A_2, %add3A_74 : i32
    %add3A_76 = arith.constant 1 : i32
    %add3A_77 = arith.addi %add3A_75, %add3A_76 : i32
    %dma_start3A_78 = arith.constant 200 : i32
    %dma_start3A_79 = tpu.memref_slice %arg9[%dma_start3A_78] : memref<400xi32, #tpu.memory_space<vmem>> -> memref<200xi32, #tpu.memory_space<vmem>>
    %dma_start3A_80 = arith.constant 0 : i32
    %dma_start3A_81 = tpu.memref_slice %arg2[%add3A_77, %dma_start3A_80] : memref<4096x200xi32, #tpu.memory_space<hbm>> -> memref<1x200xi32, #tpu.memory_space<hbm>>
    %dma_start3A_82 = tpu.memref_squeeze %dma_start3A_81 : memref<1x200xi32, #tpu.memory_space<hbm>> -> memref<200xi32, #tpu.memory_space<hbm>>
    %dma_start3A_83 = arith.constant 200 : i32
    %dma_start3A_84 = tpu.memref_slice %arg9[%dma_start3A_83] : memref<400xi32, #tpu.memory_space<vmem>> -> memref<200xi32, #tpu.memory_space<vmem>>
    %dma_start3A_85 = arith.constant 0 : i32
    %dma_start3A_86 = tpu.memref_slice %arg2[%add3A_77, %dma_start3A_85] : memref<4096x200xi32, #tpu.memory_space<hbm>> -> memref<1x200xi32, #tpu.memory_space<hbm>>
    %dma_start3A_87 = tpu.memref_squeeze %dma_start3A_86 : memref<1x200xi32, #tpu.memory_space<hbm>> -> memref<200xi32, #tpu.memory_space<hbm>>
    tpu.enqueue_dma source(%dma_start3A_87 : memref<200xi32, #tpu.memory_space<hbm>>) target(%dma_start3A_84 : memref<200xi32, #tpu.memory_space<vmem>>) target_semaphore(%arg17 : memref<!tpu.dma_semaphore, #tpu.memory_space<semaphore_mem>>)
    %add3A_88 = arith.constant 6 : i32
    %add3A_89 = arith.addi %mul3A_2, %add3A_88 : i32
    %add3A_90 = arith.constant 0 : i32
    %add3A_91 = arith.addi %add3A_89, %add3A_90 : i32
    %dma_start3A_92 = arith.constant 0 : i32
    %dma_start3A_93 = tpu.memref_slice %arg10[%dma_start3A_92] : memref<400xi32, #tpu.memory_space<vmem>> -> memref<200xi32, #tpu.memory_space<vmem>>
    %dma_start3A_94 = arith.constant 0 : i32
    %dma_start3A_95 = tpu.memref_slice %arg2[%add3A_91, %dma_start3A_94] : memref<4096x200xi32, #tpu.memory_space<hbm>> -> memref<1x200xi32, #tpu.memory_space<hbm>>
    %dma_start3A_96 = tpu.memref_squeeze %dma_start3A_95 : memref<1x200xi32, #tpu.memory_space<hbm>> -> memref<200xi32, #tpu.memory_space<hbm>>
    %dma_start3A_97 = arith.constant 0 : i32
    %dma_start3A_98 = tpu.memref_slice %arg10[%dma_start3A_97] : memref<400xi32, #tpu.memory_space<vmem>> -> memref<200xi32, #tpu.memory_space<vmem>>
    %dma_start3A_99 = arith.constant 0 : i32
    %dma_start3A_100 = tpu.memref_slice %arg2[%add3A_91, %dma_start3A_99] : memref<4096x200xi32, #tpu.memory_space<hbm>> -> memref<1x200xi32, #tpu.memory_space<hbm>>
    %dma_start3A_101 = tpu.memref_squeeze %dma_start3A_100 : memref<1x200xi32, #tpu.memory_space<hbm>> -> memref<200xi32, #tpu.memory_space<hbm>>
    tpu.enqueue_dma source(%dma_start3A_101 : memref<200xi32, #tpu.memory_space<hbm>>) target(%dma_start3A_98 : memref<200xi32, #tpu.memory_space<vmem>>) target_semaphore(%arg18 : memref<!tpu.dma_semaphore, #tpu.memory_space<semaphore_mem>>)
    %add3A_102 = arith.constant 6 : i32
    %add3A_103 = arith.addi %mul3A_2, %add3A_102 : i32
    %add3A_104 = arith.constant 1 : i32
    %add3A_105 = arith.addi %add3A_103, %add3A_104 : i32
    %dma_start3A_106 = arith.constant 200 : i32
    %dma_start3A_107 = tpu.memref_slice %arg10[%dma_start3A_106] : memref<400xi32, #tpu.memory_space<vmem>> -> memref<200xi32, #tpu.memory_space<vmem>>
    %dma_start3A_108 = arith.constant 0 : i32
    %dma_start3A_109 = tpu.memref_slice %arg2[%add3A_105, %dma_start3A_108] : memref<4096x200xi32, #tpu.memory_space<hbm>> -> memref<1x200xi32, #tpu.memory_space<hbm>>
    %dma_start3A_110 = tpu.memref_squeeze %dma_start3A_109 : memref<1x200xi32, #tpu.memory_space<hbm>> -> memref<200xi32, #tpu.memory_space<hbm>>
    %dma_start3A_111 = arith.constant 200 : i32
    %dma_start3A_112 = tpu.memref_slice %arg10[%dma_start3A_111] : memref<400xi32, #tpu.memory_space<vmem>> -> memref<200xi32, #tpu.memory_space<vmem>>
    %dma_start3A_113 = arith.constant 0 : i32
    %dma_start3A_114 = tpu.memref_slice %arg2[%add3A_105, %dma_start3A_113] : memref<4096x200xi32, #tpu.memory_space<hbm>> -> memref<1x200xi32, #tpu.memory_space<hbm>>
    %dma_start3A_115 = tpu.memref_squeeze %dma_start3A_114 : memref<1x200xi32, #tpu.memory_space<hbm>> -> memref<200xi32, #tpu.memory_space<hbm>>
    tpu.enqueue_dma source(%dma_start3A_115 : memref<200xi32, #tpu.memory_space<hbm>>) target(%dma_start3A_112 : memref<200xi32, #tpu.memory_space<vmem>>) target_semaphore(%arg18 : memref<!tpu.dma_semaphore, #tpu.memory_space<semaphore_mem>>)
    %dma_wait3A = arith.constant 0 : i32
    %dma_wait3A_116 = arith.constant 0 : i32
    %dma_wait3A_117 = tpu.memref_slice %arg7[%dma_wait3A_116] : memref<400xi32, #tpu.memory_space<vmem>> -> memref<200xi32, #tpu.memory_space<vmem>>
    %dma_wait3A_118 = arith.constant 0 : i32
    %dma_wait3A_119 = tpu.memref_slice %arg2[%dma_wait3A, %dma_wait3A_118] : memref<4096x200xi32, #tpu.memory_space<hbm>> -> memref<1x200xi32, #tpu.memory_space<hbm>>
    %dma_wait3A_120 = tpu.memref_squeeze %dma_wait3A_119 : memref<1x200xi32, #tpu.memory_space<hbm>> -> memref<200xi32, #tpu.memory_space<hbm>>
    %dma_wait3A_121 = arith.constant 0 : i32
    %dma_wait3A_122 = tpu.memref_slice %arg7[%dma_wait3A_121] : memref<400xi32, #tpu.memory_space<vmem>> -> memref<200xi32, #tpu.memory_space<vmem>>
    %dma_wait3A_123 = arith.constant 0 : i32
    %dma_wait3A_124 = tpu.memref_slice %arg2[%dma_wait3A, %dma_wait3A_123] : memref<4096x200xi32, #tpu.memory_space<hbm>> -> memref<1x200xi32, #tpu.memory_space<hbm>>
    %dma_wait3A_125 = tpu.memref_squeeze %dma_wait3A_124 : memref<1x200xi32, #tpu.memory_space<hbm>> -> memref<200xi32, #tpu.memory_space<hbm>>
    tpu.wait_dma2 semaphore(%arg15 : memref<!tpu.dma_semaphore, #tpu.memory_space<semaphore_mem>>) src(%dma_wait3A_125 : memref<200xi32, #tpu.memory_space<hbm>>) dst(%dma_wait3A_122 : memref<200xi32, #tpu.memory_space<vmem>>)
    %dma_wait3A_126 = arith.constant 0 : i32
    %dma_wait3A_127 = arith.constant 200 : i32
    %dma_wait3A_128 = tpu.memref_slice %arg7[%dma_wait3A_127] : memref<400xi32, #tpu.memory_space<vmem>> -> memref<200xi32, #tpu.memory_space<vmem>>
    %dma_wait3A_129 = arith.constant 0 : i32
    %dma_wait3A_130 = tpu.memref_slice %arg2[%dma_wait3A_126, %dma_wait3A_129] : memref<4096x200xi32, #tpu.memory_space<hbm>> -> memref<1x200xi32, #tpu.memory_space<hbm>>
    %dma_wait3A_131 = tpu.memref_squeeze %dma_wait3A_130 : memref<1x200xi32, #tpu.memory_space<hbm>> -> memref<200xi32, #tpu.memory_space<hbm>>
    %dma_wait3A_132 = arith.constant 200 : i32
    %dma_wait3A_133 = tpu.memref_slice %arg7[%dma_wait3A_132] : memref<400xi32, #tpu.memory_space<vmem>> -> memref<200xi32, #tpu.memory_space<vmem>>
    %dma_wait3A_134 = arith.constant 0 : i32
    %dma_wait3A_135 = tpu.memref_slice %arg2[%dma_wait3A_126, %dma_wait3A_134] : memref<4096x200xi32, #tpu.memory_space<hbm>> -> memref<1x200xi32, #tpu.memory_space<hbm>>
    %dma_wait3A_136 = tpu.memref_squeeze %dma_wait3A_135 : memref<1x200xi32, #tpu.memory_space<hbm>> -> memref<200xi32, #tpu.memory_space<hbm>>
    tpu.wait_dma2 semaphore(%arg15 : memref<!tpu.dma_semaphore, #tpu.memory_space<semaphore_mem>>) src(%dma_wait3A_136 : memref<200xi32, #tpu.memory_space<hbm>>) dst(%dma_wait3A_133 : memref<200xi32, #tpu.memory_space<vmem>>)
    %dma_start3A_137 = arith.constant 0 : i32
    %dma_start3A_138 = arith.constant 0 : i32
    %dma_start3A_139 = tpu.memref_slice %arg11[%dma_start3A_137, %dma_start3A_138] : memref<400x64xf32, #tpu.memory_space<vmem>> -> memref<80x64xf32, #tpu.memory_space<vmem>>
    %dma_start3A_140 = arith.constant 0 : i32
    %dma_start3A_141 = tpu.memref_slice %arg7[%dma_start3A_140] : memref<400xi32, #tpu.memory_space<vmem>> -> memref<80xi32, #tpu.memory_space<vmem>>
    %dma_start3A_142 = arith.constant 0 : i32
    %dma_start3A_143 = arith.constant 0 : i32
    %dma_start3A_144 = tpu.memref_slice %arg3[%dma_start3A_142, %dma_start3A_143] : memref<1000000x64xf32, #tpu.memory_space<hbm>> -> memref<1000000x64xf32, #tpu.memory_space<hbm>>
    tpu.enqueue_indirect_dma source(%dma_start3A_144 : memref<1000000x64xf32, #tpu.memory_space<hbm>>) target(%dma_start3A_139 : memref<80x64xf32, #tpu.memory_space<vmem>>) offsets(%dma_start3A_141 : memref<80xi32, #tpu.memory_space<vmem>>) semaphore(%arg19 : memref<!tpu.dma_semaphore, #tpu.memory_space<semaphore_mem>>)
    %dma_start3A_145 = arith.constant 80 : i32
    %dma_start3A_146 = arith.constant 0 : i32
    %dma_start3A_147 = tpu.memref_slice %arg11[%dma_start3A_145, %dma_start3A_146] : memref<400x64xf32, #tpu.memory_space<vmem>> -> memref<80x64xf32, #tpu.memory_space<vmem>>
    %dma_start3A_148 = arith.constant 80 : i32
    %dma_start3A_149 = tpu.memref_slice %arg7[%dma_start3A_148] : memref<400xi32, #tpu.memory_space<vmem>> -> memref<80xi32, #tpu.memory_space<vmem>>
    %dma_start3A_150 = arith.constant 0 : i32
    %dma_start3A_151 = arith.constant 0 : i32
    %dma_start3A_152 = tpu.memref_slice %arg3[%dma_start3A_150, %dma_start3A_151] : memref<1000000x64xf32, #tpu.memory_space<hbm>> -> memref<1000000x64xf32, #tpu.memory_space<hbm>>
    tpu.enqueue_indirect_dma source(%dma_start3A_152 : memref<1000000x64xf32, #tpu.memory_space<hbm>>) target(%dma_start3A_147 : memref<80x64xf32, #tpu.memory_space<vmem>>) offsets(%dma_start3A_149 : memref<80xi32, #tpu.memory_space<vmem>>) semaphore(%arg19 : memref<!tpu.dma_semaphore, #tpu.memory_space<semaphore_mem>>)
    %dma_start3A_153 = arith.constant 160 : i32
    %dma_start3A_154 = arith.constant 0 : i32
    %dma_start3A_155 = tpu.memref_slice %arg11[%dma_start3A_153, %dma_start3A_154] : memref<400x64xf32, #tpu.memory_space<vmem>> -> memref<80x64xf32, #tpu.memory_space<vmem>>
    %dma_start3A_156 = arith.constant 160 : i32
    %dma_start3A_157 = tpu.memref_slice %arg7[%dma_start3A_156] : memref<400xi32, #tpu.memory_space<vmem>> -> memref<80xi32, #tpu.memory_space<vmem>>
    %dma_start3A_158 = arith.constant 0 : i32
    %dma_start3A_159 = arith.constant 0 : i32
    %dma_start3A_160 = tpu.memref_slice %arg3[%dma_start3A_158, %dma_start3A_159] : memref<1000000x64xf32, #tpu.memory_space<hbm>> -> memref<1000000x64xf32, #tpu.memory_space<hbm>>
    tpu.enqueue_indirect_dma source(%dma_start3A_160 : memref<1000000x64xf32, #tpu.memory_space<hbm>>) target(%dma_start3A_155 : memref<80x64xf32, #tpu.memory_space<vmem>>) offsets(%dma_start3A_157 : memref<80xi32, #tpu.memory_space<vmem>>) semaphore(%arg19 : memref<!tpu.dma_semaphore, #tpu.memory_space<semaphore_mem>>)
    %dma_start3A_161 = arith.constant 240 : i32
    %dma_start3A_162 = arith.constant 0 : i32
    %dma_start3A_163 = tpu.memref_slice %arg11[%dma_start3A_161, %dma_start3A_162] : memref<400x64xf32, #tpu.memory_space<vmem>> -> memref<80x64xf32, #tpu.memory_space<vmem>>
    %dma_start3A_164 = arith.constant 240 : i32
    %dma_start3A_165 = tpu.memref_slice %arg7[%dma_start3A_164] : memref<400xi32, #tpu.memory_space<vmem>> -> memref<80xi32, #tpu.memory_space<vmem>>
    %dma_start3A_166 = arith.constant 0 : i32
    %dma_start3A_167 = arith.constant 0 : i32
    %dma_start3A_168 = tpu.memref_slice %arg3[%dma_start3A_166, %dma_start3A_167] : memref<1000000x64xf32, #tpu.memory_space<hbm>> -> memref<1000000x64xf32, #tpu.memory_space<hbm>>
    tpu.enqueue_indirect_dma source(%dma_start3A_168 : memref<1000000x64xf32, #tpu.memory_space<hbm>>) target(%dma_start3A_163 : memref<80x64xf32, #tpu.memory_space<vmem>>) offsets(%dma_start3A_165 : memref<80xi32, #tpu.memory_space<vmem>>) semaphore(%arg19 : memref<!tpu.dma_semaphore, #tpu.memory_space<semaphore_mem>>)
    %dma_start3A_169 = arith.constant 320 : i32
    %dma_start3A_170 = arith.constant 0 : i32
    %dma_start3A_171 = tpu.memref_slice %arg11[%dma_start3A_169, %dma_start3A_170] : memref<400x64xf32, #tpu.memory_space<vmem>> -> memref<80x64xf32, #tpu.memory_space<vmem>>
    %dma_start3A_172 = arith.constant 320 : i32
    %dma_start3A_173 = tpu.memref_slice %arg7[%dma_start3A_172] : memref<400xi32, #tpu.memory_space<vmem>> -> memref<80xi32, #tpu.memory_space<vmem>>
    %dma_start3A_174 = arith.constant 0 : i32
    %dma_start3A_175 = arith.constant 0 : i32
    %dma_start3A_176 = tpu.memref_slice %arg3[%dma_start3A_174, %dma_start3A_175] : memref<1000000x64xf32, #tpu.memory_space<hbm>> -> memref<1000000x64xf32, #tpu.memory_space<hbm>>
    tpu.enqueue_indirect_dma source(%dma_start3A_176 : memref<1000000x64xf32, #tpu.memory_space<hbm>>) target(%dma_start3A_171 : memref<80x64xf32, #tpu.memory_space<vmem>>) offsets(%dma_start3A_173 : memref<80xi32, #tpu.memory_space<vmem>>) semaphore(%arg19 : memref<!tpu.dma_semaphore, #tpu.memory_space<semaphore_mem>>)
    %scan3A = arith.constant 0 : i32
    %scan3A_177 = arith.constant 0 : i32
    %scan3A_178 = arith.constant 16 : i32
    %scan3A_179 = arith.addi %scan3A_177, %scan3A_178 : i32
    %scan3A_180 = arith.constant 1 : i32
    scf.for %scan3A_272 = %scan3A_177 to %scan3A_179 step %scan3A_180  : i32 {
      %mul3A_273 = arith.constant 4 : i32
      %mul3A_274 = arith.muli %scan3A_272, %mul3A_273 : i32
      %add3A_275 = arith.constant 0 : i32
      %add3A_276 = arith.addi %mul3A_274, %add3A_275 : i32
      %dma_wait3A_277 = arith.constant 0 : i32
      %dma_wait3A_278 = arith.constant 0 : i32
      %dma_wait3A_279 = tpu.memref_slice %arg3[%dma_wait3A_277, %dma_wait3A_278] : memref<1000000x64xf32, #tpu.memory_space<hbm>> -> memref<400x64xf32, #tpu.memory_space<hbm>>
      %dma_wait3A_280 = arith.constant 0 : i32
      %dma_wait3A_281 = arith.constant 0 : i32
      %dma_wait3A_282 = tpu.memref_slice %arg3[%dma_wait3A_280, %dma_wait3A_281] : memref<1000000x64xf32, #tpu.memory_space<hbm>> -> memref<400x64xf32, #tpu.memory_space<hbm>>
      tpu.wait_dma2 semaphore(%arg19 : memref<!tpu.dma_semaphore, #tpu.memory_space<semaphore_mem>>) src(%dma_wait3A_282 : memref<400x64xf32, #tpu.memory_space<hbm>>) dst(%arg11 : memref<400x64xf32, #tpu.memory_space<vmem>>)
      %add3A_283 = arith.constant 4 : i32
      %add3A_284 = arith.addi %add3A_276, %add3A_283 : i32
      %lt3A = arith.constant 64 : i32
      %lt3A_285 = arith.cmpi slt, %add3A_284, %lt3A : i32
      %convert_element_type3A = arith.extui %lt3A_285 : i1 to i32
      %cond3A = arith.constant 0 : i32
      %cond3A_286 = arith.cmpi ne, %convert_element_type3A, %cond3A : i32
      scf.if %cond3A_286 {
        %add3A_555 = arith.constant 4 : i32
        %add3A_556 = arith.addi %add3A_276, %add3A_555 : i32
        %mul3A_557 = arith.constant 2 : i32
        %mul3A_558 = arith.muli %add3A_556, %mul3A_557 : i32
        %add3A_559 = arith.addi %mul3A_2, %mul3A_558 : i32
        %add3A_560 = arith.constant 0 : i32
        %add3A_561 = arith.addi %add3A_559, %add3A_560 : i32
        %dma_start3A_562 = arith.constant 0 : i32
        %dma_start3A_563 = tpu.memref_slice %arg7[%dma_start3A_562] : memref<400xi32, #tpu.memory_space<vmem>> -> memref<200xi32, #tpu.memory_space<vmem>>
        %dma_start3A_564 = arith.constant 0 : i32
        %dma_start3A_565 = tpu.memref_slice %arg2[%add3A_561, %dma_start3A_564] : memref<4096x200xi32, #tpu.memory_space<hbm>> -> memref<1x200xi32, #tpu.memory_space<hbm>>
        %dma_start3A_566 = tpu.memref_squeeze %dma_start3A_565 : memref<1x200xi32, #tpu.memory_space<hbm>> -> memref<200xi32, #tpu.memory_space<hbm>>
        %dma_start3A_567 = arith.constant 0 : i32
        %dma_start3A_568 = tpu.memref_slice %arg7[%dma_start3A_567] : memref<400xi32, #tpu.memory_space<vmem>> -> memref<200xi32, #tpu.memory_space<vmem>>
        %dma_start3A_569 = arith.constant 0 : i32
        %dma_start3A_570 = tpu.memref_slice %arg2[%add3A_561, %dma_start3A_569] : memref<4096x200xi32, #tpu.memory_space<hbm>> -> memref<1x200xi32, #tpu.memory_space<hbm>>
        %dma_start3A_571 = tpu.memref_squeeze %dma_start3A_570 : memref<1x200xi32, #tpu.memory_space<hbm>> -> memref<200xi32, #tpu.memory_space<hbm>>
        tpu.enqueue_dma source(%dma_start3A_571 : memref<200xi32, #tpu.memory_space<hbm>>) target(%dma_start3A_568 : memref<200xi32, #tpu.memory_space<vmem>>) target_semaphore(%arg15 : memref<!tpu.dma_semaphore, #tpu.memory_space<semaphore_mem>>)
        %mul3A_572 = arith.constant 2 : i32
        %mul3A_573 = arith.muli %add3A_556, %mul3A_572 : i32
        %add3A_574 = arith.addi %mul3A_2, %mul3A_573 : i32
        %add3A_575 = arith.constant 1 : i32
        %add3A_576 = arith.addi %add3A_574, %add3A_575 : i32
        %dma_start3A_577 = arith.constant 200 : i32
        %dma_start3A_578 = tpu.memref_slice %arg7[%dma_start3A_577] : memref<400xi32, #tpu.memory_space<vmem>> -> memref<200xi32, #tpu.memory_space<vmem>>
        %dma_start3A_579 = arith.constant 0 : i32
        %dma_start3A_580 = tpu.memref_slice %arg2[%add3A_576, %dma_start3A_579] : memref<4096x200xi32, #tpu.memory_space<hbm>> -> memref<1x200xi32, #tpu.memory_space<hbm>>
        %dma_start3A_581 = tpu.memref_squeeze %dma_start3A_580 : memref<1x200xi32, #tpu.memory_space<hbm>> -> memref<200xi32, #tpu.memory_space<hbm>>
        %dma_start3A_582 = arith.constant 200 : i32
        %dma_start3A_583 = tpu.memref_slice %arg7[%dma_start3A_582] : memref<400xi32, #tpu.memory_space<vmem>> -> memref<200xi32, #tpu.memory_space<vmem>>
        %dma_start3A_584 = arith.constant 0 : i32
        %dma_start3A_585 = tpu.memref_slice %arg2[%add3A_576, %dma_start3A_584] : memref<4096x200xi32, #tpu.memory_space<hbm>> -> memref<1x200xi32, #tpu.memory_space<hbm>>
        %dma_start3A_586 = tpu.memref_squeeze %dma_start3A_585 : memref<1x200xi32, #tpu.memory_space<hbm>> -> memref<200xi32, #tpu.memory_space<hbm>>
        tpu.enqueue_dma source(%dma_start3A_586 : memref<200xi32, #tpu.memory_space<hbm>>) target(%dma_start3A_583 : memref<200xi32, #tpu.memory_space<vmem>>) target_semaphore(%arg15 : memref<!tpu.dma_semaphore, #tpu.memory_space<semaphore_mem>>)
      } else {
      }
      %ge3A = arith.constant 3 : i32
      %ge3A_287 = arith.cmpi sge, %add3A_276, %ge3A : i32
      %convert_element_type3A_288 = arith.extui %ge3A_287 : i1 to i32
      %cond3A_289 = arith.constant 0 : i32
      %cond3A_290 = arith.cmpi ne, %convert_element_type3A_288, %cond3A_289 : i32
      scf.if %cond3A_290 {
        %dma_wait3A_555 = arith.constant 0 : i32
        %dma_wait3A_556 = arith.constant 0 : i32
        %dma_wait3A_557 = arith.constant 0 : i32
        %dma_wait3A_558 = tpu.memref_slice %arg12[%dma_wait3A_556, %dma_wait3A_557] : memref<400x64xf32, #tpu.memory_space<vmem>> -> memref<200x64xf32, #tpu.memory_space<vmem>>
        %dma_wait3A_559 = arith.constant 0 : i32
        %dma_wait3A_560 = arith.constant 0 : i32
        %dma_wait3A_561 = tpu.memref_slice %arg5[%dma_wait3A_555, %dma_wait3A_559, %dma_wait3A_560] : memref<4096x200x64xf32, #tpu.memory_space<hbm>> -> memref<1x200x64xf32, #tpu.memory_space<hbm>>
        %dma_wait3A_562 = tpu.memref_squeeze %dma_wait3A_561 : memref<1x200x64xf32, #tpu.memory_space<hbm>> -> memref<200x64xf32, #tpu.memory_space<hbm>>
        %dma_wait3A_563 = arith.constant 0 : i32
        %dma_wait3A_564 = arith.constant 0 : i32
        %dma_wait3A_565 = tpu.memref_slice %arg5[%dma_wait3A_555, %dma_wait3A_563, %dma_wait3A_564] : memref<4096x200x64xf32, #tpu.memory_space<hbm>> -> memref<1x200x64xf32, #tpu.memory_space<hbm>>
        %dma_wait3A_566 = tpu.memref_squeeze %dma_wait3A_565 : memref<1x200x64xf32, #tpu.memory_space<hbm>> -> memref<200x64xf32, #tpu.memory_space<hbm>>
        %dma_wait3A_567 = arith.constant 0 : i32
        %dma_wait3A_568 = arith.constant 0 : i32
        %dma_wait3A_569 = tpu.memref_slice %arg12[%dma_wait3A_567, %dma_wait3A_568] : memref<400x64xf32, #tpu.memory_space<vmem>> -> memref<200x64xf32, #tpu.memory_space<vmem>>
        tpu.wait_dma2 semaphore(%arg24 : memref<!tpu.dma_semaphore, #tpu.memory_space<semaphore_mem>>) src(%dma_wait3A_569 : memref<200x64xf32, #tpu.memory_space<vmem>>) dst(%dma_wait3A_566 : memref<200x64xf32, #tpu.memory_space<hbm>>)
        %dma_wait3A_570 = arith.constant 0 : i32
        %dma_wait3A_571 = arith.constant 200 : i32
        %dma_wait3A_572 = arith.constant 0 : i32
        %dma_wait3A_573 = tpu.memref_slice %arg12[%dma_wait3A_571, %dma_wait3A_572] : memref<400x64xf32, #tpu.memory_space<vmem>> -> memref<200x64xf32, #tpu.memory_space<vmem>>
        %dma_wait3A_574 = arith.constant 0 : i32
        %dma_wait3A_575 = arith.constant 0 : i32
        %dma_wait3A_576 = tpu.memref_slice %arg5[%dma_wait3A_570, %dma_wait3A_574, %dma_wait3A_575] : memref<4096x200x64xf32, #tpu.memory_space<hbm>> -> memref<1x200x64xf32, #tpu.memory_space<hbm>>
        %dma_wait3A_577 = tpu.memref_squeeze %dma_wait3A_576 : memref<1x200x64xf32, #tpu.memory_space<hbm>> -> memref<200x64xf32, #tpu.memory_space<hbm>>
        %dma_wait3A_578 = arith.constant 0 : i32
        %dma_wait3A_579 = arith.constant 0 : i32
        %dma_wait3A_580 = tpu.memref_slice %arg5[%dma_wait3A_570, %dma_wait3A_578, %dma_wait3A_579] : memref<4096x200x64xf32, #tpu.memory_space<hbm>> -> memref<1x200x64xf32, #tpu.memory_space<hbm>>
        %dma_wait3A_581 = tpu.memref_squeeze %dma_wait3A_580 : memref<1x200x64xf32, #tpu.memory_space<hbm>> -> memref<200x64xf32, #tpu.memory_space<hbm>>
        %dma_wait3A_582 = arith.constant 200 : i32
        %dma_wait3A_583 = arith.constant 0 : i32
        %dma_wait3A_584 = tpu.memref_slice %arg12[%dma_wait3A_582, %dma_wait3A_583] : memref<400x64xf32, #tpu.memory_space<vmem>> -> memref<200x64xf32, #tpu.memory_space<vmem>>
        tpu.wait_dma2 semaphore(%arg24 : memref<!tpu.dma_semaphore, #tpu.memory_space<semaphore_mem>>) src(%dma_wait3A_584 : memref<200x64xf32, #tpu.memory_space<vmem>>) dst(%dma_wait3A_581 : memref<200x64xf32, #tpu.memory_space<hbm>>)
      } else {
      }
      %add3A_291 = arith.constant 1 : i32
      %add3A_292 = arith.addi %add3A_276, %add3A_291 : i32
      %lt3A_293 = arith.constant 64 : i32
      %lt3A_294 = arith.cmpi slt, %add3A_292, %lt3A_293 : i32
      %convert_element_type3A_295 = arith.extui %lt3A_294 : i1 to i32
      %cond3A_296 = arith.constant 0 : i32
      %cond3A_297 = arith.cmpi ne, %convert_element_type3A_295, %cond3A_296 : i32
      scf.if %cond3A_297 {
        %dma_wait3A_555 = arith.constant 0 : i32
        %dma_wait3A_556 = arith.constant 0 : i32
        %dma_wait3A_557 = tpu.memref_slice %arg8[%dma_wait3A_556] : memref<400xi32, #tpu.memory_space<vmem>> -> memref<200xi32, #tpu.memory_space<vmem>>
        %dma_wait3A_558 = arith.constant 0 : i32
        %dma_wait3A_559 = tpu.memref_slice %arg2[%dma_wait3A_555, %dma_wait3A_558] : memref<4096x200xi32, #tpu.memory_space<hbm>> -> memref<1x200xi32, #tpu.memory_space<hbm>>
        %dma_wait3A_560 = tpu.memref_squeeze %dma_wait3A_559 : memref<1x200xi32, #tpu.memory_space<hbm>> -> memref<200xi32, #tpu.memory_space<hbm>>
        %dma_wait3A_561 = arith.constant 0 : i32
        %dma_wait3A_562 = tpu.memref_slice %arg8[%dma_wait3A_561] : memref<400xi32, #tpu.memory_space<vmem>> -> memref<200xi32, #tpu.memory_space<vmem>>
        %dma_wait3A_563 = arith.constant 0 : i32
        %dma_wait3A_564 = tpu.memref_slice %arg2[%dma_wait3A_555, %dma_wait3A_563] : memref<4096x200xi32, #tpu.memory_space<hbm>> -> memref<1x200xi32, #tpu.memory_space<hbm>>
        %dma_wait3A_565 = tpu.memref_squeeze %dma_wait3A_564 : memref<1x200xi32, #tpu.memory_space<hbm>> -> memref<200xi32, #tpu.memory_space<hbm>>
        tpu.wait_dma2 semaphore(%arg16 : memref<!tpu.dma_semaphore, #tpu.memory_space<semaphore_mem>>) src(%dma_wait3A_565 : memref<200xi32, #tpu.memory_space<hbm>>) dst(%dma_wait3A_562 : memref<200xi32, #tpu.memory_space<vmem>>)
        %dma_wait3A_566 = arith.constant 0 : i32
        %dma_wait3A_567 = arith.constant 200 : i32
        %dma_wait3A_568 = tpu.memref_slice %arg8[%dma_wait3A_567] : memref<400xi32, #tpu.memory_space<vmem>> -> memref<200xi32, #tpu.memory_space<vmem>>
        %dma_wait3A_569 = arith.constant 0 : i32
        %dma_wait3A_570 = tpu.memref_slice %arg2[%dma_wait3A_566, %dma_wait3A_569] : memref<4096x200xi32, #tpu.memory_space<hbm>> -> memref<1x200xi32, #tpu.memory_space<hbm>>
        %dma_wait3A_571 = tpu.memref_squeeze %dma_wait3A_570 : memref<1x200xi32, #tpu.memory_space<hbm>> -> memref<200xi32, #tpu.memory_space<hbm>>
        %dma_wait3A_572 = arith.constant 200 : i32
        %dma_wait3A_573 = tpu.memref_slice %arg8[%dma_wait3A_572] : memref<400xi32, #tpu.memory_space<vmem>> -> memref<200xi32, #tpu.memory_space<vmem>>
        %dma_wait3A_574 = arith.constant 0 : i32
        %dma_wait3A_575 = tpu.memref_slice %arg2[%dma_wait3A_566, %dma_wait3A_574] : memref<4096x200xi32, #tpu.memory_space<hbm>> -> memref<1x200xi32, #tpu.memory_space<hbm>>
        %dma_wait3A_576 = tpu.memref_squeeze %dma_wait3A_575 : memref<1x200xi32, #tpu.memory_space<hbm>> -> memref<200xi32, #tpu.memory_space<hbm>>
        tpu.wait_dma2 semaphore(%arg16 : memref<!tpu.dma_semaphore, #tpu.memory_space<semaphore_mem>>) src(%dma_wait3A_576 : memref<200xi32, #tpu.memory_space<hbm>>) dst(%dma_wait3A_573 : memref<200xi32, #tpu.memory_space<vmem>>)
        %dma_start3A_577 = arith.constant 0 : i32
        %dma_start3A_578 = arith.constant 0 : i32
        %dma_start3A_579 = tpu.memref_slice %arg12[%dma_start3A_577, %dma_start3A_578] : memref<400x64xf32, #tpu.memory_space<vmem>> -> memref<80x64xf32, #tpu.memory_space<vmem>>
        %dma_start3A_580 = arith.constant 0 : i32
        %dma_start3A_581 = tpu.memref_slice %arg8[%dma_start3A_580] : memref<400xi32, #tpu.memory_space<vmem>> -> memref<80xi32, #tpu.memory_space<vmem>>
        %dma_start3A_582 = arith.constant 0 : i32
        %dma_start3A_583 = arith.constant 0 : i32
        %dma_start3A_584 = tpu.memref_slice %arg3[%dma_start3A_582, %dma_start3A_583] : memref<1000000x64xf32, #tpu.memory_space<hbm>> -> memref<1000000x64xf32, #tpu.memory_space<hbm>>
        tpu.enqueue_indirect_dma source(%dma_start3A_584 : memref<1000000x64xf32, #tpu.memory_space<hbm>>) target(%dma_start3A_579 : memref<80x64xf32, #tpu.memory_space<vmem>>) offsets(%dma_start3A_581 : memref<80xi32, #tpu.memory_space<vmem>>) semaphore(%arg20 : memref<!tpu.dma_semaphore, #tpu.memory_space<semaphore_mem>>)
        %dma_start3A_585 = arith.constant 80 : i32
        %dma_start3A_586 = arith.constant 0 : i32
        %dma_start3A_587 = tpu.memref_slice %arg12[%dma_start3A_585, %dma_start3A_586] : memref<400x64xf32, #tpu.memory_space<vmem>> -> memref<80x64xf32, #tpu.memory_space<vmem>>
        %dma_start3A_588 = arith.constant 80 : i32
        %dma_start3A_589 = tpu.memref_slice %arg8[%dma_start3A_588] : memref<400xi32, #tpu.memory_space<vmem>> -> memref<80xi32, #tpu.memory_space<vmem>>
        %dma_start3A_590 = arith.constant 0 : i32
        %dma_start3A_591 = arith.constant 0 : i32
        %dma_start3A_592 = tpu.memref_slice %arg3[%dma_start3A_590, %dma_start3A_591] : memref<1000000x64xf32, #tpu.memory_space<hbm>> -> memref<1000000x64xf32, #tpu.memory_space<hbm>>
        tpu.enqueue_indirect_dma source(%dma_start3A_592 : memref<1000000x64xf32, #tpu.memory_space<hbm>>) target(%dma_start3A_587 : memref<80x64xf32, #tpu.memory_space<vmem>>) offsets(%dma_start3A_589 : memref<80xi32, #tpu.memory_space<vmem>>) semaphore(%arg20 : memref<!tpu.dma_semaphore, #tpu.memory_space<semaphore_mem>>)
        %dma_start3A_593 = arith.constant 160 : i32
        %dma_start3A_594 = arith.constant 0 : i32
        %dma_start3A_595 = tpu.memref_slice %arg12[%dma_start3A_593, %dma_start3A_594] : memref<400x64xf32, #tpu.memory_space<vmem>> -> memref<80x64xf32, #tpu.memory_space<vmem>>
        %dma_start3A_596 = arith.constant 160 : i32
        %dma_start3A_597 = tpu.memref_slice %arg8[%dma_start3A_596] : memref<400xi32, #tpu.memory_space<vmem>> -> memref<80xi32, #tpu.memory_space<vmem>>
        %dma_start3A_598 = arith.constant 0 : i32
        %dma_start3A_599 = arith.constant 0 : i32
        %dma_start3A_600 = tpu.memref_slice %arg3[%dma_start3A_598, %dma_start3A_599] : memref<1000000x64xf32, #tpu.memory_space<hbm>> -> memref<1000000x64xf32, #tpu.memory_space<hbm>>
        tpu.enqueue_indirect_dma source(%dma_start3A_600 : memref<1000000x64xf32, #tpu.memory_space<hbm>>) target(%dma_start3A_595 : memref<80x64xf32, #tpu.memory_space<vmem>>) offsets(%dma_start3A_597 : memref<80xi32, #tpu.memory_space<vmem>>) semaphore(%arg20 : memref<!tpu.dma_semaphore, #tpu.memory_space<semaphore_mem>>)
        %dma_start3A_601 = arith.constant 240 : i32
        %dma_start3A_602 = arith.constant 0 : i32
        %dma_start3A_603 = tpu.memref_slice %arg12[%dma_start3A_601, %dma_start3A_602] : memref<400x64xf32, #tpu.memory_space<vmem>> -> memref<80x64xf32, #tpu.memory_space<vmem>>
        %dma_start3A_604 = arith.constant 240 : i32
        %dma_start3A_605 = tpu.memref_slice %arg8[%dma_start3A_604] : memref<400xi32, #tpu.memory_space<vmem>> -> memref<80xi32, #tpu.memory_space<vmem>>
        %dma_start3A_606 = arith.constant 0 : i32
        %dma_start3A_607 = arith.constant 0 : i32
        %dma_start3A_608 = tpu.memref_slice %arg3[%dma_start3A_606, %dma_start3A_607] : memref<1000000x64xf32, #tpu.memory_space<hbm>> -> memref<1000000x64xf32, #tpu.memory_space<hbm>>
        tpu.enqueue_indirect_dma source(%dma_start3A_608 : memref<1000000x64xf32, #tpu.memory_space<hbm>>) target(%dma_start3A_603 : memref<80x64xf32, #tpu.memory_space<vmem>>) offsets(%dma_start3A_605 : memref<80xi32, #tpu.memory_space<vmem>>) semaphore(%arg20 : memref<!tpu.dma_semaphore, #tpu.memory_space<semaphore_mem>>)
        %dma_start3A_609 = arith.constant 320 : i32
        %dma_start3A_610 = arith.constant 0 : i32
        %dma_start3A_611 = tpu.memref_slice %arg12[%dma_start3A_609, %dma_start3A_610] : memref<400x64xf32, #tpu.memory_space<vmem>> -> memref<80x64xf32, #tpu.memory_space<vmem>>
        %dma_start3A_612 = arith.constant 320 : i32
        %dma_start3A_613 = tpu.memref_slice %arg8[%dma_start3A_612] : memref<400xi32, #tpu.memory_space<vmem>> -> memref<80xi32, #tpu.memory_space<vmem>>
        %dma_start3A_614 = arith.constant 0 : i32
        %dma_start3A_615 = arith.constant 0 : i32
        %dma_start3A_616 = tpu.memref_slice %arg3[%dma_start3A_614, %dma_start3A_615] : memref<1000000x64xf32, #tpu.memory_space<hbm>> -> memref<1000000x64xf32, #tpu.memory_space<hbm>>
        tpu.enqueue_indirect_dma source(%dma_start3A_616 : memref<1000000x64xf32, #tpu.memory_space<hbm>>) target(%dma_start3A_611 : memref<80x64xf32, #tpu.memory_space<vmem>>) offsets(%dma_start3A_613 : memref<80xi32, #tpu.memory_space<vmem>>) semaphore(%arg20 : memref<!tpu.dma_semaphore, #tpu.memory_space<semaphore_mem>>)
      } else {
      }
      %scan3A_298 = arith.constant 0 : i32
      %scan3A_299 = arith.constant 0 : i32
      %scan3A_300 = arith.constant 200 : i32
      %scan3A_301 = arith.addi %scan3A_299, %scan3A_300 : i32
      %scan3A_302 = arith.constant 1 : i32
      scf.for %scan3A_555 = %scan3A_299 to %scan3A_301 step %scan3A_302  : i32 {
        %get3A = arith.index_cast %scan3A_555 : i32 to index
        %get3A_556 = arith.constant 0 : index
        %get3A_557 = tpu.vector_load %arg6[%get3A, %get3A_556] {strides = array<i32>} : memref<200x64xf32, #tpu.memory_space<vmem>>, vector<1x16xf32>,
        %get3A_558 = vector.shape_cast %get3A_557 : vector<1x16xf32> to vector<16xf32>
        %add3A_559 = arith.constant 0 : i32
        %add3A_560 = arith.addi %scan3A_555, %add3A_559 : i32
        %get3A_561 = arith.index_cast %add3A_560 : i32 to index
        %get3A_562 = arith.constant 0 : index
        %get3A_563 = tpu.vector_load %arg11[%get3A_561, %get3A_562] {strides = array<i32>} : memref<400x64xf32, #tpu.memory_space<vmem>>, vector<1x16xf32>,
        %get3A_564 = vector.shape_cast %get3A_563 : vector<1x16xf32> to vector<16xf32>
        %add3A_565 = arith.addf %get3A_564, %get3A_558 : vector<16xf32>
        %swap3A = arith.index_cast %add3A_560 : i32 to index
        %swap3A_566 = arith.constant 0 : index
        %swap3A_567 = tpu.vector_load %arg11[%swap3A, %swap3A_566] {strides = array<i32>} : memref<400x64xf32, #tpu.memory_space<vmem>>, vector<1x16xf32>,
        %swap3A_568 = vector.shape_cast %swap3A_567 : vector<1x16xf32> to vector<16xf32>
        %swap3A_569 = vector.shape_cast %add3A_565 : vector<16xf32> to vector<1x16xf32>
        tpu.vector_store %arg11[%swap3A, %swap3A_566], %swap3A_569 {strides = array<i32>} : memref<400x64xf32, #tpu.memory_space<vmem>>, vector<1x16xf32>,
        %add3A_570 = arith.constant 200 : i32
        %add3A_571 = arith.addi %scan3A_555, %add3A_570 : i32
        %get3A_572 = arith.index_cast %add3A_571 : i32 to index
        %get3A_573 = arith.constant 0 : index
        %get3A_574 = tpu.vector_load %arg11[%get3A_572, %get3A_573] {strides = array<i32>} : memref<400x64xf32, #tpu.memory_space<vmem>>, vector<1x16xf32>,
        %get3A_575 = vector.shape_cast %get3A_574 : vector<1x16xf32> to vector<16xf32>
        %add3A_576 = arith.addf %get3A_575, %get3A_558 : vector<16xf32>
        %swap3A_577 = arith.index_cast %add3A_571 : i32 to index
        %swap3A_578 = arith.constant 0 : index
        %swap3A_579 = tpu.vector_load %arg11[%swap3A_577, %swap3A_578] {strides = array<i32>} : memref<400x64xf32, #tpu.memory_space<vmem>>, vector<1x16xf32>,
        %swap3A_580 = vector.shape_cast %swap3A_579 : vector<1x16xf32> to vector<16xf32>
        %swap3A_581 = vector.shape_cast %add3A_576 : vector<16xf32> to vector<1x16xf32>
        tpu.vector_store %arg11[%swap3A_577, %swap3A_578], %swap3A_581 {strides = array<i32>} : memref<400x64xf32, #tpu.memory_space<vmem>>, vector<1x16xf32>,
        %get3A_582 = arith.index_cast %scan3A_555 : i32 to index
        %get3A_583 = arith.constant 16 : index
        %get3A_584 = tpu.vector_load %arg6[%get3A_582, %get3A_583] {strides = array<i32>} : memref<200x64xf32, #tpu.memory_space<vmem>>, vector<1x16xf32>,
        %get3A_585 = vector.shape_cast %get3A_584 : vector<1x16xf32> to vector<16xf32>
        %add3A_586 = arith.constant 0 : i32
        %add3A_587 = arith.addi %scan3A_555, %add3A_586 : i32
        %get3A_588 = arith.index_cast %add3A_587 : i32 to index
        %get3A_589 = arith.constant 16 : index
        %get3A_590 = tpu.vector_load %arg11[%get3A_588, %get3A_589] {strides = array<i32>} : memref<400x64xf32, #tpu.memory_space<vmem>>, vector<1x16xf32>,
        %get3A_591 = vector.shape_cast %get3A_590 : vector<1x16xf32> to vector<16xf32>
        %add3A_592 = arith.addf %get3A_591, %get3A_585 : vector<16xf32>
        %swap3A_593 = arith.index_cast %add3A_587 : i32 to index
        %swap3A_594 = arith.constant 16 : index
        %swap3A_595 = tpu.vector_load %arg11[%swap3A_593, %swap3A_594] {strides = array<i32>} : memref<400x64xf32, #tpu.memory_space<vmem>>, vector<1x16xf32>,
        %swap3A_596 = vector.shape_cast %swap3A_595 : vector<1x16xf32> to vector<16xf32>
        %swap3A_597 = vector.shape_cast %add3A_592 : vector<16xf32> to vector<1x16xf32>
        tpu.vector_store %arg11[%swap3A_593, %swap3A_594], %swap3A_597 {strides = array<i32>} : memref<400x64xf32, #tpu.memory_space<vmem>>, vector<1x16xf32>,
        %add3A_598 = arith.constant 200 : i32
        %add3A_599 = arith.addi %scan3A_555, %add3A_598 : i32
        %get3A_600 = arith.index_cast %add3A_599 : i32 to index
        %get3A_601 = arith.constant 16 : index
        %get3A_602 = tpu.vector_load %arg11[%get3A_600, %get3A_601] {strides = array<i32>} : memref<400x64xf32, #tpu.memory_space<vmem>>, vector<1x16xf32>,
        %get3A_603 = vector.shape_cast %get3A_602 : vector<1x16xf32> to vector<16xf32>
        %add3A_604 = arith.addf %get3A_603, %get3A_585 : vector<16xf32>
        %swap3A_605 = arith.index_cast %add3A_599 : i32 to index
        %swap3A_606 = arith.constant 16 : index
        %swap3A_607 = tpu.vector_load %arg11[%swap3A_605, %swap3A_606] {strides = array<i32>} : memref<400x64xf32, #tpu.memory_space<vmem>>, vector<1x16xf32>,
        %swap3A_608 = vector.shape_cast %swap3A_607 : vector<1x16xf32> to vector<16xf32>
        %swap3A_609 = vector.shape_cast %add3A_604 : vector<16xf32> to vector<1x16xf32>
        tpu.vector_store %arg11[%swap3A_605, %swap3A_606], %swap3A_609 {strides = array<i32>} : memref<400x64xf32, #tpu.memory_space<vmem>>, vector<1x16xf32>,
        %get3A_610 = arith.index_cast %scan3A_555 : i32 to index
        %get3A_611 = arith.constant 32 : index
        %get3A_612 = tpu.vector_load %arg6[%get3A_610, %get3A_611] {strides = array<i32>} : memref<200x64xf32, #tpu.memory_space<vmem>>, vector<1x16xf32>,
        %get3A_613 = vector.shape_cast %get3A_612 : vector<1x16xf32> to vector<16xf32>
        %add3A_614 = arith.constant 0 : i32
        %add3A_615 = arith.addi %scan3A_555, %add3A_614 : i32
        %get3A_616 = arith.index_cast %add3A_615 : i32 to index
        %get3A_617 = arith.constant 32 : index
        %get3A_618 = tpu.vector_load %arg11[%get3A_616, %get3A_617] {strides = array<i32>} : memref<400x64xf32, #tpu.memory_space<vmem>>, vector<1x16xf32>,
        %get3A_619 = vector.shape_cast %get3A_618 : vector<1x16xf32> to vector<16xf32>
        %add3A_620 = arith.addf %get3A_619, %get3A_613 : vector<16xf32>
        %swap3A_621 = arith.index_cast %add3A_615 : i32 to index
        %swap3A_622 = arith.constant 32 : index
        %swap3A_623 = tpu.vector_load %arg11[%swap3A_621, %swap3A_622] {strides = array<i32>} : memref<400x64xf32, #tpu.memory_space<vmem>>, vector<1x16xf32>,
        %swap3A_624 = vector.shape_cast %swap3A_623 : vector<1x16xf32> to vector<16xf32>
        %swap3A_625 = vector.shape_cast %add3A_620 : vector<16xf32> to vector<1x16xf32>
        tpu.vector_store %arg11[%swap3A_621, %swap3A_622], %swap3A_625 {strides = array<i32>} : memref<400x64xf32, #tpu.memory_space<vmem>>, vector<1x16xf32>,
        %add3A_626 = arith.constant 200 : i32
        %add3A_627 = arith.addi %scan3A_555, %add3A_626 : i32
        %get3A_628 = arith.index_cast %add3A_627 : i32 to index
        %get3A_629 = arith.constant 32 : index
        %get3A_630 = tpu.vector_load %arg11[%get3A_628, %get3A_629] {strides = array<i32>} : memref<400x64xf32, #tpu.memory_space<vmem>>, vector<1x16xf32>,
        %get3A_631 = vector.shape_cast %get3A_630 : vector<1x16xf32> to vector<16xf32>
        %add3A_632 = arith.addf %get3A_631, %get3A_613 : vector<16xf32>
        %swap3A_633 = arith.index_cast %add3A_627 : i32 to index
        %swap3A_634 = arith.constant 32 : index
        %swap3A_635 = tpu.vector_load %arg11[%swap3A_633, %swap3A_634] {strides = array<i32>} : memref<400x64xf32, #tpu.memory_space<vmem>>, vector<1x16xf32>,
        %swap3A_636 = vector.shape_cast %swap3A_635 : vector<1x16xf32> to vector<16xf32>
        %swap3A_637 = vector.shape_cast %add3A_632 : vector<16xf32> to vector<1x16xf32>
        tpu.vector_store %arg11[%swap3A_633, %swap3A_634], %swap3A_637 {strides = array<i32>} : memref<400x64xf32, #tpu.memory_space<vmem>>, vector<1x16xf32>,
        %get3A_638 = arith.index_cast %scan3A_555 : i32 to index
        %get3A_639 = arith.constant 48 : index
        %get3A_640 = tpu.vector_load %arg6[%get3A_638, %get3A_639] {strides = array<i32>} : memref<200x64xf32, #tpu.memory_space<vmem>>, vector<1x16xf32>,
        %get3A_641 = vector.shape_cast %get3A_640 : vector<1x16xf32> to vector<16xf32>
        %add3A_642 = arith.constant 0 : i32
        %add3A_643 = arith.addi %scan3A_555, %add3A_642 : i32
        %get3A_644 = arith.index_cast %add3A_643 : i32 to index
        %get3A_645 = arith.constant 48 : index
        %get3A_646 = tpu.vector_load %arg11[%get3A_644, %get3A_645] {strides = array<i32>} : memref<400x64xf32, #tpu.memory_space<vmem>>, vector<1x16xf32>,
        %get3A_647 = vector.shape_cast %get3A_646 : vector<1x16xf32> to vector<16xf32>
        %add3A_648 = arith.addf %get3A_647, %get3A_641 : vector<16xf32>
        %swap3A_649 = arith.index_cast %add3A_643 : i32 to index
        %swap3A_650 = arith.constant 48 : index
        %swap3A_651 = tpu.vector_load %arg11[%swap3A_649, %swap3A_650] {strides = array<i32>} : memref<400x64xf32, #tpu.memory_space<vmem>>, vector<1x16xf32>,
        %swap3A_652 = vector.shape_cast %swap3A_651 : vector<1x16xf32> to vector<16xf32>
        %swap3A_653 = vector.shape_cast %add3A_648 : vector<16xf32> to vector<1x16xf32>
        tpu.vector_store %arg11[%swap3A_649, %swap3A_650], %swap3A_653 {strides = array<i32>} : memref<400x64xf32, #tpu.memory_space<vmem>>, vector<1x16xf32>,
        %add3A_654 = arith.constant 200 : i32
        %add3A_655 = arith.addi %scan3A_555, %add3A_654 : i32
        %get3A_656 = arith.index_cast %add3A_655 : i32 to index
        %get3A_657 = arith.constant 48 : index
        %get3A_658 = tpu.vector_load %arg11[%get3A_656, %get3A_657] {strides = array<i32>} : memref<400x64xf32, #tpu.memory_space<vmem>>, vector<1x16xf32>,
        %get3A_659 = vector.shape_cast %get3A_658 : vector<1x16xf32> to vector<16xf32>
        %add3A_660 = arith.addf %get3A_659, %get3A_641 : vector<16xf32>
        %swap3A_661 = arith.index_cast %add3A_655 : i32 to index
        %swap3A_662 = arith.constant 48 : index
        %swap3A_663 = tpu.vector_load %arg11[%swap3A_661, %swap3A_662] {strides = array<i32>} : memref<400x64xf32, #tpu.memory_space<vmem>>, vector<1x16xf32>,
        %swap3A_664 = vector.shape_cast %swap3A_663 : vector<1x16xf32> to vector<16xf32>
        %swap3A_665 = vector.shape_cast %add3A_660 : vector<16xf32> to vector<1x16xf32>
        tpu.vector_store %arg11[%swap3A_661, %swap3A_662], %swap3A_665 {strides = array<i32>} : memref<400x64xf32, #tpu.memory_space<vmem>>, vector<1x16xf32>,
      }
      %scan3A_303 = arith.constant 200 : i32
      %mul3A_304 = arith.constant 2 : i32
      %mul3A_305 = arith.muli %add3A_276, %mul3A_304 : i32
      %add3A_306 = arith.addi %mul3A_4, %mul3A_305 : i32
      %add3A_307 = arith.constant 0 : i32
      %add3A_308 = arith.addi %add3A_306, %add3A_307 : i32
      %dma_start3A_309 = arith.constant 0 : i32
      %dma_start3A_310 = arith.constant 0 : i32
      %dma_start3A_311 = tpu.memref_slice %arg11[%dma_start3A_309, %dma_start3A_310] : memref<400x64xf32, #tpu.memory_space<vmem>> -> memref<200x64xf32, #tpu.memory_space<vmem>>
      %dma_start3A_312 = arith.constant 0 : i32
      %dma_start3A_313 = arith.constant 0 : i32
      %dma_start3A_314 = tpu.memref_slice %arg5[%add3A_308, %dma_start3A_312, %dma_start3A_313] : memref<4096x200x64xf32, #tpu.memory_space<hbm>> -> memref<1x200x64xf32, #tpu.memory_space<hbm>>
      %dma_start3A_315 = tpu.memref_squeeze %dma_start3A_314 : memref<1x200x64xf32, #tpu.memory_space<hbm>> -> memref<200x64xf32, #tpu.memory_space<hbm>>
      %dma_start3A_316 = arith.constant 0 : i32
      %dma_start3A_317 = arith.constant 0 : i32
      %dma_start3A_318 = tpu.memref_slice %arg5[%add3A_308, %dma_start3A_316, %dma_start3A_317] : memref<4096x200x64xf32, #tpu.memory_space<hbm>> -> memref<1x200x64xf32, #tpu.memory_space<hbm>>
      %dma_start3A_319 = tpu.memref_squeeze %dma_start3A_318 : memref<1x200x64xf32, #tpu.memory_space<hbm>> -> memref<200x64xf32, #tpu.memory_space<hbm>>
      %dma_start3A_320 = arith.constant 0 : i32
      %dma_start3A_321 = arith.constant 0 : i32
      %dma_start3A_322 = tpu.memref_slice %arg11[%dma_start3A_320, %dma_start3A_321] : memref<400x64xf32, #tpu.memory_space<vmem>> -> memref<200x64xf32, #tpu.memory_space<vmem>>
      tpu.enqueue_dma source(%dma_start3A_322 : memref<200x64xf32, #tpu.memory_space<vmem>>) target(%dma_start3A_319 : memref<200x64xf32, #tpu.memory_space<hbm>>) target_semaphore(%arg23 : memref<!tpu.dma_semaphore, #tpu.memory_space<semaphore_mem>>)
      %mul3A_323 = arith.constant 2 : i32
      %mul3A_324 = arith.muli %add3A_276, %mul3A_323 : i32
      %add3A_325 = arith.addi %mul3A_4, %mul3A_324 : i32
      %add3A_326 = arith.constant 1 : i32
      %add3A_327 = arith.addi %add3A_325, %add3A_326 : i32
      %dma_start3A_328 = arith.constant 200 : i32
      %dma_start3A_329 = arith.constant 0 : i32
      %dma_start3A_330 = tpu.memref_slice %arg11[%dma_start3A_328, %dma_start3A_329] : memref<400x64xf32, #tpu.memory_space<vmem>> -> memref<200x64xf32, #tpu.memory_space<vmem>>
      %dma_start3A_331 = arith.constant 0 : i32
      %dma_start3A_332 = arith.constant 0 : i32
      %dma_start3A_333 = tpu.memref_slice %arg5[%add3A_327, %dma_start3A_331, %dma_start3A_332] : memref<4096x200x64xf32, #tpu.memory_space<hbm>> -> memref<1x200x64xf32, #tpu.memory_space<hbm>>
      %dma_start3A_334 = tpu.memref_squeeze %dma_start3A_333 : memref<1x200x64xf32, #tpu.memory_space<hbm>> -> memref<200x64xf32, #tpu.memory_space<hbm>>
      %dma_start3A_335 = arith.constant 0 : i32
      %dma_start3A_336 = arith.constant 0 : i32
      %dma_start3A_337 = tpu.memref_slice %arg5[%add3A_327, %dma_start3A_335, %dma_start3A_336] : memref<4096x200x64xf32, #tpu.memory_space<hbm>> -> memref<1x200x64xf32, #tpu.memory_space<hbm>>
      %dma_start3A_338 = tpu.memref_squeeze %dma_start3A_337 : memref<1x200x64xf32, #tpu.memory_space<hbm>> -> memref<200x64xf32, #tpu.memory_space<hbm>>
      %dma_start3A_339 = arith.constant 200 : i32
      %dma_start3A_340 = arith.constant 0 : i32
      %dma_start3A_341 = tpu.memref_slice %arg11[%dma_start3A_339, %dma_start3A_340] : memref<400x64xf32, #tpu.memory_space<vmem>> -> memref<200x64xf32, #tpu.memory_space<vmem>>
      tpu.enqueue_dma source(%dma_start3A_341 : memref<200x64xf32, #tpu.memory_space<vmem>>) target(%dma_start3A_338 : memref<200x64xf32, #tpu.memory_space<hbm>>) target_semaphore(%arg23 : memref<!tpu.dma_semaphore, #tpu.memory_space<semaphore_mem>>)
      %add3A_342 = arith.constant 1 : i32
      %add3A_343 = arith.addi %mul3A_274, %add3A_342 : i32
      %dma_wait3A_344 = arith.constant 0 : i32
      %dma_wait3A_345 = arith.constant 0 : i32
      %dma_wait3A_346 = tpu.memref_slice %arg3[%dma_wait3A_344, %dma_wait3A_345] : memref<1000000x64xf32, #tpu.memory_space<hbm>> -> memref<400x64xf32, #tpu.memory_space<hbm>>
      %dma_wait3A_347 = arith.constant 0 : i32
      %dma_wait3A_348 = arith.constant 0 : i32
      %dma_wait3A_349 = tpu.memref_slice %arg3[%dma_wait3A_347, %dma_wait3A_348] : memref<1000000x64xf32, #tpu.memory_space<hbm>> -> memref<400x64xf32, #tpu.memory_space<hbm>>
      tpu.wait_dma2 semaphore(%arg20 : memref<!tpu.dma_semaphore, #tpu.memory_space<semaphore_mem>>) src(%dma_wait3A_349 : memref<400x64xf32, #tpu.memory_space<hbm>>) dst(%arg12 : memref<400x64xf32, #tpu.memory_space<vmem>>)
      %add3A_350 = arith.constant 4 : i32
      %add3A_351 = arith.addi %add3A_343, %add3A_350 : i32
      %lt3A_352 = arith.constant 64 : i32
      %lt3A_353 = arith.cmpi slt, %add3A_351, %lt3A_352 : i32
      %convert_element_type3A_354 = arith.extui %lt3A_353 : i1 to i32
      %cond3A_355 = arith.constant 0 : i32
      %cond3A_356 = arith.cmpi ne, %convert_element_type3A_354, %cond3A_355 : i32
      scf.if %cond3A_356 {
        %add3A_555 = arith.constant 4 : i32
        %add3A_556 = arith.addi %add3A_343, %add3A_555 : i32
        %mul3A_557 = arith.constant 2 : i32
        %mul3A_558 = arith.muli %add3A_556, %mul3A_557 : i32
        %add3A_559 = arith.addi %mul3A_2, %mul3A_558 : i32
        %add3A_560 = arith.constant 0 : i32
        %add3A_561 = arith.addi %add3A_559, %add3A_560 : i32
        %dma_start3A_562 = arith.constant 0 : i32
        %dma_start3A_563 = tpu.memref_slice %arg8[%dma_start3A_562] : memref<400xi32, #tpu.memory_space<vmem>> -> memref<200xi32, #tpu.memory_space<vmem>>
        %dma_start3A_564 = arith.constant 0 : i32
        %dma_start3A_565 = tpu.memref_slice %arg2[%add3A_561, %dma_start3A_564] : memref<4096x200xi32, #tpu.memory_space<hbm>> -> memref<1x200xi32, #tpu.memory_space<hbm>>
        %dma_start3A_566 = tpu.memref_squeeze %dma_start3A_565 : memref<1x200xi32, #tpu.memory_space<hbm>> -> memref<200xi32, #tpu.memory_space<hbm>>
        %dma_start3A_567 = arith.constant 0 : i32
        %dma_start3A_568 = tpu.memref_slice %arg8[%dma_start3A_567] : memref<400xi32, #tpu.memory_space<vmem>> -> memref<200xi32, #tpu.memory_space<vmem>>
        %dma_start3A_569 = arith.constant 0 : i32
        %dma_start3A_570 = tpu.memref_slice %arg2[%add3A_561, %dma_start3A_569] : memref<4096x200xi32, #tpu.memory_space<hbm>> -> memref<1x200xi32, #tpu.memory_space<hbm>>
        %dma_start3A_571 = tpu.memref_squeeze %dma_start3A_570 : memref<1x200xi32, #tpu.memory_space<hbm>> -> memref<200xi32, #tpu.memory_space<hbm>>
        tpu.enqueue_dma source(%dma_start3A_571 : memref<200xi32, #tpu.memory_space<hbm>>) target(%dma_start3A_568 : memref<200xi32, #tpu.memory_space<vmem>>) target_semaphore(%arg16 : memref<!tpu.dma_semaphore, #tpu.memory_space<semaphore_mem>>)
        %mul3A_572 = arith.constant 2 : i32
        %mul3A_573 = arith.muli %add3A_556, %mul3A_572 : i32
        %add3A_574 = arith.addi %mul3A_2, %mul3A_573 : i32
        %add3A_575 = arith.constant 1 : i32
        %add3A_576 = arith.addi %add3A_574, %add3A_575 : i32
        %dma_start3A_577 = arith.constant 200 : i32
        %dma_start3A_578 = tpu.memref_slice %arg8[%dma_start3A_577] : memref<400xi32, #tpu.memory_space<vmem>> -> memref<200xi32, #tpu.memory_space<vmem>>
        %dma_start3A_579 = arith.constant 0 : i32
        %dma_start3A_580 = tpu.memref_slice %arg2[%add3A_576, %dma_start3A_579] : memref<4096x200xi32, #tpu.memory_space<hbm>> -> memref<1x200xi32, #tpu.memory_space<hbm>>
        %dma_start3A_581 = tpu.memref_squeeze %dma_start3A_580 : memref<1x200xi32, #tpu.memory_space<hbm>> -> memref<200xi32, #tpu.memory_space<hbm>>
        %dma_start3A_582 = arith.constant 200 : i32
        %dma_start3A_583 = tpu.memref_slice %arg8[%dma_start3A_582] : memref<400xi32, #tpu.memory_space<vmem>> -> memref<200xi32, #tpu.memory_space<vmem>>
        %dma_start3A_584 = arith.constant 0 : i32
        %dma_start3A_585 = tpu.memref_slice %arg2[%add3A_576, %dma_start3A_584] : memref<4096x200xi32, #tpu.memory_space<hbm>> -> memref<1x200xi32, #tpu.memory_space<hbm>>
        %dma_start3A_586 = tpu.memref_squeeze %dma_start3A_585 : memref<1x200xi32, #tpu.memory_space<hbm>> -> memref<200xi32, #tpu.memory_space<hbm>>
        tpu.enqueue_dma source(%dma_start3A_586 : memref<200xi32, #tpu.memory_space<hbm>>) target(%dma_start3A_583 : memref<200xi32, #tpu.memory_space<vmem>>) target_semaphore(%arg16 : memref<!tpu.dma_semaphore, #tpu.memory_space<semaphore_mem>>)
      } else {
      }
      %ge3A_357 = arith.constant 3 : i32
      %ge3A_358 = arith.cmpi sge, %add3A_343, %ge3A_357 : i32
      %convert_element_type3A_359 = arith.extui %ge3A_358 : i1 to i32
      %cond3A_360 = arith.constant 0 : i32
      %cond3A_361 = arith.cmpi ne, %convert_element_type3A_359, %cond3A_360 : i32
      scf.if %cond3A_361 {
        %dma_wait3A_555 = arith.constant 0 : i32
        %dma_wait3A_556 = arith.constant 0 : i32
        %dma_wait3A_557 = arith.constant 0 : i32
        %dma_wait3A_558 = tpu.memref_slice %arg13[%dma_wait3A_556, %dma_wait3A_557] : memref<400x64xf32, #tpu.memory_space<vmem>> -> memref<200x64xf32, #tpu.memory_space<vmem>>
        %dma_wait3A_559 = arith.constant 0 : i32
        %dma_wait3A_560 = arith.constant 0 : i32
        %dma_wait3A_561 = tpu.memref_slice %arg5[%dma_wait3A_555, %dma_wait3A_559, %dma_wait3A_560] : memref<4096x200x64xf32, #tpu.memory_space<hbm>> -> memref<1x200x64xf32, #tpu.memory_space<hbm>>
        %dma_wait3A_562 = tpu.memref_squeeze %dma_wait3A_561 : memref<1x200x64xf32, #tpu.memory_space<hbm>> -> memref<200x64xf32, #tpu.memory_space<hbm>>
        %dma_wait3A_563 = arith.constant 0 : i32
        %dma_wait3A_564 = arith.constant 0 : i32
        %dma_wait3A_565 = tpu.memref_slice %arg5[%dma_wait3A_555, %dma_wait3A_563, %dma_wait3A_564] : memref<4096x200x64xf32, #tpu.memory_space<hbm>> -> memref<1x200x64xf32, #tpu.memory_space<hbm>>
        %dma_wait3A_566 = tpu.memref_squeeze %dma_wait3A_565 : memref<1x200x64xf32, #tpu.memory_space<hbm>> -> memref<200x64xf32, #tpu.memory_space<hbm>>
        %dma_wait3A_567 = arith.constant 0 : i32
        %dma_wait3A_568 = arith.constant 0 : i32
        %dma_wait3A_569 = tpu.memref_slice %arg13[%dma_wait3A_567, %dma_wait3A_568] : memref<400x64xf32, #tpu.memory_space<vmem>> -> memref<200x64xf32, #tpu.memory_space<vmem>>
        tpu.wait_dma2 semaphore(%arg25 : memref<!tpu.dma_semaphore, #tpu.memory_space<semaphore_mem>>) src(%dma_wait3A_569 : memref<200x64xf32, #tpu.memory_space<vmem>>) dst(%dma_wait3A_566 : memref<200x64xf32, #tpu.memory_space<hbm>>)
        %dma_wait3A_570 = arith.constant 0 : i32
        %dma_wait3A_571 = arith.constant 200 : i32
        %dma_wait3A_572 = arith.constant 0 : i32
        %dma_wait3A_573 = tpu.memref_slice %arg13[%dma_wait3A_571, %dma_wait3A_572] : memref<400x64xf32, #tpu.memory_space<vmem>> -> memref<200x64xf32, #tpu.memory_space<vmem>>
        %dma_wait3A_574 = arith.constant 0 : i32
        %dma_wait3A_575 = arith.constant 0 : i32
        %dma_wait3A_576 = tpu.memref_slice %arg5[%dma_wait3A_570, %dma_wait3A_574, %dma_wait3A_575] : memref<4096x200x64xf32, #tpu.memory_space<hbm>> -> memref<1x200x64xf32, #tpu.memory_space<hbm>>
        %dma_wait3A_577 = tpu.memref_squeeze %dma_wait3A_576 : memref<1x200x64xf32, #tpu.memory_space<hbm>> -> memref<200x64xf32, #tpu.memory_space<hbm>>
        %dma_wait3A_578 = arith.constant 0 : i32
        %dma_wait3A_579 = arith.constant 0 : i32
        %dma_wait3A_580 = tpu.memref_slice %arg5[%dma_wait3A_570, %dma_wait3A_578, %dma_wait3A_579] : memref<4096x200x64xf32, #tpu.memory_space<hbm>> -> memref<1x200x64xf32, #tpu.memory_space<hbm>>
        %dma_wait3A_581 = tpu.memref_squeeze %dma_wait3A_580 : memref<1x200x64xf32, #tpu.memory_space<hbm>> -> memref<200x64xf32, #tpu.memory_space<hbm>>
        %dma_wait3A_582 = arith.constant 200 : i32
        %dma_wait3A_583 = arith.constant 0 : i32
        %dma_wait3A_584 = tpu.memref_slice %arg13[%dma_wait3A_582, %dma_wait3A_583] : memref<400x64xf32, #tpu.memory_space<vmem>> -> memref<200x64xf32, #tpu.memory_space<vmem>>
        tpu.wait_dma2 semaphore(%arg25 : memref<!tpu.dma_semaphore, #tpu.memory_space<semaphore_mem>>) src(%dma_wait3A_584 : memref<200x64xf32, #tpu.memory_space<vmem>>) dst(%dma_wait3A_581 : memref<200x64xf32, #tpu.memory_space<hbm>>)
      } else {
      }
      %add3A_362 = arith.constant 1 : i32
      %add3A_363 = arith.addi %add3A_343, %add3A_362 : i32
      %lt3A_364 = arith.constant 64 : i32
      %lt3A_365 = arith.cmpi slt, %add3A_363, %lt3A_364 : i32
      %convert_element_type3A_366 = arith.extui %lt3A_365 : i1 to i32
      %cond3A_367 = arith.constant 0 : i32
      %cond3A_368 = arith.cmpi ne, %convert_element_type3A_366, %cond3A_367 : i32
      scf.if %cond3A_368 {
        %dma_wait3A_555 = arith.constant 0 : i32
        %dma_wait3A_556 = arith.constant 0 : i32
        %dma_wait3A_557 = tpu.memref_slice %arg9[%dma_wait3A_556] : memref<400xi32, #tpu.memory_space<vmem>> -> memref<200xi32, #tpu.memory_space<vmem>>
        %dma_wait3A_558 = arith.constant 0 : i32
        %dma_wait3A_559 = tpu.memref_slice %arg2[%dma_wait3A_555, %dma_wait3A_558] : memref<4096x200xi32, #tpu.memory_space<hbm>> -> memref<1x200xi32, #tpu.memory_space<hbm>>
        %dma_wait3A_560 = tpu.memref_squeeze %dma_wait3A_559 : memref<1x200xi32, #tpu.memory_space<hbm>> -> memref<200xi32, #tpu.memory_space<hbm>>
        %dma_wait3A_561 = arith.constant 0 : i32
        %dma_wait3A_562 = tpu.memref_slice %arg9[%dma_wait3A_561] : memref<400xi32, #tpu.memory_space<vmem>> -> memref<200xi32, #tpu.memory_space<vmem>>
        %dma_wait3A_563 = arith.constant 0 : i32
        %dma_wait3A_564 = tpu.memref_slice %arg2[%dma_wait3A_555, %dma_wait3A_563] : memref<4096x200xi32, #tpu.memory_space<hbm>> -> memref<1x200xi32, #tpu.memory_space<hbm>>
        %dma_wait3A_565 = tpu.memref_squeeze %dma_wait3A_564 : memref<1x200xi32, #tpu.memory_space<hbm>> -> memref<200xi32, #tpu.memory_space<hbm>>
        tpu.wait_dma2 semaphore(%arg17 : memref<!tpu.dma_semaphore, #tpu.memory_space<semaphore_mem>>) src(%dma_wait3A_565 : memref<200xi32, #tpu.memory_space<hbm>>) dst(%dma_wait3A_562 : memref<200xi32, #tpu.memory_space<vmem>>)
        %dma_wait3A_566 = arith.constant 0 : i32
        %dma_wait3A_567 = arith.constant 200 : i32
        %dma_wait3A_568 = tpu.memref_slice %arg9[%dma_wait3A_567] : memref<400xi32, #tpu.memory_space<vmem>> -> memref<200xi32, #tpu.memory_space<vmem>>
        %dma_wait3A_569 = arith.constant 0 : i32
        %dma_wait3A_570 = tpu.memref_slice %arg2[%dma_wait3A_566, %dma_wait3A_569] : memref<4096x200xi32, #tpu.memory_space<hbm>> -> memref<1x200xi32, #tpu.memory_space<hbm>>
        %dma_wait3A_571 = tpu.memref_squeeze %dma_wait3A_570 : memref<1x200xi32, #tpu.memory_space<hbm>> -> memref<200xi32, #tpu.memory_space<hbm>>
        %dma_wait3A_572 = arith.constant 200 : i32
        %dma_wait3A_573 = tpu.memref_slice %arg9[%dma_wait3A_572] : memref<400xi32, #tpu.memory_space<vmem>> -> memref<200xi32, #tpu.memory_space<vmem>>
        %dma_wait3A_574 = arith.constant 0 : i32
        %dma_wait3A_575 = tpu.memref_slice %arg2[%dma_wait3A_566, %dma_wait3A_574] : memref<4096x200xi32, #tpu.memory_space<hbm>> -> memref<1x200xi32, #tpu.memory_space<hbm>>
        %dma_wait3A_576 = tpu.memref_squeeze %dma_wait3A_575 : memref<1x200xi32, #tpu.memory_space<hbm>> -> memref<200xi32, #tpu.memory_space<hbm>>
        tpu.wait_dma2 semaphore(%arg17 : memref<!tpu.dma_semaphore, #tpu.memory_space<semaphore_mem>>) src(%dma_wait3A_576 : memref<200xi32, #tpu.memory_space<hbm>>) dst(%dma_wait3A_573 : memref<200xi32, #tpu.memory_space<vmem>>)
        %dma_start3A_577 = arith.constant 0 : i32
        %dma_start3A_578 = arith.constant 0 : i32
        %dma_start3A_579 = tpu.memref_slice %arg13[%dma_start3A_577, %dma_start3A_578] : memref<400x64xf32, #tpu.memory_space<vmem>> -> memref<80x64xf32, #tpu.memory_space<vmem>>
        %dma_start3A_580 = arith.constant 0 : i32
        %dma_start3A_581 = tpu.memref_slice %arg9[%dma_start3A_580] : memref<400xi32, #tpu.memory_space<vmem>> -> memref<80xi32, #tpu.memory_space<vmem>>
        %dma_start3A_582 = arith.constant 0 : i32
        %dma_start3A_583 = arith.constant 0 : i32
        %dma_start3A_584 = tpu.memref_slice %arg3[%dma_start3A_582, %dma_start3A_583] : memref<1000000x64xf32, #tpu.memory_space<hbm>> -> memref<1000000x64xf32, #tpu.memory_space<hbm>>
        tpu.enqueue_indirect_dma source(%dma_start3A_584 : memref<1000000x64xf32, #tpu.memory_space<hbm>>) target(%dma_start3A_579 : memref<80x64xf32, #tpu.memory_space<vmem>>) offsets(%dma_start3A_581 : memref<80xi32, #tpu.memory_space<vmem>>) semaphore(%arg21 : memref<!tpu.dma_semaphore, #tpu.memory_space<semaphore_mem>>)
        %dma_start3A_585 = arith.constant 80 : i32
        %dma_start3A_586 = arith.constant 0 : i32
        %dma_start3A_587 = tpu.memref_slice %arg13[%dma_start3A_585, %dma_start3A_586] : memref<400x64xf32, #tpu.memory_space<vmem>> -> memref<80x64xf32, #tpu.memory_space<vmem>>
        %dma_start3A_588 = arith.constant 80 : i32
        %dma_start3A_589 = tpu.memref_slice %arg9[%dma_start3A_588] : memref<400xi32, #tpu.memory_space<vmem>> -> memref<80xi32, #tpu.memory_space<vmem>>
        %dma_start3A_590 = arith.constant 0 : i32
        %dma_start3A_591 = arith.constant 0 : i32
        %dma_start3A_592 = tpu.memref_slice %arg3[%dma_start3A_590, %dma_start3A_591] : memref<1000000x64xf32, #tpu.memory_space<hbm>> -> memref<1000000x64xf32, #tpu.memory_space<hbm>>
        tpu.enqueue_indirect_dma source(%dma_start3A_592 : memref<1000000x64xf32, #tpu.memory_space<hbm>>) target(%dma_start3A_587 : memref<80x64xf32, #tpu.memory_space<vmem>>) offsets(%dma_start3A_589 : memref<80xi32, #tpu.memory_space<vmem>>) semaphore(%arg21 : memref<!tpu.dma_semaphore, #tpu.memory_space<semaphore_mem>>)
        %dma_start3A_593 = arith.constant 160 : i32
        %dma_start3A_594 = arith.constant 0 : i32
        %dma_start3A_595 = tpu.memref_slice %arg13[%dma_start3A_593, %dma_start3A_594] : memref<400x64xf32, #tpu.memory_space<vmem>> -> memref<80x64xf32, #tpu.memory_space<vmem>>
        %dma_start3A_596 = arith.constant 160 : i32
        %dma_start3A_597 = tpu.memref_slice %arg9[%dma_start3A_596] : memref<400xi32, #tpu.memory_space<vmem>> -> memref<80xi32, #tpu.memory_space<vmem>>
        %dma_start3A_598 = arith.constant 0 : i32
        %dma_start3A_599 = arith.constant 0 : i32
        %dma_start3A_600 = tpu.memref_slice %arg3[%dma_start3A_598, %dma_start3A_599] : memref<1000000x64xf32, #tpu.memory_space<hbm>> -> memref<1000000x64xf32, #tpu.memory_space<hbm>>
        tpu.enqueue_indirect_dma source(%dma_start3A_600 : memref<1000000x64xf32, #tpu.memory_space<hbm>>) target(%dma_start3A_595 : memref<80x64xf32, #tpu.memory_space<vmem>>) offsets(%dma_start3A_597 : memref<80xi32, #tpu.memory_space<vmem>>) semaphore(%arg21 : memref<!tpu.dma_semaphore, #tpu.memory_space<semaphore_mem>>)
        %dma_start3A_601 = arith.constant 240 : i32
        %dma_start3A_602 = arith.constant 0 : i32
        %dma_start3A_603 = tpu.memref_slice %arg13[%dma_start3A_601, %dma_start3A_602] : memref<400x64xf32, #tpu.memory_space<vmem>> -> memref<80x64xf32, #tpu.memory_space<vmem>>
        %dma_start3A_604 = arith.constant 240 : i32
        %dma_start3A_605 = tpu.memref_slice %arg9[%dma_start3A_604] : memref<400xi32, #tpu.memory_space<vmem>> -> memref<80xi32, #tpu.memory_space<vmem>>
        %dma_start3A_606 = arith.constant 0 : i32
        %dma_start3A_607 = arith.constant 0 : i32
        %dma_start3A_608 = tpu.memref_slice %arg3[%dma_start3A_606, %dma_start3A_607] : memref<1000000x64xf32, #tpu.memory_space<hbm>> -> memref<1000000x64xf32, #tpu.memory_space<hbm>>
        tpu.enqueue_indirect_dma source(%dma_start3A_608 : memref<1000000x64xf32, #tpu.memory_space<hbm>>) target(%dma_start3A_603 : memref<80x64xf32, #tpu.memory_space<vmem>>) offsets(%dma_start3A_605 : memref<80xi32, #tpu.memory_space<vmem>>) semaphore(%arg21 : memref<!tpu.dma_semaphore, #tpu.memory_space<semaphore_mem>>)
        %dma_start3A_609 = arith.constant 320 : i32
        %dma_start3A_610 = arith.constant 0 : i32
        %dma_start3A_611 = tpu.memref_slice %arg13[%dma_start3A_609, %dma_start3A_610] : memref<400x64xf32, #tpu.memory_space<vmem>> -> memref<80x64xf32, #tpu.memory_space<vmem>>
        %dma_start3A_612 = arith.constant 320 : i32
        %dma_start3A_613 = tpu.memref_slice %arg9[%dma_start3A_612] : memref<400xi32, #tpu.memory_space<vmem>> -> memref<80xi32, #tpu.memory_space<vmem>>
        %dma_start3A_614 = arith.constant 0 : i32
        %dma_start3A_615 = arith.constant 0 : i32
        %dma_start3A_616 = tpu.memref_slice %arg3[%dma_start3A_614, %dma_start3A_615] : memref<1000000x64xf32, #tpu.memory_space<hbm>> -> memref<1000000x64xf32, #tpu.memory_space<hbm>>
        tpu.enqueue_indirect_dma source(%dma_start3A_616 : memref<1000000x64xf32, #tpu.memory_space<hbm>>) target(%dma_start3A_611 : memref<80x64xf32, #tpu.memory_space<vmem>>) offsets(%dma_start3A_613 : memref<80xi32, #tpu.memory_space<vmem>>) semaphore(%arg21 : memref<!tpu.dma_semaphore, #tpu.memory_space<semaphore_mem>>)
      } else {
      }
      %scan3A_369 = arith.constant 0 : i32
      %scan3A_370 = arith.constant 0 : i32
      %scan3A_371 = arith.constant 200 : i32
      %scan3A_372 = arith.addi %scan3A_370, %scan3A_371 : i32
      %scan3A_373 = arith.constant 1 : i32
      scf.for %scan3A_555 = %scan3A_370 to %scan3A_372 step %scan3A_373  : i32 {
        %get3A = arith.index_cast %scan3A_555 : i32 to index
        %get3A_556 = arith.constant 0 : index
        %get3A_557 = tpu.vector_load %arg6[%get3A, %get3A_556] {strides = array<i32>} : memref<200x64xf32, #tpu.memory_space<vmem>>, vector<1x16xf32>,
        %get3A_558 = vector.shape_cast %get3A_557 : vector<1x16xf32> to vector<16xf32>
        %add3A_559 = arith.constant 0 : i32
        %add3A_560 = arith.addi %scan3A_555, %add3A_559 : i32
        %get3A_561 = arith.index_cast %add3A_560 : i32 to index
        %get3A_562 = arith.constant 0 : index
        %get3A_563 = tpu.vector_load %arg12[%get3A_561, %get3A_562] {strides = array<i32>} : memref<400x64xf32, #tpu.memory_space<vmem>>, vector<1x16xf32>,
        %get3A_564 = vector.shape_cast %get3A_563 : vector<1x16xf32> to vector<16xf32>
        %add3A_565 = arith.addf %get3A_564, %get3A_558 : vector<16xf32>
        %swap3A = arith.index_cast %add3A_560 : i32 to index
        %swap3A_566 = arith.constant 0 : index
        %swap3A_567 = tpu.vector_load %arg12[%swap3A, %swap3A_566] {strides = array<i32>} : memref<400x64xf32, #tpu.memory_space<vmem>>, vector<1x16xf32>,
        %swap3A_568 = vector.shape_cast %swap3A_567 : vector<1x16xf32> to vector<16xf32>
        %swap3A_569 = vector.shape_cast %add3A_565 : vector<16xf32> to vector<1x16xf32>
        tpu.vector_store %arg12[%swap3A, %swap3A_566], %swap3A_569 {strides = array<i32>} : memref<400x64xf32, #tpu.memory_space<vmem>>, vector<1x16xf32>,
        %add3A_570 = arith.constant 200 : i32
        %add3A_571 = arith.addi %scan3A_555, %add3A_570 : i32
        %get3A_572 = arith.index_cast %add3A_571 : i32 to index
        %get3A_573 = arith.constant 0 : index
        %get3A_574 = tpu.vector_load %arg12[%get3A_572, %get3A_573] {strides = array<i32>} : memref<400x64xf32, #tpu.memory_space<vmem>>, vector<1x16xf32>,
        %get3A_575 = vector.shape_cast %get3A_574 : vector<1x16xf32> to vector<16xf32>
        %add3A_576 = arith.addf %get3A_575, %get3A_558 : vector<16xf32>
        %swap3A_577 = arith.index_cast %add3A_571 : i32 to index
        %swap3A_578 = arith.constant 0 : index
        %swap3A_579 = tpu.vector_load %arg12[%swap3A_577, %swap3A_578] {strides = array<i32>} : memref<400x64xf32, #tpu.memory_space<vmem>>, vector<1x16xf32>,
        %swap3A_580 = vector.shape_cast %swap3A_579 : vector<1x16xf32> to vector<16xf32>
        %swap3A_581 = vector.shape_cast %add3A_576 : vector<16xf32> to vector<1x16xf32>
        tpu.vector_store %arg12[%swap3A_577, %swap3A_578], %swap3A_581 {strides = array<i32>} : memref<400x64xf32, #tpu.memory_space<vmem>>, vector<1x16xf32>,
        %get3A_582 = arith.index_cast %scan3A_555 : i32 to index
        %get3A_583 = arith.constant 16 : index
        %get3A_584 = tpu.vector_load %arg6[%get3A_582, %get3A_583] {strides = array<i32>} : memref<200x64xf32, #tpu.memory_space<vmem>>, vector<1x16xf32>,
        %get3A_585 = vector.shape_cast %get3A_584 : vector<1x16xf32> to vector<16xf32>
        %add3A_586 = arith.constant 0 : i32
        %add3A_587 = arith.addi %scan3A_555, %add3A_586 : i32
        %get3A_588 = arith.index_cast %add3A_587 : i32 to index
        %get3A_589 = arith.constant 16 : index
        %get3A_590 = tpu.vector_load %arg12[%get3A_588, %get3A_589] {strides = array<i32>} : memref<400x64xf32, #tpu.memory_space<vmem>>, vector<1x16xf32>,
        %get3A_591 = vector.shape_cast %get3A_590 : vector<1x16xf32> to vector<16xf32>
        %add3A_592 = arith.addf %get3A_591, %get3A_585 : vector<16xf32>
        %swap3A_593 = arith.index_cast %add3A_587 : i32 to index
        %swap3A_594 = arith.constant 16 : index
        %swap3A_595 = tpu.vector_load %arg12[%swap3A_593, %swap3A_594] {strides = array<i32>} : memref<400x64xf32, #tpu.memory_space<vmem>>, vector<1x16xf32>,
        %swap3A_596 = vector.shape_cast %swap3A_595 : vector<1x16xf32> to vector<16xf32>
        %swap3A_597 = vector.shape_cast %add3A_592 : vector<16xf32> to vector<1x16xf32>
        tpu.vector_store %arg12[%swap3A_593, %swap3A_594], %swap3A_597 {strides = array<i32>} : memref<400x64xf32, #tpu.memory_space<vmem>>, vector<1x16xf32>,
        %add3A_598 = arith.constant 200 : i32
        %add3A_599 = arith.addi %scan3A_555, %add3A_598 : i32
        %get3A_600 = arith.index_cast %add3A_599 : i32 to index
        %get3A_601 = arith.constant 16 : index
        %get3A_602 = tpu.vector_load %arg12[%get3A_600, %get3A_601] {strides = array<i32>} : memref<400x64xf32, #tpu.memory_space<vmem>>, vector<1x16xf32>,
        %get3A_603 = vector.shape_cast %get3A_602 : vector<1x16xf32> to vector<16xf32>
        %add3A_604 = arith.addf %get3A_603, %get3A_585 : vector<16xf32>
        %swap3A_605 = arith.index_cast %add3A_599 : i32 to index
        %swap3A_606 = arith.constant 16 : index
        %swap3A_607 = tpu.vector_load %arg12[%swap3A_605, %swap3A_606] {strides = array<i32>} : memref<400x64xf32, #tpu.memory_space<vmem>>, vector<1x16xf32>,
        %swap3A_608 = vector.shape_cast %swap3A_607 : vector<1x16xf32> to vector<16xf32>
        %swap3A_609 = vector.shape_cast %add3A_604 : vector<16xf32> to vector<1x16xf32>
        tpu.vector_store %arg12[%swap3A_605, %swap3A_606], %swap3A_609 {strides = array<i32>} : memref<400x64xf32, #tpu.memory_space<vmem>>, vector<1x16xf32>,
        %get3A_610 = arith.index_cast %scan3A_555 : i32 to index
        %get3A_611 = arith.constant 32 : index
        %get3A_612 = tpu.vector_load %arg6[%get3A_610, %get3A_611] {strides = array<i32>} : memref<200x64xf32, #tpu.memory_space<vmem>>, vector<1x16xf32>,
        %get3A_613 = vector.shape_cast %get3A_612 : vector<1x16xf32> to vector<16xf32>
        %add3A_614 = arith.constant 0 : i32
        %add3A_615 = arith.addi %scan3A_555, %add3A_614 : i32
        %get3A_616 = arith.index_cast %add3A_615 : i32 to index
        %get3A_617 = arith.constant 32 : index
        %get3A_618 = tpu.vector_load %arg12[%get3A_616, %get3A_617] {strides = array<i32>} : memref<400x64xf32, #tpu.memory_space<vmem>>, vector<1x16xf32>,
        %get3A_619 = vector.shape_cast %get3A_618 : vector<1x16xf32> to vector<16xf32>
        %add3A_620 = arith.addf %get3A_619, %get3A_613 : vector<16xf32>
        %swap3A_621 = arith.index_cast %add3A_615 : i32 to index
        %swap3A_622 = arith.constant 32 : index
        %swap3A_623 = tpu.vector_load %arg12[%swap3A_621, %swap3A_622] {strides = array<i32>} : memref<400x64xf32, #tpu.memory_space<vmem>>, vector<1x16xf32>,
        %swap3A_624 = vector.shape_cast %swap3A_623 : vector<1x16xf32> to vector<16xf32>
        %swap3A_625 = vector.shape_cast %add3A_620 : vector<16xf32> to vector<1x16xf32>
        tpu.vector_store %arg12[%swap3A_621, %swap3A_622], %swap3A_625 {strides = array<i32>} : memref<400x64xf32, #tpu.memory_space<vmem>>, vector<1x16xf32>,
        %add3A_626 = arith.constant 200 : i32
        %add3A_627 = arith.addi %scan3A_555, %add3A_626 : i32
        %get3A_628 = arith.index_cast %add3A_627 : i32 to index
        %get3A_629 = arith.constant 32 : index
        %get3A_630 = tpu.vector_load %arg12[%get3A_628, %get3A_629] {strides = array<i32>} : memref<400x64xf32, #tpu.memory_space<vmem>>, vector<1x16xf32>,
        %get3A_631 = vector.shape_cast %get3A_630 : vector<1x16xf32> to vector<16xf32>
        %add3A_632 = arith.addf %get3A_631, %get3A_613 : vector<16xf32>
        %swap3A_633 = arith.index_cast %add3A_627 : i32 to index
        %swap3A_634 = arith.constant 32 : index
        %swap3A_635 = tpu.vector_load %arg12[%swap3A_633, %swap3A_634] {strides = array<i32>} : memref<400x64xf32, #tpu.memory_space<vmem>>, vector<1x16xf32>,
        %swap3A_636 = vector.shape_cast %swap3A_635 : vector<1x16xf32> to vector<16xf32>
        %swap3A_637 = vector.shape_cast %add3A_632 : vector<16xf32> to vector<1x16xf32>
        tpu.vector_store %arg12[%swap3A_633, %swap3A_634], %swap3A_637 {strides = array<i32>} : memref<400x64xf32, #tpu.memory_space<vmem>>, vector<1x16xf32>,
        %get3A_638 = arith.index_cast %scan3A_555 : i32 to index
        %get3A_639 = arith.constant 48 : index
        %get3A_640 = tpu.vector_load %arg6[%get3A_638, %get3A_639] {strides = array<i32>} : memref<200x64xf32, #tpu.memory_space<vmem>>, vector<1x16xf32>,
        %get3A_641 = vector.shape_cast %get3A_640 : vector<1x16xf32> to vector<16xf32>
        %add3A_642 = arith.constant 0 : i32
        %add3A_643 = arith.addi %scan3A_555, %add3A_642 : i32
        %get3A_644 = arith.index_cast %add3A_643 : i32 to index
        %get3A_645 = arith.constant 48 : index
        %get3A_646 = tpu.vector_load %arg12[%get3A_644, %get3A_645] {strides = array<i32>} : memref<400x64xf32, #tpu.memory_space<vmem>>, vector<1x16xf32>,
        %get3A_647 = vector.shape_cast %get3A_646 : vector<1x16xf32> to vector<16xf32>
        %add3A_648 = arith.addf %get3A_647, %get3A_641 : vector<16xf32>
        %swap3A_649 = arith.index_cast %add3A_643 : i32 to index
        %swap3A_650 = arith.constant 48 : index
        %swap3A_651 = tpu.vector_load %arg12[%swap3A_649, %swap3A_650] {strides = array<i32>} : memref<400x64xf32, #tpu.memory_space<vmem>>, vector<1x16xf32>,
        %swap3A_652 = vector.shape_cast %swap3A_651 : vector<1x16xf32> to vector<16xf32>
        %swap3A_653 = vector.shape_cast %add3A_648 : vector<16xf32> to vector<1x16xf32>
        tpu.vector_store %arg12[%swap3A_649, %swap3A_650], %swap3A_653 {strides = array<i32>} : memref<400x64xf32, #tpu.memory_space<vmem>>, vector<1x16xf32>,
        %add3A_654 = arith.constant 200 : i32
        %add3A_655 = arith.addi %scan3A_555, %add3A_654 : i32
        %get3A_656 = arith.index_cast %add3A_655 : i32 to index
        %get3A_657 = arith.constant 48 : index
        %get3A_658 = tpu.vector_load %arg12[%get3A_656, %get3A_657] {strides = array<i32>} : memref<400x64xf32, #tpu.memory_space<vmem>>, vector<1x16xf32>,
        %get3A_659 = vector.shape_cast %get3A_658 : vector<1x16xf32> to vector<16xf32>
        %add3A_660 = arith.addf %get3A_659, %get3A_641 : vector<16xf32>
        %swap3A_661 = arith.index_cast %add3A_655 : i32 to index
        %swap3A_662 = arith.constant 48 : index
        %swap3A_663 = tpu.vector_load %arg12[%swap3A_661, %swap3A_662] {strides = array<i32>} : memref<400x64xf32, #tpu.memory_space<vmem>>, vector<1x16xf32>,
        %swap3A_664 = vector.shape_cast %swap3A_663 : vector<1x16xf32> to vector<16xf32>
        %swap3A_665 = vector.shape_cast %add3A_660 : vector<16xf32> to vector<1x16xf32>
        tpu.vector_store %arg12[%swap3A_661, %swap3A_662], %swap3A_665 {strides = array<i32>} : memref<400x64xf32, #tpu.memory_space<vmem>>, vector<1x16xf32>,
      }
      %scan3A_374 = arith.constant 200 : i32
      %mul3A_375 = arith.constant 2 : i32
      %mul3A_376 = arith.muli %add3A_343, %mul3A_375 : i32
      %add3A_377 = arith.addi %mul3A_4, %mul3A_376 : i32
      %add3A_378 = arith.constant 0 : i32
      %add3A_379 = arith.addi %add3A_377, %add3A_378 : i32
      %dma_start3A_380 = arith.constant 0 : i32
      %dma_start3A_381 = arith.constant 0 : i32
      %dma_start3A_382 = tpu.memref_slice %arg12[%dma_start3A_380, %dma_start3A_381] : memref<400x64xf32, #tpu.memory_space<vmem>> -> memref<200x64xf32, #tpu.memory_space<vmem>>
      %dma_start3A_383 = arith.constant 0 : i32
      %dma_start3A_384 = arith.constant 0 : i32
      %dma_start3A_385 = tpu.memref_slice %arg5[%add3A_379, %dma_start3A_383, %dma_start3A_384] : memref<4096x200x64xf32, #tpu.memory_space<hbm>> -> memref<1x200x64xf32, #tpu.memory_space<hbm>>
      %dma_start3A_386 = tpu.memref_squeeze %dma_start3A_385 : memref<1x200x64xf32, #tpu.memory_space<hbm>> -> memref<200x64xf32, #tpu.memory_space<hbm>>
      %dma_start3A_387 = arith.constant 0 : i32
      %dma_start3A_388 = arith.constant 0 : i32
      %dma_start3A_389 = tpu.memref_slice %arg5[%add3A_379, %dma_start3A_387, %dma_start3A_388] : memref<4096x200x64xf32, #tpu.memory_space<hbm>> -> memref<1x200x64xf32, #tpu.memory_space<hbm>>
      %dma_start3A_390 = tpu.memref_squeeze %dma_start3A_389 : memref<1x200x64xf32, #tpu.memory_space<hbm>> -> memref<200x64xf32, #tpu.memory_space<hbm>>
      %dma_start3A_391 = arith.constant 0 : i32
      %dma_start3A_392 = arith.constant 0 : i32
      %dma_start3A_393 = tpu.memref_slice %arg12[%dma_start3A_391, %dma_start3A_392] : memref<400x64xf32, #tpu.memory_space<vmem>> -> memref<200x64xf32, #tpu.memory_space<vmem>>
      tpu.enqueue_dma source(%dma_start3A_393 : memref<200x64xf32, #tpu.memory_space<vmem>>) target(%dma_start3A_390 : memref<200x64xf32, #tpu.memory_space<hbm>>) target_semaphore(%arg24 : memref<!tpu.dma_semaphore, #tpu.memory_space<semaphore_mem>>)
      %mul3A_394 = arith.constant 2 : i32
      %mul3A_395 = arith.muli %add3A_343, %mul3A_394 : i32
      %add3A_396 = arith.addi %mul3A_4, %mul3A_395 : i32
      %add3A_397 = arith.constant 1 : i32
      %add3A_398 = arith.addi %add3A_396, %add3A_397 : i32
      %dma_start3A_399 = arith.constant 200 : i32
      %dma_start3A_400 = arith.constant 0 : i32
      %dma_start3A_401 = tpu.memref_slice %arg12[%dma_start3A_399, %dma_start3A_400] : memref<400x64xf32, #tpu.memory_space<vmem>> -> memref<200x64xf32, #tpu.memory_space<vmem>>
      %dma_start3A_402 = arith.constant 0 : i32
      %dma_start3A_403 = arith.constant 0 : i32
      %dma_start3A_404 = tpu.memref_slice %arg5[%add3A_398, %dma_start3A_402, %dma_start3A_403] : memref<4096x200x64xf32, #tpu.memory_space<hbm>> -> memref<1x200x64xf32, #tpu.memory_space<hbm>>
      %dma_start3A_405 = tpu.memref_squeeze %dma_start3A_404 : memref<1x200x64xf32, #tpu.memory_space<hbm>> -> memref<200x64xf32, #tpu.memory_space<hbm>>
      %dma_start3A_406 = arith.constant 0 : i32
      %dma_start3A_407 = arith.constant 0 : i32
      %dma_start3A_408 = tpu.memref_slice %arg5[%add3A_398, %dma_start3A_406, %dma_start3A_407] : memref<4096x200x64xf32, #tpu.memory_space<hbm>> -> memref<1x200x64xf32, #tpu.memory_space<hbm>>
      %dma_start3A_409 = tpu.memref_squeeze %dma_start3A_408 : memref<1x200x64xf32, #tpu.memory_space<hbm>> -> memref<200x64xf32, #tpu.memory_space<hbm>>
      %dma_start3A_410 = arith.constant 200 : i32
      %dma_start3A_411 = arith.constant 0 : i32
      %dma_start3A_412 = tpu.memref_slice %arg12[%dma_start3A_410, %dma_start3A_411] : memref<400x64xf32, #tpu.memory_space<vmem>> -> memref<200x64xf32, #tpu.memory_space<vmem>>
      tpu.enqueue_dma source(%dma_start3A_412 : memref<200x64xf32, #tpu.memory_space<vmem>>) target(%dma_start3A_409 : memref<200x64xf32, #tpu.memory_space<hbm>>) target_semaphore(%arg24 : memref<!tpu.dma_semaphore, #tpu.memory_space<semaphore_mem>>)
      %add3A_413 = arith.constant 2 : i32
      %add3A_414 = arith.addi %mul3A_274, %add3A_413 : i32
      %dma_wait3A_415 = arith.constant 0 : i32
      %dma_wait3A_416 = arith.constant 0 : i32
      %dma_wait3A_417 = tpu.memref_slice %arg3[%dma_wait3A_415, %dma_wait3A_416] : memref<1000000x64xf32, #tpu.memory_space<hbm>> -> memref<400x64xf32, #tpu.memory_space<hbm>>
      %dma_wait3A_418 = arith.constant 0 : i32
      %dma_wait3A_419 = arith.constant 0 : i32
      %dma_wait3A_420 = tpu.memref_slice %arg3[%dma_wait3A_418, %dma_wait3A_419] : memref<1000000x64xf32, #tpu.memory_space<hbm>> -> memref<400x64xf32, #tpu.memory_space<hbm>>
      tpu.wait_dma2 semaphore(%arg21 : memref<!tpu.dma_semaphore, #tpu.memory_space<semaphore_mem>>) src(%dma_wait3A_420 : memref<400x64xf32, #tpu.memory_space<hbm>>) dst(%arg13 : memref<400x64xf32, #tpu.memory_space<vmem>>)
      %add3A_421 = arith.constant 4 : i32
      %add3A_422 = arith.addi %add3A_414, %add3A_421 : i32
      %lt3A_423 = arith.constant 64 : i32
      %lt3A_424 = arith.cmpi slt, %add3A_422, %lt3A_423 : i32
      %convert_element_type3A_425 = arith.extui %lt3A_424 : i1 to i32
      %cond3A_426 = arith.constant 0 : i32
      %cond3A_427 = arith.cmpi ne, %convert_element_type3A_425, %cond3A_426 : i32
      scf.if %cond3A_427 {
        %add3A_555 = arith.constant 4 : i32
        %add3A_556 = arith.addi %add3A_414, %add3A_555 : i32
        %mul3A_557 = arith.constant 2 : i32
        %mul3A_558 = arith.muli %add3A_556, %mul3A_557 : i32
        %add3A_559 = arith.addi %mul3A_2, %mul3A_558 : i32
        %add3A_560 = arith.constant 0 : i32
        %add3A_561 = arith.addi %add3A_559, %add3A_560 : i32
        %dma_start3A_562 = arith.constant 0 : i32
        %dma_start3A_563 = tpu.memref_slice %arg9[%dma_start3A_562] : memref<400xi32, #tpu.memory_space<vmem>> -> memref<200xi32, #tpu.memory_space<vmem>>
        %dma_start3A_564 = arith.constant 0 : i32
        %dma_start3A_565 = tpu.memref_slice %arg2[%add3A_561, %dma_start3A_564] : memref<4096x200xi32, #tpu.memory_space<hbm>> -> memref<1x200xi32, #tpu.memory_space<hbm>>
        %dma_start3A_566 = tpu.memref_squeeze %dma_start3A_565 : memref<1x200xi32, #tpu.memory_space<hbm>> -> memref<200xi32, #tpu.memory_space<hbm>>
        %dma_start3A_567 = arith.constant 0 : i32
        %dma_start3A_568 = tpu.memref_slice %arg9[%dma_start3A_567] : memref<400xi32, #tpu.memory_space<vmem>> -> memref<200xi32, #tpu.memory_space<vmem>>
        %dma_start3A_569 = arith.constant 0 : i32
        %dma_start3A_570 = tpu.memref_slice %arg2[%add3A_561, %dma_start3A_569] : memref<4096x200xi32, #tpu.memory_space<hbm>> -> memref<1x200xi32, #tpu.memory_space<hbm>>
        %dma_start3A_571 = tpu.memref_squeeze %dma_start3A_570 : memref<1x200xi32, #tpu.memory_space<hbm>> -> memref<200xi32, #tpu.memory_space<hbm>>
        tpu.enqueue_dma source(%dma_start3A_571 : memref<200xi32, #tpu.memory_space<hbm>>) target(%dma_start3A_568 : memref<200xi32, #tpu.memory_space<vmem>>) target_semaphore(%arg17 : memref<!tpu.dma_semaphore, #tpu.memory_space<semaphore_mem>>)
        %mul3A_572 = arith.constant 2 : i32
        %mul3A_573 = arith.muli %add3A_556, %mul3A_572 : i32
        %add3A_574 = arith.addi %mul3A_2, %mul3A_573 : i32
        %add3A_575 = arith.constant 1 : i32
        %add3A_576 = arith.addi %add3A_574, %add3A_575 : i32
        %dma_start3A_577 = arith.constant 200 : i32
        %dma_start3A_578 = tpu.memref_slice %arg9[%dma_start3A_577] : memref<400xi32, #tpu.memory_space<vmem>> -> memref<200xi32, #tpu.memory_space<vmem>>
        %dma_start3A_579 = arith.constant 0 : i32
        %dma_start3A_580 = tpu.memref_slice %arg2[%add3A_576, %dma_start3A_579] : memref<4096x200xi32, #tpu.memory_space<hbm>> -> memref<1x200xi32, #tpu.memory_space<hbm>>
        %dma_start3A_581 = tpu.memref_squeeze %dma_start3A_580 : memref<1x200xi32, #tpu.memory_space<hbm>> -> memref<200xi32, #tpu.memory_space<hbm>>
        %dma_start3A_582 = arith.constant 200 : i32
        %dma_start3A_583 = tpu.memref_slice %arg9[%dma_start3A_582] : memref<400xi32, #tpu.memory_space<vmem>> -> memref<200xi32, #tpu.memory_space<vmem>>
        %dma_start3A_584 = arith.constant 0 : i32
        %dma_start3A_585 = tpu.memref_slice %arg2[%add3A_576, %dma_start3A_584] : memref<4096x200xi32, #tpu.memory_space<hbm>> -> memref<1x200xi32, #tpu.memory_space<hbm>>
        %dma_start3A_586 = tpu.memref_squeeze %dma_start3A_585 : memref<1x200xi32, #tpu.memory_space<hbm>> -> memref<200xi32, #tpu.memory_space<hbm>>
        tpu.enqueue_dma source(%dma_start3A_586 : memref<200xi32, #tpu.memory_space<hbm>>) target(%dma_start3A_583 : memref<200xi32, #tpu.memory_space<vmem>>) target_semaphore(%arg17 : memref<!tpu.dma_semaphore, #tpu.memory_space<semaphore_mem>>)
      } else {
      }
      %ge3A_428 = arith.constant 3 : i32
      %ge3A_429 = arith.cmpi sge, %add3A_414, %ge3A_428 : i32
      %convert_element_type3A_430 = arith.extui %ge3A_429 : i1 to i32
      %cond3A_431 = arith.constant 0 : i32
      %cond3A_432 = arith.cmpi ne, %convert_element_type3A_430, %cond3A_431 : i32
      scf.if %cond3A_432 {
        %dma_wait3A_555 = arith.constant 0 : i32
        %dma_wait3A_556 = arith.constant 0 : i32
        %dma_wait3A_557 = arith.constant 0 : i32
        %dma_wait3A_558 = tpu.memref_slice %arg14[%dma_wait3A_556, %dma_wait3A_557] : memref<400x64xf32, #tpu.memory_space<vmem>> -> memref<200x64xf32, #tpu.memory_space<vmem>>
        %dma_wait3A_559 = arith.constant 0 : i32
        %dma_wait3A_560 = arith.constant 0 : i32
        %dma_wait3A_561 = tpu.memref_slice %arg5[%dma_wait3A_555, %dma_wait3A_559, %dma_wait3A_560] : memref<4096x200x64xf32, #tpu.memory_space<hbm>> -> memref<1x200x64xf32, #tpu.memory_space<hbm>>
        %dma_wait3A_562 = tpu.memref_squeeze %dma_wait3A_561 : memref<1x200x64xf32, #tpu.memory_space<hbm>> -> memref<200x64xf32, #tpu.memory_space<hbm>>
        %dma_wait3A_563 = arith.constant 0 : i32
        %dma_wait3A_564 = arith.constant 0 : i32
        %dma_wait3A_565 = tpu.memref_slice %arg5[%dma_wait3A_555, %dma_wait3A_563, %dma_wait3A_564] : memref<4096x200x64xf32, #tpu.memory_space<hbm>> -> memref<1x200x64xf32, #tpu.memory_space<hbm>>
        %dma_wait3A_566 = tpu.memref_squeeze %dma_wait3A_565 : memref<1x200x64xf32, #tpu.memory_space<hbm>> -> memref<200x64xf32, #tpu.memory_space<hbm>>
        %dma_wait3A_567 = arith.constant 0 : i32
        %dma_wait3A_568 = arith.constant 0 : i32
        %dma_wait3A_569 = tpu.memref_slice %arg14[%dma_wait3A_567, %dma_wait3A_568] : memref<400x64xf32, #tpu.memory_space<vmem>> -> memref<200x64xf32, #tpu.memory_space<vmem>>
        tpu.wait_dma2 semaphore(%arg26 : memref<!tpu.dma_semaphore, #tpu.memory_space<semaphore_mem>>) src(%dma_wait3A_569 : memref<200x64xf32, #tpu.memory_space<vmem>>) dst(%dma_wait3A_566 : memref<200x64xf32, #tpu.memory_space<hbm>>)
        %dma_wait3A_570 = arith.constant 0 : i32
        %dma_wait3A_571 = arith.constant 200 : i32
        %dma_wait3A_572 = arith.constant 0 : i32
        %dma_wait3A_573 = tpu.memref_slice %arg14[%dma_wait3A_571, %dma_wait3A_572] : memref<400x64xf32, #tpu.memory_space<vmem>> -> memref<200x64xf32, #tpu.memory_space<vmem>>
        %dma_wait3A_574 = arith.constant 0 : i32
        %dma_wait3A_575 = arith.constant 0 : i32
        %dma_wait3A_576 = tpu.memref_slice %arg5[%dma_wait3A_570, %dma_wait3A_574, %dma_wait3A_575] : memref<4096x200x64xf32, #tpu.memory_space<hbm>> -> memref<1x200x64xf32, #tpu.memory_space<hbm>>
        %dma_wait3A_577 = tpu.memref_squeeze %dma_wait3A_576 : memref<1x200x64xf32, #tpu.memory_space<hbm>> -> memref<200x64xf32, #tpu.memory_space<hbm>>
        %dma_wait3A_578 = arith.constant 0 : i32
        %dma_wait3A_579 = arith.constant 0 : i32
        %dma_wait3A_580 = tpu.memref_slice %arg5[%dma_wait3A_570, %dma_wait3A_578, %dma_wait3A_579] : memref<4096x200x64xf32, #tpu.memory_space<hbm>> -> memref<1x200x64xf32, #tpu.memory_space<hbm>>
        %dma_wait3A_581 = tpu.memref_squeeze %dma_wait3A_580 : memref<1x200x64xf32, #tpu.memory_space<hbm>> -> memref<200x64xf32, #tpu.memory_space<hbm>>
        %dma_wait3A_582 = arith.constant 200 : i32
        %dma_wait3A_583 = arith.constant 0 : i32
        %dma_wait3A_584 = tpu.memref_slice %arg14[%dma_wait3A_582, %dma_wait3A_583] : memref<400x64xf32, #tpu.memory_space<vmem>> -> memref<200x64xf32, #tpu.memory_space<vmem>>
        tpu.wait_dma2 semaphore(%arg26 : memref<!tpu.dma_semaphore, #tpu.memory_space<semaphore_mem>>) src(%dma_wait3A_584 : memref<200x64xf32, #tpu.memory_space<vmem>>) dst(%dma_wait3A_581 : memref<200x64xf32, #tpu.memory_space<hbm>>)
      } else {
      }
      %add3A_433 = arith.constant 1 : i32
      %add3A_434 = arith.addi %add3A_414, %add3A_433 : i32
      %lt3A_435 = arith.constant 64 : i32
      %lt3A_436 = arith.cmpi slt, %add3A_434, %lt3A_435 : i32
      %convert_element_type3A_437 = arith.extui %lt3A_436 : i1 to i32
      %cond3A_438 = arith.constant 0 : i32
      %cond3A_439 = arith.cmpi ne, %convert_element_type3A_437, %cond3A_438 : i32
      scf.if %cond3A_439 {
        %dma_wait3A_555 = arith.constant 0 : i32
        %dma_wait3A_556 = arith.constant 0 : i32
        %dma_wait3A_557 = tpu.memref_slice %arg10[%dma_wait3A_556] : memref<400xi32, #tpu.memory_space<vmem>> -> memref<200xi32, #tpu.memory_space<vmem>>
        %dma_wait3A_558 = arith.constant 0 : i32
        %dma_wait3A_559 = tpu.memref_slice %arg2[%dma_wait3A_555, %dma_wait3A_558] : memref<4096x200xi32, #tpu.memory_space<hbm>> -> memref<1x200xi32, #tpu.memory_space<hbm>>
        %dma_wait3A_560 = tpu.memref_squeeze %dma_wait3A_559 : memref<1x200xi32, #tpu.memory_space<hbm>> -> memref<200xi32, #tpu.memory_space<hbm>>
        %dma_wait3A_561 = arith.constant 0 : i32
        %dma_wait3A_562 = tpu.memref_slice %arg10[%dma_wait3A_561] : memref<400xi32, #tpu.memory_space<vmem>> -> memref<200xi32, #tpu.memory_space<vmem>>
        %dma_wait3A_563 = arith.constant 0 : i32
        %dma_wait3A_564 = tpu.memref_slice %arg2[%dma_wait3A_555, %dma_wait3A_563] : memref<4096x200xi32, #tpu.memory_space<hbm>> -> memref<1x200xi32, #tpu.memory_space<hbm>>
        %dma_wait3A_565 = tpu.memref_squeeze %dma_wait3A_564 : memref<1x200xi32, #tpu.memory_space<hbm>> -> memref<200xi32, #tpu.memory_space<hbm>>
        tpu.wait_dma2 semaphore(%arg18 : memref<!tpu.dma_semaphore, #tpu.memory_space<semaphore_mem>>) src(%dma_wait3A_565 : memref<200xi32, #tpu.memory_space<hbm>>) dst(%dma_wait3A_562 : memref<200xi32, #tpu.memory_space<vmem>>)
        %dma_wait3A_566 = arith.constant 0 : i32
        %dma_wait3A_567 = arith.constant 200 : i32
        %dma_wait3A_568 = tpu.memref_slice %arg10[%dma_wait3A_567] : memref<400xi32, #tpu.memory_space<vmem>> -> memref<200xi32, #tpu.memory_space<vmem>>
        %dma_wait3A_569 = arith.constant 0 : i32
        %dma_wait3A_570 = tpu.memref_slice %arg2[%dma_wait3A_566, %dma_wait3A_569] : memref<4096x200xi32, #tpu.memory_space<hbm>> -> memref<1x200xi32, #tpu.memory_space<hbm>>
        %dma_wait3A_571 = tpu.memref_squeeze %dma_wait3A_570 : memref<1x200xi32, #tpu.memory_space<hbm>> -> memref<200xi32, #tpu.memory_space<hbm>>
        %dma_wait3A_572 = arith.constant 200 : i32
        %dma_wait3A_573 = tpu.memref_slice %arg10[%dma_wait3A_572] : memref<400xi32, #tpu.memory_space<vmem>> -> memref<200xi32, #tpu.memory_space<vmem>>
        %dma_wait3A_574 = arith.constant 0 : i32
        %dma_wait3A_575 = tpu.memref_slice %arg2[%dma_wait3A_566, %dma_wait3A_574] : memref<4096x200xi32, #tpu.memory_space<hbm>> -> memref<1x200xi32, #tpu.memory_space<hbm>>
        %dma_wait3A_576 = tpu.memref_squeeze %dma_wait3A_575 : memref<1x200xi32, #tpu.memory_space<hbm>> -> memref<200xi32, #tpu.memory_space<hbm>>
        tpu.wait_dma2 semaphore(%arg18 : memref<!tpu.dma_semaphore, #tpu.memory_space<semaphore_mem>>) src(%dma_wait3A_576 : memref<200xi32, #tpu.memory_space<hbm>>) dst(%dma_wait3A_573 : memref<200xi32, #tpu.memory_space<vmem>>)
        %dma_start3A_577 = arith.constant 0 : i32
        %dma_start3A_578 = arith.constant 0 : i32
        %dma_start3A_579 = tpu.memref_slice %arg14[%dma_start3A_577, %dma_start3A_578] : memref<400x64xf32, #tpu.memory_space<vmem>> -> memref<80x64xf32, #tpu.memory_space<vmem>>
        %dma_start3A_580 = arith.constant 0 : i32
        %dma_start3A_581 = tpu.memref_slice %arg10[%dma_start3A_580] : memref<400xi32, #tpu.memory_space<vmem>> -> memref<80xi32, #tpu.memory_space<vmem>>
        %dma_start3A_582 = arith.constant 0 : i32
        %dma_start3A_583 = arith.constant 0 : i32
        %dma_start3A_584 = tpu.memref_slice %arg3[%dma_start3A_582, %dma_start3A_583] : memref<1000000x64xf32, #tpu.memory_space<hbm>> -> memref<1000000x64xf32, #tpu.memory_space<hbm>>
        tpu.enqueue_indirect_dma source(%dma_start3A_584 : memref<1000000x64xf32, #tpu.memory_space<hbm>>) target(%dma_start3A_579 : memref<80x64xf32, #tpu.memory_space<vmem>>) offsets(%dma_start3A_581 : memref<80xi32, #tpu.memory_space<vmem>>) semaphore(%arg22 : memref<!tpu.dma_semaphore, #tpu.memory_space<semaphore_mem>>)
        %dma_start3A_585 = arith.constant 80 : i32
        %dma_start3A_586 = arith.constant 0 : i32
        %dma_start3A_587 = tpu.memref_slice %arg14[%dma_start3A_585, %dma_start3A_586] : memref<400x64xf32, #tpu.memory_space<vmem>> -> memref<80x64xf32, #tpu.memory_space<vmem>>
        %dma_start3A_588 = arith.constant 80 : i32
        %dma_start3A_589 = tpu.memref_slice %arg10[%dma_start3A_588] : memref<400xi32, #tpu.memory_space<vmem>> -> memref<80xi32, #tpu.memory_space<vmem>>
        %dma_start3A_590 = arith.constant 0 : i32
        %dma_start3A_591 = arith.constant 0 : i32
        %dma_start3A_592 = tpu.memref_slice %arg3[%dma_start3A_590, %dma_start3A_591] : memref<1000000x64xf32, #tpu.memory_space<hbm>> -> memref<1000000x64xf32, #tpu.memory_space<hbm>>
        tpu.enqueue_indirect_dma source(%dma_start3A_592 : memref<1000000x64xf32, #tpu.memory_space<hbm>>) target(%dma_start3A_587 : memref<80x64xf32, #tpu.memory_space<vmem>>) offsets(%dma_start3A_589 : memref<80xi32, #tpu.memory_space<vmem>>) semaphore(%arg22 : memref<!tpu.dma_semaphore, #tpu.memory_space<semaphore_mem>>)
        %dma_start3A_593 = arith.constant 160 : i32
        %dma_start3A_594 = arith.constant 0 : i32
        %dma_start3A_595 = tpu.memref_slice %arg14[%dma_start3A_593, %dma_start3A_594] : memref<400x64xf32, #tpu.memory_space<vmem>> -> memref<80x64xf32, #tpu.memory_space<vmem>>
        %dma_start3A_596 = arith.constant 160 : i32
        %dma_start3A_597 = tpu.memref_slice %arg10[%dma_start3A_596] : memref<400xi32, #tpu.memory_space<vmem>> -> memref<80xi32, #tpu.memory_space<vmem>>
        %dma_start3A_598 = arith.constant 0 : i32
        %dma_start3A_599 = arith.constant 0 : i32
        %dma_start3A_600 = tpu.memref_slice %arg3[%dma_start3A_598, %dma_start3A_599] : memref<1000000x64xf32, #tpu.memory_space<hbm>> -> memref<1000000x64xf32, #tpu.memory_space<hbm>>
        tpu.enqueue_indirect_dma source(%dma_start3A_600 : memref<1000000x64xf32, #tpu.memory_space<hbm>>) target(%dma_start3A_595 : memref<80x64xf32, #tpu.memory_space<vmem>>) offsets(%dma_start3A_597 : memref<80xi32, #tpu.memory_space<vmem>>) semaphore(%arg22 : memref<!tpu.dma_semaphore, #tpu.memory_space<semaphore_mem>>)
        %dma_start3A_601 = arith.constant 240 : i32
        %dma_start3A_602 = arith.constant 0 : i32
        %dma_start3A_603 = tpu.memref_slice %arg14[%dma_start3A_601, %dma_start3A_602] : memref<400x64xf32, #tpu.memory_space<vmem>> -> memref<80x64xf32, #tpu.memory_space<vmem>>
        %dma_start3A_604 = arith.constant 240 : i32
        %dma_start3A_605 = tpu.memref_slice %arg10[%dma_start3A_604] : memref<400xi32, #tpu.memory_space<vmem>> -> memref<80xi32, #tpu.memory_space<vmem>>
        %dma_start3A_606 = arith.constant 0 : i32
        %dma_start3A_607 = arith.constant 0 : i32
        %dma_start3A_608 = tpu.memref_slice %arg3[%dma_start3A_606, %dma_start3A_607] : memref<1000000x64xf32, #tpu.memory_space<hbm>> -> memref<1000000x64xf32, #tpu.memory_space<hbm>>
        tpu.enqueue_indirect_dma source(%dma_start3A_608 : memref<1000000x64xf32, #tpu.memory_space<hbm>>) target(%dma_start3A_603 : memref<80x64xf32, #tpu.memory_space<vmem>>) offsets(%dma_start3A_605 : memref<80xi32, #tpu.memory_space<vmem>>) semaphore(%arg22 : memref<!tpu.dma_semaphore, #tpu.memory_space<semaphore_mem>>)
        %dma_start3A_609 = arith.constant 320 : i32
        %dma_start3A_610 = arith.constant 0 : i32
        %dma_start3A_611 = tpu.memref_slice %arg14[%dma_start3A_609, %dma_start3A_610] : memref<400x64xf32, #tpu.memory_space<vmem>> -> memref<80x64xf32, #tpu.memory_space<vmem>>
        %dma_start3A_612 = arith.constant 320 : i32
        %dma_start3A_613 = tpu.memref_slice %arg10[%dma_start3A_612] : memref<400xi32, #tpu.memory_space<vmem>> -> memref<80xi32, #tpu.memory_space<vmem>>
        %dma_start3A_614 = arith.constant 0 : i32
        %dma_start3A_615 = arith.constant 0 : i32
        %dma_start3A_616 = tpu.memref_slice %arg3[%dma_start3A_614, %dma_start3A_615] : memref<1000000x64xf32, #tpu.memory_space<hbm>> -> memref<1000000x64xf32, #tpu.memory_space<hbm>>
        tpu.enqueue_indirect_dma source(%dma_start3A_616 : memref<1000000x64xf32, #tpu.memory_space<hbm>>) target(%dma_start3A_611 : memref<80x64xf32, #tpu.memory_space<vmem>>) offsets(%dma_start3A_613 : memref<80xi32, #tpu.memory_space<vmem>>) semaphore(%arg22 : memref<!tpu.dma_semaphore, #tpu.memory_space<semaphore_mem>>)
      } else {
      }
      %scan3A_440 = arith.constant 0 : i32
      %scan3A_441 = arith.constant 0 : i32
      %scan3A_442 = arith.constant 200 : i32
      %scan3A_443 = arith.addi %scan3A_441, %scan3A_442 : i32
      %scan3A_444 = arith.constant 1 : i32
      scf.for %scan3A_555 = %scan3A_441 to %scan3A_443 step %scan3A_444  : i32 {
        %get3A = arith.index_cast %scan3A_555 : i32 to index
        %get3A_556 = arith.constant 0 : index
        %get3A_557 = tpu.vector_load %arg6[%get3A, %get3A_556] {strides = array<i32>} : memref<200x64xf32, #tpu.memory_space<vmem>>, vector<1x16xf32>,
        %get3A_558 = vector.shape_cast %get3A_557 : vector<1x16xf32> to vector<16xf32>
        %add3A_559 = arith.constant 0 : i32
        %add3A_560 = arith.addi %scan3A_555, %add3A_559 : i32
        %get3A_561 = arith.index_cast %add3A_560 : i32 to index
        %get3A_562 = arith.constant 0 : index
        %get3A_563 = tpu.vector_load %arg13[%get3A_561, %get3A_562] {strides = array<i32>} : memref<400x64xf32, #tpu.memory_space<vmem>>, vector<1x16xf32>,
        %get3A_564 = vector.shape_cast %get3A_563 : vector<1x16xf32> to vector<16xf32>
        %add3A_565 = arith.addf %get3A_564, %get3A_558 : vector<16xf32>
        %swap3A = arith.index_cast %add3A_560 : i32 to index
        %swap3A_566 = arith.constant 0 : index
        %swap3A_567 = tpu.vector_load %arg13[%swap3A, %swap3A_566] {strides = array<i32>} : memref<400x64xf32, #tpu.memory_space<vmem>>, vector<1x16xf32>,
        %swap3A_568 = vector.shape_cast %swap3A_567 : vector<1x16xf32> to vector<16xf32>
        %swap3A_569 = vector.shape_cast %add3A_565 : vector<16xf32> to vector<1x16xf32>
        tpu.vector_store %arg13[%swap3A, %swap3A_566], %swap3A_569 {strides = array<i32>} : memref<400x64xf32, #tpu.memory_space<vmem>>, vector<1x16xf32>,
        %add3A_570 = arith.constant 200 : i32
        %add3A_571 = arith.addi %scan3A_555, %add3A_570 : i32
        %get3A_572 = arith.index_cast %add3A_571 : i32 to index
        %get3A_573 = arith.constant 0 : index
        %get3A_574 = tpu.vector_load %arg13[%get3A_572, %get3A_573] {strides = array<i32>} : memref<400x64xf32, #tpu.memory_space<vmem>>, vector<1x16xf32>,
        %get3A_575 = vector.shape_cast %get3A_574 : vector<1x16xf32> to vector<16xf32>
        %add3A_576 = arith.addf %get3A_575, %get3A_558 : vector<16xf32>
        %swap3A_577 = arith.index_cast %add3A_571 : i32 to index
        %swap3A_578 = arith.constant 0 : index
        %swap3A_579 = tpu.vector_load %arg13[%swap3A_577, %swap3A_578] {strides = array<i32>} : memref<400x64xf32, #tpu.memory_space<vmem>>, vector<1x16xf32>,
        %swap3A_580 = vector.shape_cast %swap3A_579 : vector<1x16xf32> to vector<16xf32>
        %swap3A_581 = vector.shape_cast %add3A_576 : vector<16xf32> to vector<1x16xf32>
        tpu.vector_store %arg13[%swap3A_577, %swap3A_578], %swap3A_581 {strides = array<i32>} : memref<400x64xf32, #tpu.memory_space<vmem>>, vector<1x16xf32>,
        %get3A_582 = arith.index_cast %scan3A_555 : i32 to index
        %get3A_583 = arith.constant 16 : index
        %get3A_584 = tpu.vector_load %arg6[%get3A_582, %get3A_583] {strides = array<i32>} : memref<200x64xf32, #tpu.memory_space<vmem>>, vector<1x16xf32>,
        %get3A_585 = vector.shape_cast %get3A_584 : vector<1x16xf32> to vector<16xf32>
        %add3A_586 = arith.constant 0 : i32
        %add3A_587 = arith.addi %scan3A_555, %add3A_586 : i32
        %get3A_588 = arith.index_cast %add3A_587 : i32 to index
        %get3A_589 = arith.constant 16 : index
        %get3A_590 = tpu.vector_load %arg13[%get3A_588, %get3A_589] {strides = array<i32>} : memref<400x64xf32, #tpu.memory_space<vmem>>, vector<1x16xf32>,
        %get3A_591 = vector.shape_cast %get3A_590 : vector<1x16xf32> to vector<16xf32>
        %add3A_592 = arith.addf %get3A_591, %get3A_585 : vector<16xf32>
        %swap3A_593 = arith.index_cast %add3A_587 : i32 to index
        %swap3A_594 = arith.constant 16 : index
        %swap3A_595 = tpu.vector_load %arg13[%swap3A_593, %swap3A_594] {strides = array<i32>} : memref<400x64xf32, #tpu.memory_space<vmem>>, vector<1x16xf32>,
        %swap3A_596 = vector.shape_cast %swap3A_595 : vector<1x16xf32> to vector<16xf32>
        %swap3A_597 = vector.shape_cast %add3A_592 : vector<16xf32> to vector<1x16xf32>
        tpu.vector_store %arg13[%swap3A_593, %swap3A_594], %swap3A_597 {strides = array<i32>} : memref<400x64xf32, #tpu.memory_space<vmem>>, vector<1x16xf32>,
        %add3A_598 = arith.constant 200 : i32
        %add3A_599 = arith.addi %scan3A_555, %add3A_598 : i32
        %get3A_600 = arith.index_cast %add3A_599 : i32 to index
        %get3A_601 = arith.constant 16 : index
        %get3A_602 = tpu.vector_load %arg13[%get3A_600, %get3A_601] {strides = array<i32>} : memref<400x64xf32, #tpu.memory_space<vmem>>, vector<1x16xf32>,
        %get3A_603 = vector.shape_cast %get3A_602 : vector<1x16xf32> to vector<16xf32>
        %add3A_604 = arith.addf %get3A_603, %get3A_585 : vector<16xf32>
        %swap3A_605 = arith.index_cast %add3A_599 : i32 to index
        %swap3A_606 = arith.constant 16 : index
        %swap3A_607 = tpu.vector_load %arg13[%swap3A_605, %swap3A_606] {strides = array<i32>} : memref<400x64xf32, #tpu.memory_space<vmem>>, vector<1x16xf32>,
        %swap3A_608 = vector.shape_cast %swap3A_607 : vector<1x16xf32> to vector<16xf32>
        %swap3A_609 = vector.shape_cast %add3A_604 : vector<16xf32> to vector<1x16xf32>
        tpu.vector_store %arg13[%swap3A_605, %swap3A_606], %swap3A_609 {strides = array<i32>} : memref<400x64xf32, #tpu.memory_space<vmem>>, vector<1x16xf32>,
        %get3A_610 = arith.index_cast %scan3A_555 : i32 to index
        %get3A_611 = arith.constant 32 : index
        %get3A_612 = tpu.vector_load %arg6[%get3A_610, %get3A_611] {strides = array<i32>} : memref<200x64xf32, #tpu.memory_space<vmem>>, vector<1x16xf32>,
        %get3A_613 = vector.shape_cast %get3A_612 : vector<1x16xf32> to vector<16xf32>
        %add3A_614 = arith.constant 0 : i32
        %add3A_615 = arith.addi %scan3A_555, %add3A_614 : i32
        %get3A_616 = arith.index_cast %add3A_615 : i32 to index
        %get3A_617 = arith.constant 32 : index
        %get3A_618 = tpu.vector_load %arg13[%get3A_616, %get3A_617] {strides = array<i32>} : memref<400x64xf32, #tpu.memory_space<vmem>>, vector<1x16xf32>,
        %get3A_619 = vector.shape_cast %get3A_618 : vector<1x16xf32> to vector<16xf32>
        %add3A_620 = arith.addf %get3A_619, %get3A_613 : vector<16xf32>
        %swap3A_621 = arith.index_cast %add3A_615 : i32 to index
        %swap3A_622 = arith.constant 32 : index
        %swap3A_623 = tpu.vector_load %arg13[%swap3A_621, %swap3A_622] {strides = array<i32>} : memref<400x64xf32, #tpu.memory_space<vmem>>, vector<1x16xf32>,
        %swap3A_624 = vector.shape_cast %swap3A_623 : vector<1x16xf32> to vector<16xf32>
        %swap3A_625 = vector.shape_cast %add3A_620 : vector<16xf32> to vector<1x16xf32>
        tpu.vector_store %arg13[%swap3A_621, %swap3A_622], %swap3A_625 {strides = array<i32>} : memref<400x64xf32, #tpu.memory_space<vmem>>, vector<1x16xf32>,
        %add3A_626 = arith.constant 200 : i32
        %add3A_627 = arith.addi %scan3A_555, %add3A_626 : i32
        %get3A_628 = arith.index_cast %add3A_627 : i32 to index
        %get3A_629 = arith.constant 32 : index
        %get3A_630 = tpu.vector_load %arg13[%get3A_628, %get3A_629] {strides = array<i32>} : memref<400x64xf32, #tpu.memory_space<vmem>>, vector<1x16xf32>,
        %get3A_631 = vector.shape_cast %get3A_630 : vector<1x16xf32> to vector<16xf32>
        %add3A_632 = arith.addf %get3A_631, %get3A_613 : vector<16xf32>
        %swap3A_633 = arith.index_cast %add3A_627 : i32 to index
        %swap3A_634 = arith.constant 32 : index
        %swap3A_635 = tpu.vector_load %arg13[%swap3A_633, %swap3A_634] {strides = array<i32>} : memref<400x64xf32, #tpu.memory_space<vmem>>, vector<1x16xf32>,
        %swap3A_636 = vector.shape_cast %swap3A_635 : vector<1x16xf32> to vector<16xf32>
        %swap3A_637 = vector.shape_cast %add3A_632 : vector<16xf32> to vector<1x16xf32>
        tpu.vector_store %arg13[%swap3A_633, %swap3A_634], %swap3A_637 {strides = array<i32>} : memref<400x64xf32, #tpu.memory_space<vmem>>, vector<1x16xf32>,
        %get3A_638 = arith.index_cast %scan3A_555 : i32 to index
        %get3A_639 = arith.constant 48 : index
        %get3A_640 = tpu.vector_load %arg6[%get3A_638, %get3A_639] {strides = array<i32>} : memref<200x64xf32, #tpu.memory_space<vmem>>, vector<1x16xf32>,
        %get3A_641 = vector.shape_cast %get3A_640 : vector<1x16xf32> to vector<16xf32>
        %add3A_642 = arith.constant 0 : i32
        %add3A_643 = arith.addi %scan3A_555, %add3A_642 : i32
        %get3A_644 = arith.index_cast %add3A_643 : i32 to index
        %get3A_645 = arith.constant 48 : index
        %get3A_646 = tpu.vector_load %arg13[%get3A_644, %get3A_645] {strides = array<i32>} : memref<400x64xf32, #tpu.memory_space<vmem>>, vector<1x16xf32>,
        %get3A_647 = vector.shape_cast %get3A_646 : vector<1x16xf32> to vector<16xf32>
        %add3A_648 = arith.addf %get3A_647, %get3A_641 : vector<16xf32>
        %swap3A_649 = arith.index_cast %add3A_643 : i32 to index
        %swap3A_650 = arith.constant 48 : index
        %swap3A_651 = tpu.vector_load %arg13[%swap3A_649, %swap3A_650] {strides = array<i32>} : memref<400x64xf32, #tpu.memory_space<vmem>>, vector<1x16xf32>,
        %swap3A_652 = vector.shape_cast %swap3A_651 : vector<1x16xf32> to vector<16xf32>
        %swap3A_653 = vector.shape_cast %add3A_648 : vector<16xf32> to vector<1x16xf32>
        tpu.vector_store %arg13[%swap3A_649, %swap3A_650], %swap3A_653 {strides = array<i32>} : memref<400x64xf32, #tpu.memory_space<vmem>>, vector<1x16xf32>,
        %add3A_654 = arith.constant 200 : i32
        %add3A_655 = arith.addi %scan3A_555, %add3A_654 : i32
        %get3A_656 = arith.index_cast %add3A_655 : i32 to index
        %get3A_657 = arith.constant 48 : index
        %get3A_658 = tpu.vector_load %arg13[%get3A_656, %get3A_657] {strides = array<i32>} : memref<400x64xf32, #tpu.memory_space<vmem>>, vector<1x16xf32>,
        %get3A_659 = vector.shape_cast %get3A_658 : vector<1x16xf32> to vector<16xf32>
        %add3A_660 = arith.addf %get3A_659, %get3A_641 : vector<16xf32>
        %swap3A_661 = arith.index_cast %add3A_655 : i32 to index
        %swap3A_662 = arith.constant 48 : index
        %swap3A_663 = tpu.vector_load %arg13[%swap3A_661, %swap3A_662] {strides = array<i32>} : memref<400x64xf32, #tpu.memory_space<vmem>>, vector<1x16xf32>,
        %swap3A_664 = vector.shape_cast %swap3A_663 : vector<1x16xf32> to vector<16xf32>
        %swap3A_665 = vector.shape_cast %add3A_660 : vector<16xf32> to vector<1x16xf32>
        tpu.vector_store %arg13[%swap3A_661, %swap3A_662], %swap3A_665 {strides = array<i32>} : memref<400x64xf32, #tpu.memory_space<vmem>>, vector<1x16xf32>,
      }
      %scan3A_445 = arith.constant 200 : i32
      %mul3A_446 = arith.constant 2 : i32
      %mul3A_447 = arith.muli %add3A_414, %mul3A_446 : i32
      %add3A_448 = arith.addi %mul3A_4, %mul3A_447 : i32
      %add3A_449 = arith.constant 0 : i32
      %add3A_450 = arith.addi %add3A_448, %add3A_449 : i32
      %dma_start3A_451 = arith.constant 0 : i32
      %dma_start3A_452 = arith.constant 0 : i32
      %dma_start3A_453 = tpu.memref_slice %arg13[%dma_start3A_451, %dma_start3A_452] : memref<400x64xf32, #tpu.memory_space<vmem>> -> memref<200x64xf32, #tpu.memory_space<vmem>>
      %dma_start3A_454 = arith.constant 0 : i32
      %dma_start3A_455 = arith.constant 0 : i32
      %dma_start3A_456 = tpu.memref_slice %arg5[%add3A_450, %dma_start3A_454, %dma_start3A_455] : memref<4096x200x64xf32, #tpu.memory_space<hbm>> -> memref<1x200x64xf32, #tpu.memory_space<hbm>>
      %dma_start3A_457 = tpu.memref_squeeze %dma_start3A_456 : memref<1x200x64xf32, #tpu.memory_space<hbm>> -> memref<200x64xf32, #tpu.memory_space<hbm>>
      %dma_start3A_458 = arith.constant 0 : i32
      %dma_start3A_459 = arith.constant 0 : i32
      %dma_start3A_460 = tpu.memref_slice %arg5[%add3A_450, %dma_start3A_458, %dma_start3A_459] : memref<4096x200x64xf32, #tpu.memory_space<hbm>> -> memref<1x200x64xf32, #tpu.memory_space<hbm>>
      %dma_start3A_461 = tpu.memref_squeeze %dma_start3A_460 : memref<1x200x64xf32, #tpu.memory_space<hbm>> -> memref<200x64xf32, #tpu.memory_space<hbm>>
      %dma_start3A_462 = arith.constant 0 : i32
      %dma_start3A_463 = arith.constant 0 : i32
      %dma_start3A_464 = tpu.memref_slice %arg13[%dma_start3A_462, %dma_start3A_463] : memref<400x64xf32, #tpu.memory_space<vmem>> -> memref<200x64xf32, #tpu.memory_space<vmem>>
      tpu.enqueue_dma source(%dma_start3A_464 : memref<200x64xf32, #tpu.memory_space<vmem>>) target(%dma_start3A_461 : memref<200x64xf32, #tpu.memory_space<hbm>>) target_semaphore(%arg25 : memref<!tpu.dma_semaphore, #tpu.memory_space<semaphore_mem>>)
      %mul3A_465 = arith.constant 2 : i32
      %mul3A_466 = arith.muli %add3A_414, %mul3A_465 : i32
      %add3A_467 = arith.addi %mul3A_4, %mul3A_466 : i32
      %add3A_468 = arith.constant 1 : i32
      %add3A_469 = arith.addi %add3A_467, %add3A_468 : i32
      %dma_start3A_470 = arith.constant 200 : i32
      %dma_start3A_471 = arith.constant 0 : i32
      %dma_start3A_472 = tpu.memref_slice %arg13[%dma_start3A_470, %dma_start3A_471] : memref<400x64xf32, #tpu.memory_space<vmem>> -> memref<200x64xf32, #tpu.memory_space<vmem>>
      %dma_start3A_473 = arith.constant 0 : i32
      %dma_start3A_474 = arith.constant 0 : i32
      %dma_start3A_475 = tpu.memref_slice %arg5[%add3A_469, %dma_start3A_473, %dma_start3A_474] : memref<4096x200x64xf32, #tpu.memory_space<hbm>> -> memref<1x200x64xf32, #tpu.memory_space<hbm>>
      %dma_start3A_476 = tpu.memref_squeeze %dma_start3A_475 : memref<1x200x64xf32, #tpu.memory_space<hbm>> -> memref<200x64xf32, #tpu.memory_space<hbm>>
      %dma_start3A_477 = arith.constant 0 : i32
      %dma_start3A_478 = arith.constant 0 : i32
      %dma_start3A_479 = tpu.memref_slice %arg5[%add3A_469, %dma_start3A_477, %dma_start3A_478] : memref<4096x200x64xf32, #tpu.memory_space<hbm>> -> memref<1x200x64xf32, #tpu.memory_space<hbm>>
      %dma_start3A_480 = tpu.memref_squeeze %dma_start3A_479 : memref<1x200x64xf32, #tpu.memory_space<hbm>> -> memref<200x64xf32, #tpu.memory_space<hbm>>
      %dma_start3A_481 = arith.constant 200 : i32
      %dma_start3A_482 = arith.constant 0 : i32
      %dma_start3A_483 = tpu.memref_slice %arg13[%dma_start3A_481, %dma_start3A_482] : memref<400x64xf32, #tpu.memory_space<vmem>> -> memref<200x64xf32, #tpu.memory_space<vmem>>
      tpu.enqueue_dma source(%dma_start3A_483 : memref<200x64xf32, #tpu.memory_space<vmem>>) target(%dma_start3A_480 : memref<200x64xf32, #tpu.memory_space<hbm>>) target_semaphore(%arg25 : memref<!tpu.dma_semaphore, #tpu.memory_space<semaphore_mem>>)
      %add3A_484 = arith.constant 3 : i32
      %add3A_485 = arith.addi %mul3A_274, %add3A_484 : i32
      %dma_wait3A_486 = arith.constant 0 : i32
      %dma_wait3A_487 = arith.constant 0 : i32
      %dma_wait3A_488 = tpu.memref_slice %arg3[%dma_wait3A_486, %dma_wait3A_487] : memref<1000000x64xf32, #tpu.memory_space<hbm>> -> memref<400x64xf32, #tpu.memory_space<hbm>>
      %dma_wait3A_489 = arith.constant 0 : i32
      %dma_wait3A_490 = arith.constant 0 : i32
      %dma_wait3A_491 = tpu.memref_slice %arg3[%dma_wait3A_489, %dma_wait3A_490] : memref<1000000x64xf32, #tpu.memory_space<hbm>> -> memref<400x64xf32, #tpu.memory_space<hbm>>
      tpu.wait_dma2 semaphore(%arg22 : memref<!tpu.dma_semaphore, #tpu.memory_space<semaphore_mem>>) src(%dma_wait3A_491 : memref<400x64xf32, #tpu.memory_space<hbm>>) dst(%arg14 : memref<400x64xf32, #tpu.memory_space<vmem>>)
      %add3A_492 = arith.constant 4 : i32
      %add3A_493 = arith.addi %add3A_485, %add3A_492 : i32
      %lt3A_494 = arith.constant 64 : i32
      %lt3A_495 = arith.cmpi slt, %add3A_493, %lt3A_494 : i32
      %convert_element_type3A_496 = arith.extui %lt3A_495 : i1 to i32
      %cond3A_497 = arith.constant 0 : i32
      %cond3A_498 = arith.cmpi ne, %convert_element_type3A_496, %cond3A_497 : i32
      scf.if %cond3A_498 {
        %add3A_555 = arith.constant 4 : i32
        %add3A_556 = arith.addi %add3A_485, %add3A_555 : i32
        %mul3A_557 = arith.constant 2 : i32
        %mul3A_558 = arith.muli %add3A_556, %mul3A_557 : i32
        %add3A_559 = arith.addi %mul3A_2, %mul3A_558 : i32
        %add3A_560 = arith.constant 0 : i32
        %add3A_561 = arith.addi %add3A_559, %add3A_560 : i32
        %dma_start3A_562 = arith.constant 0 : i32
        %dma_start3A_563 = tpu.memref_slice %arg10[%dma_start3A_562] : memref<400xi32, #tpu.memory_space<vmem>> -> memref<200xi32, #tpu.memory_space<vmem>>
        %dma_start3A_564 = arith.constant 0 : i32
        %dma_start3A_565 = tpu.memref_slice %arg2[%add3A_561, %dma_start3A_564] : memref<4096x200xi32, #tpu.memory_space<hbm>> -> memref<1x200xi32, #tpu.memory_space<hbm>>
        %dma_start3A_566 = tpu.memref_squeeze %dma_start3A_565 : memref<1x200xi32, #tpu.memory_space<hbm>> -> memref<200xi32, #tpu.memory_space<hbm>>
        %dma_start3A_567 = arith.constant 0 : i32
        %dma_start3A_568 = tpu.memref_slice %arg10[%dma_start3A_567] : memref<400xi32, #tpu.memory_space<vmem>> -> memref<200xi32, #tpu.memory_space<vmem>>
        %dma_start3A_569 = arith.constant 0 : i32
        %dma_start3A_570 = tpu.memref_slice %arg2[%add3A_561, %dma_start3A_569] : memref<4096x200xi32, #tpu.memory_space<hbm>> -> memref<1x200xi32, #tpu.memory_space<hbm>>
        %dma_start3A_571 = tpu.memref_squeeze %dma_start3A_570 : memref<1x200xi32, #tpu.memory_space<hbm>> -> memref<200xi32, #tpu.memory_space<hbm>>
        tpu.enqueue_dma source(%dma_start3A_571 : memref<200xi32, #tpu.memory_space<hbm>>) target(%dma_start3A_568 : memref<200xi32, #tpu.memory_space<vmem>>) target_semaphore(%arg18 : memref<!tpu.dma_semaphore, #tpu.memory_space<semaphore_mem>>)
        %mul3A_572 = arith.constant 2 : i32
        %mul3A_573 = arith.muli %add3A_556, %mul3A_572 : i32
        %add3A_574 = arith.addi %mul3A_2, %mul3A_573 : i32
        %add3A_575 = arith.constant 1 : i32
        %add3A_576 = arith.addi %add3A_574, %add3A_575 : i32
        %dma_start3A_577 = arith.constant 200 : i32
        %dma_start3A_578 = tpu.memref_slice %arg10[%dma_start3A_577] : memref<400xi32, #tpu.memory_space<vmem>> -> memref<200xi32, #tpu.memory_space<vmem>>
        %dma_start3A_579 = arith.constant 0 : i32
        %dma_start3A_580 = tpu.memref_slice %arg2[%add3A_576, %dma_start3A_579] : memref<4096x200xi32, #tpu.memory_space<hbm>> -> memref<1x200xi32, #tpu.memory_space<hbm>>
        %dma_start3A_581 = tpu.memref_squeeze %dma_start3A_580 : memref<1x200xi32, #tpu.memory_space<hbm>> -> memref<200xi32, #tpu.memory_space<hbm>>
        %dma_start3A_582 = arith.constant 200 : i32
        %dma_start3A_583 = tpu.memref_slice %arg10[%dma_start3A_582] : memref<400xi32, #tpu.memory_space<vmem>> -> memref<200xi32, #tpu.memory_space<vmem>>
        %dma_start3A_584 = arith.constant 0 : i32
        %dma_start3A_585 = tpu.memref_slice %arg2[%add3A_576, %dma_start3A_584] : memref<4096x200xi32, #tpu.memory_space<hbm>> -> memref<1x200xi32, #tpu.memory_space<hbm>>
        %dma_start3A_586 = tpu.memref_squeeze %dma_start3A_585 : memref<1x200xi32, #tpu.memory_space<hbm>> -> memref<200xi32, #tpu.memory_space<hbm>>
        tpu.enqueue_dma source(%dma_start3A_586 : memref<200xi32, #tpu.memory_space<hbm>>) target(%dma_start3A_583 : memref<200xi32, #tpu.memory_space<vmem>>) target_semaphore(%arg18 : memref<!tpu.dma_semaphore, #tpu.memory_space<semaphore_mem>>)
      } else {
      }
      %ge3A_499 = arith.constant 3 : i32
      %ge3A_500 = arith.cmpi sge, %add3A_485, %ge3A_499 : i32
      %convert_element_type3A_501 = arith.extui %ge3A_500 : i1 to i32
      %cond3A_502 = arith.constant 0 : i32
      %cond3A_503 = arith.cmpi ne, %convert_element_type3A_501, %cond3A_502 : i32
      scf.if %cond3A_503 {
        %dma_wait3A_555 = arith.constant 0 : i32
        %dma_wait3A_556 = arith.constant 0 : i32
        %dma_wait3A_557 = arith.constant 0 : i32
        %dma_wait3A_558 = tpu.memref_slice %arg11[%dma_wait3A_556, %dma_wait3A_557] : memref<400x64xf32, #tpu.memory_space<vmem>> -> memref<200x64xf32, #tpu.memory_space<vmem>>
        %dma_wait3A_559 = arith.constant 0 : i32
        %dma_wait3A_560 = arith.constant 0 : i32
        %dma_wait3A_561 = tpu.memref_slice %arg5[%dma_wait3A_555, %dma_wait3A_559, %dma_wait3A_560] : memref<4096x200x64xf32, #tpu.memory_space<hbm>> -> memref<1x200x64xf32, #tpu.memory_space<hbm>>
        %dma_wait3A_562 = tpu.memref_squeeze %dma_wait3A_561 : memref<1x200x64xf32, #tpu.memory_space<hbm>> -> memref<200x64xf32, #tpu.memory_space<hbm>>
        %dma_wait3A_563 = arith.constant 0 : i32
        %dma_wait3A_564 = arith.constant 0 : i32
        %dma_wait3A_565 = tpu.memref_slice %arg5[%dma_wait3A_555, %dma_wait3A_563, %dma_wait3A_564] : memref<4096x200x64xf32, #tpu.memory_space<hbm>> -> memref<1x200x64xf32, #tpu.memory_space<hbm>>
        %dma_wait3A_566 = tpu.memref_squeeze %dma_wait3A_565 : memref<1x200x64xf32, #tpu.memory_space<hbm>> -> memref<200x64xf32, #tpu.memory_space<hbm>>
        %dma_wait3A_567 = arith.constant 0 : i32
        %dma_wait3A_568 = arith.constant 0 : i32
        %dma_wait3A_569 = tpu.memref_slice %arg11[%dma_wait3A_567, %dma_wait3A_568] : memref<400x64xf32, #tpu.memory_space<vmem>> -> memref<200x64xf32, #tpu.memory_space<vmem>>
        tpu.wait_dma2 semaphore(%arg23 : memref<!tpu.dma_semaphore, #tpu.memory_space<semaphore_mem>>) src(%dma_wait3A_569 : memref<200x64xf32, #tpu.memory_space<vmem>>) dst(%dma_wait3A_566 : memref<200x64xf32, #tpu.memory_space<hbm>>)
        %dma_wait3A_570 = arith.constant 0 : i32
        %dma_wait3A_571 = arith.constant 200 : i32
        %dma_wait3A_572 = arith.constant 0 : i32
        %dma_wait3A_573 = tpu.memref_slice %arg11[%dma_wait3A_571, %dma_wait3A_572] : memref<400x64xf32, #tpu.memory_space<vmem>> -> memref<200x64xf32, #tpu.memory_space<vmem>>
        %dma_wait3A_574 = arith.constant 0 : i32
        %dma_wait3A_575 = arith.constant 0 : i32
        %dma_wait3A_576 = tpu.memref_slice %arg5[%dma_wait3A_570, %dma_wait3A_574, %dma_wait3A_575] : memref<4096x200x64xf32, #tpu.memory_space<hbm>> -> memref<1x200x64xf32, #tpu.memory_space<hbm>>
        %dma_wait3A_577 = tpu.memref_squeeze %dma_wait3A_576 : memref<1x200x64xf32, #tpu.memory_space<hbm>> -> memref<200x64xf32, #tpu.memory_space<hbm>>
        %dma_wait3A_578 = arith.constant 0 : i32
        %dma_wait3A_579 = arith.constant 0 : i32
        %dma_wait3A_580 = tpu.memref_slice %arg5[%dma_wait3A_570, %dma_wait3A_578, %dma_wait3A_579] : memref<4096x200x64xf32, #tpu.memory_space<hbm>> -> memref<1x200x64xf32, #tpu.memory_space<hbm>>
        %dma_wait3A_581 = tpu.memref_squeeze %dma_wait3A_580 : memref<1x200x64xf32, #tpu.memory_space<hbm>> -> memref<200x64xf32, #tpu.memory_space<hbm>>
        %dma_wait3A_582 = arith.constant 200 : i32
        %dma_wait3A_583 = arith.constant 0 : i32
        %dma_wait3A_584 = tpu.memref_slice %arg11[%dma_wait3A_582, %dma_wait3A_583] : memref<400x64xf32, #tpu.memory_space<vmem>> -> memref<200x64xf32, #tpu.memory_space<vmem>>
        tpu.wait_dma2 semaphore(%arg23 : memref<!tpu.dma_semaphore, #tpu.memory_space<semaphore_mem>>) src(%dma_wait3A_584 : memref<200x64xf32, #tpu.memory_space<vmem>>) dst(%dma_wait3A_581 : memref<200x64xf32, #tpu.memory_space<hbm>>)
      } else {
      }
      %add3A_504 = arith.constant 1 : i32
      %add3A_505 = arith.addi %add3A_485, %add3A_504 : i32
      %lt3A_506 = arith.constant 64 : i32
      %lt3A_507 = arith.cmpi slt, %add3A_505, %lt3A_506 : i32
      %convert_element_type3A_508 = arith.extui %lt3A_507 : i1 to i32
      %cond3A_509 = arith.constant 0 : i32
      %cond3A_510 = arith.cmpi ne, %convert_element_type3A_508, %cond3A_509 : i32
      scf.if %cond3A_510 {
        %dma_wait3A_555 = arith.constant 0 : i32
        %dma_wait3A_556 = arith.constant 0 : i32
        %dma_wait3A_557 = tpu.memref_slice %arg7[%dma_wait3A_556] : memref<400xi32, #tpu.memory_space<vmem>> -> memref<200xi32, #tpu.memory_space<vmem>>
        %dma_wait3A_558 = arith.constant 0 : i32
        %dma_wait3A_559 = tpu.memref_slice %arg2[%dma_wait3A_555, %dma_wait3A_558] : memref<4096x200xi32, #tpu.memory_space<hbm>> -> memref<1x200xi32, #tpu.memory_space<hbm>>
        %dma_wait3A_560 = tpu.memref_squeeze %dma_wait3A_559 : memref<1x200xi32, #tpu.memory_space<hbm>> -> memref<200xi32, #tpu.memory_space<hbm>>
        %dma_wait3A_561 = arith.constant 0 : i32
        %dma_wait3A_562 = tpu.memref_slice %arg7[%dma_wait3A_561] : memref<400xi32, #tpu.memory_space<vmem>> -> memref<200xi32, #tpu.memory_space<vmem>>
        %dma_wait3A_563 = arith.constant 0 : i32
        %dma_wait3A_564 = tpu.memref_slice %arg2[%dma_wait3A_555, %dma_wait3A_563] : memref<4096x200xi32, #tpu.memory_space<hbm>> -> memref<1x200xi32, #tpu.memory_space<hbm>>
        %dma_wait3A_565 = tpu.memref_squeeze %dma_wait3A_564 : memref<1x200xi32, #tpu.memory_space<hbm>> -> memref<200xi32, #tpu.memory_space<hbm>>
        tpu.wait_dma2 semaphore(%arg15 : memref<!tpu.dma_semaphore, #tpu.memory_space<semaphore_mem>>) src(%dma_wait3A_565 : memref<200xi32, #tpu.memory_space<hbm>>) dst(%dma_wait3A_562 : memref<200xi32, #tpu.memory_space<vmem>>)
        %dma_wait3A_566 = arith.constant 0 : i32
        %dma_wait3A_567 = arith.constant 200 : i32
        %dma_wait3A_568 = tpu.memref_slice %arg7[%dma_wait3A_567] : memref<400xi32, #tpu.memory_space<vmem>> -> memref<200xi32, #tpu.memory_space<vmem>>
        %dma_wait3A_569 = arith.constant 0 : i32
        %dma_wait3A_570 = tpu.memref_slice %arg2[%dma_wait3A_566, %dma_wait3A_569] : memref<4096x200xi32, #tpu.memory_space<hbm>> -> memref<1x200xi32, #tpu.memory_space<hbm>>
        %dma_wait3A_571 = tpu.memref_squeeze %dma_wait3A_570 : memref<1x200xi32, #tpu.memory_space<hbm>> -> memref<200xi32, #tpu.memory_space<hbm>>
        %dma_wait3A_572 = arith.constant 200 : i32
        %dma_wait3A_573 = tpu.memref_slice %arg7[%dma_wait3A_572] : memref<400xi32, #tpu.memory_space<vmem>> -> memref<200xi32, #tpu.memory_space<vmem>>
        %dma_wait3A_574 = arith.constant 0 : i32
        %dma_wait3A_575 = tpu.memref_slice %arg2[%dma_wait3A_566, %dma_wait3A_574] : memref<4096x200xi32, #tpu.memory_space<hbm>> -> memref<1x200xi32, #tpu.memory_space<hbm>>
        %dma_wait3A_576 = tpu.memref_squeeze %dma_wait3A_575 : memref<1x200xi32, #tpu.memory_space<hbm>> -> memref<200xi32, #tpu.memory_space<hbm>>
        tpu.wait_dma2 semaphore(%arg15 : memref<!tpu.dma_semaphore, #tpu.memory_space<semaphore_mem>>) src(%dma_wait3A_576 : memref<200xi32, #tpu.memory_space<hbm>>) dst(%dma_wait3A_573 : memref<200xi32, #tpu.memory_space<vmem>>)
        %dma_start3A_577 = arith.constant 0 : i32
        %dma_start3A_578 = arith.constant 0 : i32
        %dma_start3A_579 = tpu.memref_slice %arg11[%dma_start3A_577, %dma_start3A_578] : memref<400x64xf32, #tpu.memory_space<vmem>> -> memref<80x64xf32, #tpu.memory_space<vmem>>
        %dma_start3A_580 = arith.constant 0 : i32
        %dma_start3A_581 = tpu.memref_slice %arg7[%dma_start3A_580] : memref<400xi32, #tpu.memory_space<vmem>> -> memref<80xi32, #tpu.memory_space<vmem>>
        %dma_start3A_582 = arith.constant 0 : i32
        %dma_start3A_583 = arith.constant 0 : i32
        %dma_start3A_584 = tpu.memref_slice %arg3[%dma_start3A_582, %dma_start3A_583] : memref<1000000x64xf32, #tpu.memory_space<hbm>> -> memref<1000000x64xf32, #tpu.memory_space<hbm>>
        tpu.enqueue_indirect_dma source(%dma_start3A_584 : memref<1000000x64xf32, #tpu.memory_space<hbm>>) target(%dma_start3A_579 : memref<80x64xf32, #tpu.memory_space<vmem>>) offsets(%dma_start3A_581 : memref<80xi32, #tpu.memory_space<vmem>>) semaphore(%arg19 : memref<!tpu.dma_semaphore, #tpu.memory_space<semaphore_mem>>)
        %dma_start3A_585 = arith.constant 80 : i32
        %dma_start3A_586 = arith.constant 0 : i32
        %dma_start3A_587 = tpu.memref_slice %arg11[%dma_start3A_585, %dma_start3A_586] : memref<400x64xf32, #tpu.memory_space<vmem>> -> memref<80x64xf32, #tpu.memory_space<vmem>>
        %dma_start3A_588 = arith.constant 80 : i32
        %dma_start3A_589 = tpu.memref_slice %arg7[%dma_start3A_588] : memref<400xi32, #tpu.memory_space<vmem>> -> memref<80xi32, #tpu.memory_space<vmem>>
        %dma_start3A_590 = arith.constant 0 : i32
        %dma_start3A_591 = arith.constant 0 : i32
        %dma_start3A_592 = tpu.memref_slice %arg3[%dma_start3A_590, %dma_start3A_591] : memref<1000000x64xf32, #tpu.memory_space<hbm>> -> memref<1000000x64xf32, #tpu.memory_space<hbm>>
        tpu.enqueue_indirect_dma source(%dma_start3A_592 : memref<1000000x64xf32, #tpu.memory_space<hbm>>) target(%dma_start3A_587 : memref<80x64xf32, #tpu.memory_space<vmem>>) offsets(%dma_start3A_589 : memref<80xi32, #tpu.memory_space<vmem>>) semaphore(%arg19 : memref<!tpu.dma_semaphore, #tpu.memory_space<semaphore_mem>>)
        %dma_start3A_593 = arith.constant 160 : i32
        %dma_start3A_594 = arith.constant 0 : i32
        %dma_start3A_595 = tpu.memref_slice %arg11[%dma_start3A_593, %dma_start3A_594] : memref<400x64xf32, #tpu.memory_space<vmem>> -> memref<80x64xf32, #tpu.memory_space<vmem>>
        %dma_start3A_596 = arith.constant 160 : i32
        %dma_start3A_597 = tpu.memref_slice %arg7[%dma_start3A_596] : memref<400xi32, #tpu.memory_space<vmem>> -> memref<80xi32, #tpu.memory_space<vmem>>
        %dma_start3A_598 = arith.constant 0 : i32
        %dma_start3A_599 = arith.constant 0 : i32
        %dma_start3A_600 = tpu.memref_slice %arg3[%dma_start3A_598, %dma_start3A_599] : memref<1000000x64xf32, #tpu.memory_space<hbm>> -> memref<1000000x64xf32, #tpu.memory_space<hbm>>
        tpu.enqueue_indirect_dma source(%dma_start3A_600 : memref<1000000x64xf32, #tpu.memory_space<hbm>>) target(%dma_start3A_595 : memref<80x64xf32, #tpu.memory_space<vmem>>) offsets(%dma_start3A_597 : memref<80xi32, #tpu.memory_space<vmem>>) semaphore(%arg19 : memref<!tpu.dma_semaphore, #tpu.memory_space<semaphore_mem>>)
        %dma_start3A_601 = arith.constant 240 : i32
        %dma_start3A_602 = arith.constant 0 : i32
        %dma_start3A_603 = tpu.memref_slice %arg11[%dma_start3A_601, %dma_start3A_602] : memref<400x64xf32, #tpu.memory_space<vmem>> -> memref<80x64xf32, #tpu.memory_space<vmem>>
        %dma_start3A_604 = arith.constant 240 : i32
        %dma_start3A_605 = tpu.memref_slice %arg7[%dma_start3A_604] : memref<400xi32, #tpu.memory_space<vmem>> -> memref<80xi32, #tpu.memory_space<vmem>>
        %dma_start3A_606 = arith.constant 0 : i32
        %dma_start3A_607 = arith.constant 0 : i32
        %dma_start3A_608 = tpu.memref_slice %arg3[%dma_start3A_606, %dma_start3A_607] : memref<1000000x64xf32, #tpu.memory_space<hbm>> -> memref<1000000x64xf32, #tpu.memory_space<hbm>>
        tpu.enqueue_indirect_dma source(%dma_start3A_608 : memref<1000000x64xf32, #tpu.memory_space<hbm>>) target(%dma_start3A_603 : memref<80x64xf32, #tpu.memory_space<vmem>>) offsets(%dma_start3A_605 : memref<80xi32, #tpu.memory_space<vmem>>) semaphore(%arg19 : memref<!tpu.dma_semaphore, #tpu.memory_space<semaphore_mem>>)
        %dma_start3A_609 = arith.constant 320 : i32
        %dma_start3A_610 = arith.constant 0 : i32
        %dma_start3A_611 = tpu.memref_slice %arg11[%dma_start3A_609, %dma_start3A_610] : memref<400x64xf32, #tpu.memory_space<vmem>> -> memref<80x64xf32, #tpu.memory_space<vmem>>
        %dma_start3A_612 = arith.constant 320 : i32
        %dma_start3A_613 = tpu.memref_slice %arg7[%dma_start3A_612] : memref<400xi32, #tpu.memory_space<vmem>> -> memref<80xi32, #tpu.memory_space<vmem>>
        %dma_start3A_614 = arith.constant 0 : i32
        %dma_start3A_615 = arith.constant 0 : i32
        %dma_start3A_616 = tpu.memref_slice %arg3[%dma_start3A_614, %dma_start3A_615] : memref<1000000x64xf32, #tpu.memory_space<hbm>> -> memref<1000000x64xf32, #tpu.memory_space<hbm>>
        tpu.enqueue_indirect_dma source(%dma_start3A_616 : memref<1000000x64xf32, #tpu.memory_space<hbm>>) target(%dma_start3A_611 : memref<80x64xf32, #tpu.memory_space<vmem>>) offsets(%dma_start3A_613 : memref<80xi32, #tpu.memory_space<vmem>>) semaphore(%arg19 : memref<!tpu.dma_semaphore, #tpu.memory_space<semaphore_mem>>)
      } else {
      }
      %scan3A_511 = arith.constant 0 : i32
      %scan3A_512 = arith.constant 0 : i32
      %scan3A_513 = arith.constant 200 : i32
      %scan3A_514 = arith.addi %scan3A_512, %scan3A_513 : i32
      %scan3A_515 = arith.constant 1 : i32
      scf.for %scan3A_555 = %scan3A_512 to %scan3A_514 step %scan3A_515  : i32 {
        %get3A = arith.index_cast %scan3A_555 : i32 to index
        %get3A_556 = arith.constant 0 : index
        %get3A_557 = tpu.vector_load %arg6[%get3A, %get3A_556] {strides = array<i32>} : memref<200x64xf32, #tpu.memory_space<vmem>>, vector<1x16xf32>,
        %get3A_558 = vector.shape_cast %get3A_557 : vector<1x16xf32> to vector<16xf32>
        %add3A_559 = arith.constant 0 : i32
        %add3A_560 = arith.addi %scan3A_555, %add3A_559 : i32
        %get3A_561 = arith.index_cast %add3A_560 : i32 to index
        %get3A_562 = arith.constant 0 : index
        %get3A_563 = tpu.vector_load %arg14[%get3A_561, %get3A_562] {strides = array<i32>} : memref<400x64xf32, #tpu.memory_space<vmem>>, vector<1x16xf32>,
        %get3A_564 = vector.shape_cast %get3A_563 : vector<1x16xf32> to vector<16xf32>
        %add3A_565 = arith.addf %get3A_564, %get3A_558 : vector<16xf32>
        %swap3A = arith.index_cast %add3A_560 : i32 to index
        %swap3A_566 = arith.constant 0 : index
        %swap3A_567 = tpu.vector_load %arg14[%swap3A, %swap3A_566] {strides = array<i32>} : memref<400x64xf32, #tpu.memory_space<vmem>>, vector<1x16xf32>,
        %swap3A_568 = vector.shape_cast %swap3A_567 : vector<1x16xf32> to vector<16xf32>
        %swap3A_569 = vector.shape_cast %add3A_565 : vector<16xf32> to vector<1x16xf32>
        tpu.vector_store %arg14[%swap3A, %swap3A_566], %swap3A_569 {strides = array<i32>} : memref<400x64xf32, #tpu.memory_space<vmem>>, vector<1x16xf32>,
        %add3A_570 = arith.constant 200 : i32
        %add3A_571 = arith.addi %scan3A_555, %add3A_570 : i32
        %get3A_572 = arith.index_cast %add3A_571 : i32 to index
        %get3A_573 = arith.constant 0 : index
        %get3A_574 = tpu.vector_load %arg14[%get3A_572, %get3A_573] {strides = array<i32>} : memref<400x64xf32, #tpu.memory_space<vmem>>, vector<1x16xf32>,
        %get3A_575 = vector.shape_cast %get3A_574 : vector<1x16xf32> to vector<16xf32>
        %add3A_576 = arith.addf %get3A_575, %get3A_558 : vector<16xf32>
        %swap3A_577 = arith.index_cast %add3A_571 : i32 to index
        %swap3A_578 = arith.constant 0 : index
        %swap3A_579 = tpu.vector_load %arg14[%swap3A_577, %swap3A_578] {strides = array<i32>} : memref<400x64xf32, #tpu.memory_space<vmem>>, vector<1x16xf32>,
        %swap3A_580 = vector.shape_cast %swap3A_579 : vector<1x16xf32> to vector<16xf32>
        %swap3A_581 = vector.shape_cast %add3A_576 : vector<16xf32> to vector<1x16xf32>
        tpu.vector_store %arg14[%swap3A_577, %swap3A_578], %swap3A_581 {strides = array<i32>} : memref<400x64xf32, #tpu.memory_space<vmem>>, vector<1x16xf32>,
        %get3A_582 = arith.index_cast %scan3A_555 : i32 to index
        %get3A_583 = arith.constant 16 : index
        %get3A_584 = tpu.vector_load %arg6[%get3A_582, %get3A_583] {strides = array<i32>} : memref<200x64xf32, #tpu.memory_space<vmem>>, vector<1x16xf32>,
        %get3A_585 = vector.shape_cast %get3A_584 : vector<1x16xf32> to vector<16xf32>
        %add3A_586 = arith.constant 0 : i32
        %add3A_587 = arith.addi %scan3A_555, %add3A_586 : i32
        %get3A_588 = arith.index_cast %add3A_587 : i32 to index
        %get3A_589 = arith.constant 16 : index
        %get3A_590 = tpu.vector_load %arg14[%get3A_588, %get3A_589] {strides = array<i32>} : memref<400x64xf32, #tpu.memory_space<vmem>>, vector<1x16xf32>,
        %get3A_591 = vector.shape_cast %get3A_590 : vector<1x16xf32> to vector<16xf32>
        %add3A_592 = arith.addf %get3A_591, %get3A_585 : vector<16xf32>
        %swap3A_593 = arith.index_cast %add3A_587 : i32 to index
        %swap3A_594 = arith.constant 16 : index
        %swap3A_595 = tpu.vector_load %arg14[%swap3A_593, %swap3A_594] {strides = array<i32>} : memref<400x64xf32, #tpu.memory_space<vmem>>, vector<1x16xf32>,
        %swap3A_596 = vector.shape_cast %swap3A_595 : vector<1x16xf32> to vector<16xf32>
        %swap3A_597 = vector.shape_cast %add3A_592 : vector<16xf32> to vector<1x16xf32>
        tpu.vector_store %arg14[%swap3A_593, %swap3A_594], %swap3A_597 {strides = array<i32>} : memref<400x64xf32, #tpu.memory_space<vmem>>, vector<1x16xf32>,
        %add3A_598 = arith.constant 200 : i32
        %add3A_599 = arith.addi %scan3A_555, %add3A_598 : i32
        %get3A_600 = arith.index_cast %add3A_599 : i32 to index
        %get3A_601 = arith.constant 16 : index
        %get3A_602 = tpu.vector_load %arg14[%get3A_600, %get3A_601] {strides = array<i32>} : memref<400x64xf32, #tpu.memory_space<vmem>>, vector<1x16xf32>,
        %get3A_603 = vector.shape_cast %get3A_602 : vector<1x16xf32> to vector<16xf32>
        %add3A_604 = arith.addf %get3A_603, %get3A_585 : vector<16xf32>
        %swap3A_605 = arith.index_cast %add3A_599 : i32 to index
        %swap3A_606 = arith.constant 16 : index
        %swap3A_607 = tpu.vector_load %arg14[%swap3A_605, %swap3A_606] {strides = array<i32>} : memref<400x64xf32, #tpu.memory_space<vmem>>, vector<1x16xf32>,
        %swap3A_608 = vector.shape_cast %swap3A_607 : vector<1x16xf32> to vector<16xf32>
        %swap3A_609 = vector.shape_cast %add3A_604 : vector<16xf32> to vector<1x16xf32>
        tpu.vector_store %arg14[%swap3A_605, %swap3A_606], %swap3A_609 {strides = array<i32>} : memref<400x64xf32, #tpu.memory_space<vmem>>, vector<1x16xf32>,
        %get3A_610 = arith.index_cast %scan3A_555 : i32 to index
        %get3A_611 = arith.constant 32 : index
        %get3A_612 = tpu.vector_load %arg6[%get3A_610, %get3A_611] {strides = array<i32>} : memref<200x64xf32, #tpu.memory_space<vmem>>, vector<1x16xf32>,
        %get3A_613 = vector.shape_cast %get3A_612 : vector<1x16xf32> to vector<16xf32>
        %add3A_614 = arith.constant 0 : i32
        %add3A_615 = arith.addi %scan3A_555, %add3A_614 : i32
        %get3A_616 = arith.index_cast %add3A_615 : i32 to index
        %get3A_617 = arith.constant 32 : index
        %get3A_618 = tpu.vector_load %arg14[%get3A_616, %get3A_617] {strides = array<i32>} : memref<400x64xf32, #tpu.memory_space<vmem>>, vector<1x16xf32>,
        %get3A_619 = vector.shape_cast %get3A_618 : vector<1x16xf32> to vector<16xf32>
        %add3A_620 = arith.addf %get3A_619, %get3A_613 : vector<16xf32>
        %swap3A_621 = arith.index_cast %add3A_615 : i32 to index
        %swap3A_622 = arith.constant 32 : index
        %swap3A_623 = tpu.vector_load %arg14[%swap3A_621, %swap3A_622] {strides = array<i32>} : memref<400x64xf32, #tpu.memory_space<vmem>>, vector<1x16xf32>,
        %swap3A_624 = vector.shape_cast %swap3A_623 : vector<1x16xf32> to vector<16xf32>
        %swap3A_625 = vector.shape_cast %add3A_620 : vector<16xf32> to vector<1x16xf32>
        tpu.vector_store %arg14[%swap3A_621, %swap3A_622], %swap3A_625 {strides = array<i32>} : memref<400x64xf32, #tpu.memory_space<vmem>>, vector<1x16xf32>,
        %add3A_626 = arith.constant 200 : i32
        %add3A_627 = arith.addi %scan3A_555, %add3A_626 : i32
        %get3A_628 = arith.index_cast %add3A_627 : i32 to index
        %get3A_629 = arith.constant 32 : index
        %get3A_630 = tpu.vector_load %arg14[%get3A_628, %get3A_629] {strides = array<i32>} : memref<400x64xf32, #tpu.memory_space<vmem>>, vector<1x16xf32>,
        %get3A_631 = vector.shape_cast %get3A_630 : vector<1x16xf32> to vector<16xf32>
        %add3A_632 = arith.addf %get3A_631, %get3A_613 : vector<16xf32>
        %swap3A_633 = arith.index_cast %add3A_627 : i32 to index
        %swap3A_634 = arith.constant 32 : index
        %swap3A_635 = tpu.vector_load %arg14[%swap3A_633, %swap3A_634] {strides = array<i32>} : memref<400x64xf32, #tpu.memory_space<vmem>>, vector<1x16xf32>,
        %swap3A_636 = vector.shape_cast %swap3A_635 : vector<1x16xf32> to vector<16xf32>
        %swap3A_637 = vector.shape_cast %add3A_632 : vector<16xf32> to vector<1x16xf32>
        tpu.vector_store %arg14[%swap3A_633, %swap3A_634], %swap3A_637 {strides = array<i32>} : memref<400x64xf32, #tpu.memory_space<vmem>>, vector<1x16xf32>,
        %get3A_638 = arith.index_cast %scan3A_555 : i32 to index
        %get3A_639 = arith.constant 48 : index
        %get3A_640 = tpu.vector_load %arg6[%get3A_638, %get3A_639] {strides = array<i32>} : memref<200x64xf32, #tpu.memory_space<vmem>>, vector<1x16xf32>,
        %get3A_641 = vector.shape_cast %get3A_640 : vector<1x16xf32> to vector<16xf32>
        %add3A_642 = arith.constant 0 : i32
        %add3A_643 = arith.addi %scan3A_555, %add3A_642 : i32
        %get3A_644 = arith.index_cast %add3A_643 : i32 to index
        %get3A_645 = arith.constant 48 : index
        %get3A_646 = tpu.vector_load %arg14[%get3A_644, %get3A_645] {strides = array<i32>} : memref<400x64xf32, #tpu.memory_space<vmem>>, vector<1x16xf32>,
        %get3A_647 = vector.shape_cast %get3A_646 : vector<1x16xf32> to vector<16xf32>
        %add3A_648 = arith.addf %get3A_647, %get3A_641 : vector<16xf32>
        %swap3A_649 = arith.index_cast %add3A_643 : i32 to index
        %swap3A_650 = arith.constant 48 : index
        %swap3A_651 = tpu.vector_load %arg14[%swap3A_649, %swap3A_650] {strides = array<i32>} : memref<400x64xf32, #tpu.memory_space<vmem>>, vector<1x16xf32>,
        %swap3A_652 = vector.shape_cast %swap3A_651 : vector<1x16xf32> to vector<16xf32>
        %swap3A_653 = vector.shape_cast %add3A_648 : vector<16xf32> to vector<1x16xf32>
        tpu.vector_store %arg14[%swap3A_649, %swap3A_650], %swap3A_653 {strides = array<i32>} : memref<400x64xf32, #tpu.memory_space<vmem>>, vector<1x16xf32>,
        %add3A_654 = arith.constant 200 : i32
        %add3A_655 = arith.addi %scan3A_555, %add3A_654 : i32
        %get3A_656 = arith.index_cast %add3A_655 : i32 to index
        %get3A_657 = arith.constant 48 : index
        %get3A_658 = tpu.vector_load %arg14[%get3A_656, %get3A_657] {strides = array<i32>} : memref<400x64xf32, #tpu.memory_space<vmem>>, vector<1x16xf32>,
        %get3A_659 = vector.shape_cast %get3A_658 : vector<1x16xf32> to vector<16xf32>
        %add3A_660 = arith.addf %get3A_659, %get3A_641 : vector<16xf32>
        %swap3A_661 = arith.index_cast %add3A_655 : i32 to index
        %swap3A_662 = arith.constant 48 : index
        %swap3A_663 = tpu.vector_load %arg14[%swap3A_661, %swap3A_662] {strides = array<i32>} : memref<400x64xf32, #tpu.memory_space<vmem>>, vector<1x16xf32>,
        %swap3A_664 = vector.shape_cast %swap3A_663 : vector<1x16xf32> to vector<16xf32>
        %swap3A_665 = vector.shape_cast %add3A_660 : vector<16xf32> to vector<1x16xf32>
        tpu.vector_store %arg14[%swap3A_661, %swap3A_662], %swap3A_665 {strides = array<i32>} : memref<400x64xf32, #tpu.memory_space<vmem>>, vector<1x16xf32>,
      }
      %scan3A_516 = arith.constant 200 : i32
      %mul3A_517 = arith.constant 2 : i32
      %mul3A_518 = arith.muli %add3A_485, %mul3A_517 : i32
      %add3A_519 = arith.addi %mul3A_4, %mul3A_518 : i32
      %add3A_520 = arith.constant 0 : i32
      %add3A_521 = arith.addi %add3A_519, %add3A_520 : i32
      %dma_start3A_522 = arith.constant 0 : i32
      %dma_start3A_523 = arith.constant 0 : i32
      %dma_start3A_524 = tpu.memref_slice %arg14[%dma_start3A_522, %dma_start3A_523] : memref<400x64xf32, #tpu.memory_space<vmem>> -> memref<200x64xf32, #tpu.memory_space<vmem>>
      %dma_start3A_525 = arith.constant 0 : i32
      %dma_start3A_526 = arith.constant 0 : i32
      %dma_start3A_527 = tpu.memref_slice %arg5[%add3A_521, %dma_start3A_525, %dma_start3A_526] : memref<4096x200x64xf32, #tpu.memory_space<hbm>> -> memref<1x200x64xf32, #tpu.memory_space<hbm>>
      %dma_start3A_528 = tpu.memref_squeeze %dma_start3A_527 : memref<1x200x64xf32, #tpu.memory_space<hbm>> -> memref<200x64xf32, #tpu.memory_space<hbm>>
      %dma_start3A_529 = arith.constant 0 : i32
      %dma_start3A_530 = arith.constant 0 : i32
      %dma_start3A_531 = tpu.memref_slice %arg5[%add3A_521, %dma_start3A_529, %dma_start3A_530] : memref<4096x200x64xf32, #tpu.memory_space<hbm>> -> memref<1x200x64xf32, #tpu.memory_space<hbm>>
      %dma_start3A_532 = tpu.memref_squeeze %dma_start3A_531 : memref<1x200x64xf32, #tpu.memory_space<hbm>> -> memref<200x64xf32, #tpu.memory_space<hbm>>
      %dma_start3A_533 = arith.constant 0 : i32
      %dma_start3A_534 = arith.constant 0 : i32
      %dma_start3A_535 = tpu.memref_slice %arg14[%dma_start3A_533, %dma_start3A_534] : memref<400x64xf32, #tpu.memory_space<vmem>> -> memref<200x64xf32, #tpu.memory_space<vmem>>
      tpu.enqueue_dma source(%dma_start3A_535 : memref<200x64xf32, #tpu.memory_space<vmem>>) target(%dma_start3A_532 : memref<200x64xf32, #tpu.memory_space<hbm>>) target_semaphore(%arg26 : memref<!tpu.dma_semaphore, #tpu.memory_space<semaphore_mem>>)
      %mul3A_536 = arith.constant 2 : i32
      %mul3A_537 = arith.muli %add3A_485, %mul3A_536 : i32
      %add3A_538 = arith.addi %mul3A_4, %mul3A_537 : i32
      %add3A_539 = arith.constant 1 : i32
      %add3A_540 = arith.addi %add3A_538, %add3A_539 : i32
      %dma_start3A_541 = arith.constant 200 : i32
      %dma_start3A_542 = arith.constant 0 : i32
      %dma_start3A_543 = tpu.memref_slice %arg14[%dma_start3A_541, %dma_start3A_542] : memref<400x64xf32, #tpu.memory_space<vmem>> -> memref<200x64xf32, #tpu.memory_space<vmem>>
      %dma_start3A_544 = arith.constant 0 : i32
      %dma_start3A_545 = arith.constant 0 : i32
      %dma_start3A_546 = tpu.memref_slice %arg5[%add3A_540, %dma_start3A_544, %dma_start3A_545] : memref<4096x200x64xf32, #tpu.memory_space<hbm>> -> memref<1x200x64xf32, #tpu.memory_space<hbm>>
      %dma_start3A_547 = tpu.memref_squeeze %dma_start3A_546 : memref<1x200x64xf32, #tpu.memory_space<hbm>> -> memref<200x64xf32, #tpu.memory_space<hbm>>
      %dma_start3A_548 = arith.constant 0 : i32
      %dma_start3A_549 = arith.constant 0 : i32
      %dma_start3A_550 = tpu.memref_slice %arg5[%add3A_540, %dma_start3A_548, %dma_start3A_549] : memref<4096x200x64xf32, #tpu.memory_space<hbm>> -> memref<1x200x64xf32, #tpu.memory_space<hbm>>
      %dma_start3A_551 = tpu.memref_squeeze %dma_start3A_550 : memref<1x200x64xf32, #tpu.memory_space<hbm>> -> memref<200x64xf32, #tpu.memory_space<hbm>>
      %dma_start3A_552 = arith.constant 200 : i32
      %dma_start3A_553 = arith.constant 0 : i32
      %dma_start3A_554 = tpu.memref_slice %arg14[%dma_start3A_552, %dma_start3A_553] : memref<400x64xf32, #tpu.memory_space<vmem>> -> memref<200x64xf32, #tpu.memory_space<vmem>>
      tpu.enqueue_dma source(%dma_start3A_554 : memref<200x64xf32, #tpu.memory_space<vmem>>) target(%dma_start3A_551 : memref<200x64xf32, #tpu.memory_space<hbm>>) target_semaphore(%arg26 : memref<!tpu.dma_semaphore, #tpu.memory_space<semaphore_mem>>)
    }
    %scan3A_181 = arith.constant 16 : i32
    %dma_wait3A_182 = arith.constant 0 : i32
    %dma_wait3A_183 = arith.constant 0 : i32
    %dma_wait3A_184 = arith.constant 0 : i32
    %dma_wait3A_185 = tpu.memref_slice %arg12[%dma_wait3A_183, %dma_wait3A_184] : memref<400x64xf32, #tpu.memory_space<vmem>> -> memref<200x64xf32, #tpu.memory_space<vmem>>
    %dma_wait3A_186 = arith.constant 0 : i32
    %dma_wait3A_187 = arith.constant 0 : i32
    %dma_wait3A_188 = tpu.memref_slice %arg5[%dma_wait3A_182, %dma_wait3A_186, %dma_wait3A_187] : memref<4096x200x64xf32, #tpu.memory_space<hbm>> -> memref<1x200x64xf32, #tpu.memory_space<hbm>>
    %dma_wait3A_189 = tpu.memref_squeeze %dma_wait3A_188 : memref<1x200x64xf32, #tpu.memory_space<hbm>> -> memref<200x64xf32, #tpu.memory_space<hbm>>
    %dma_wait3A_190 = arith.constant 0 : i32
    %dma_wait3A_191 = arith.constant 0 : i32
    %dma_wait3A_192 = tpu.memref_slice %arg5[%dma_wait3A_182, %dma_wait3A_190, %dma_wait3A_191] : memref<4096x200x64xf32, #tpu.memory_space<hbm>> -> memref<1x200x64xf32, #tpu.memory_space<hbm>>
    %dma_wait3A_193 = tpu.memref_squeeze %dma_wait3A_192 : memref<1x200x64xf32, #tpu.memory_space<hbm>> -> memref<200x64xf32, #tpu.memory_space<hbm>>
    %dma_wait3A_194 = arith.constant 0 : i32
    %dma_wait3A_195 = arith.constant 0 : i32
    %dma_wait3A_196 = tpu.memref_slice %arg12[%dma_wait3A_194, %dma_wait3A_195] : memref<400x64xf32, #tpu.memory_space<vmem>> -> memref<200x64xf32, #tpu.memory_space<vmem>>
    tpu.wait_dma2 semaphore(%arg24 : memref<!tpu.dma_semaphore, #tpu.memory_space<semaphore_mem>>) src(%dma_wait3A_196 : memref<200x64xf32, #tpu.memory_space<vmem>>) dst(%dma_wait3A_193 : memref<200x64xf32, #tpu.memory_space<hbm>>)
    %dma_wait3A_197 = arith.constant 0 : i32
    %dma_wait3A_198 = arith.constant 200 : i32
    %dma_wait3A_199 = arith.constant 0 : i32
    %dma_wait3A_200 = tpu.memref_slice %arg12[%dma_wait3A_198, %dma_wait3A_199] : memref<400x64xf32, #tpu.memory_space<vmem>> -> memref<200x64xf32, #tpu.memory_space<vmem>>
    %dma_wait3A_201 = arith.constant 0 : i32
    %dma_wait3A_202 = arith.constant 0 : i32
    %dma_wait3A_203 = tpu.memref_slice %arg5[%dma_wait3A_197, %dma_wait3A_201, %dma_wait3A_202] : memref<4096x200x64xf32, #tpu.memory_space<hbm>> -> memref<1x200x64xf32, #tpu.memory_space<hbm>>
    %dma_wait3A_204 = tpu.memref_squeeze %dma_wait3A_203 : memref<1x200x64xf32, #tpu.memory_space<hbm>> -> memref<200x64xf32, #tpu.memory_space<hbm>>
    %dma_wait3A_205 = arith.constant 0 : i32
    %dma_wait3A_206 = arith.constant 0 : i32
    %dma_wait3A_207 = tpu.memref_slice %arg5[%dma_wait3A_197, %dma_wait3A_205, %dma_wait3A_206] : memref<4096x200x64xf32, #tpu.memory_space<hbm>> -> memref<1x200x64xf32, #tpu.memory_space<hbm>>
    %dma_wait3A_208 = tpu.memref_squeeze %dma_wait3A_207 : memref<1x200x64xf32, #tpu.memory_space<hbm>> -> memref<200x64xf32, #tpu.memory_space<hbm>>
    %dma_wait3A_209 = arith.constant 200 : i32
    %dma_wait3A_210 = arith.constant 0 : i32
    %dma_wait3A_211 = tpu.memref_slice %arg12[%dma_wait3A_209, %dma_wait3A_210] : memref<400x64xf32, #tpu.memory_space<vmem>> -> memref<200x64xf32, #tpu.memory_space<vmem>>
    tpu.wait_dma2 semaphore(%arg24 : memref<!tpu.dma_semaphore, #tpu.memory_space<semaphore_mem>>) src(%dma_wait3A_211 : memref<200x64xf32, #tpu.memory_space<vmem>>) dst(%dma_wait3A_208 : memref<200x64xf32, #tpu.memory_space<hbm>>)
    %dma_wait3A_212 = arith.constant 0 : i32
    %dma_wait3A_213 = arith.constant 0 : i32
    %dma_wait3A_214 = arith.constant 0 : i32
    %dma_wait3A_215 = tpu.memref_slice %arg13[%dma_wait3A_213, %dma_wait3A_214] : memref<400x64xf32, #tpu.memory_space<vmem>> -> memref<200x64xf32, #tpu.memory_space<vmem>>
    %dma_wait3A_216 = arith.constant 0 : i32
    %dma_wait3A_217 = arith.constant 0 : i32
    %dma_wait3A_218 = tpu.memref_slice %arg5[%dma_wait3A_212, %dma_wait3A_216, %dma_wait3A_217] : memref<4096x200x64xf32, #tpu.memory_space<hbm>> -> memref<1x200x64xf32, #tpu.memory_space<hbm>>
    %dma_wait3A_219 = tpu.memref_squeeze %dma_wait3A_218 : memref<1x200x64xf32, #tpu.memory_space<hbm>> -> memref<200x64xf32, #tpu.memory_space<hbm>>
    %dma_wait3A_220 = arith.constant 0 : i32
    %dma_wait3A_221 = arith.constant 0 : i32
    %dma_wait3A_222 = tpu.memref_slice %arg5[%dma_wait3A_212, %dma_wait3A_220, %dma_wait3A_221] : memref<4096x200x64xf32, #tpu.memory_space<hbm>> -> memref<1x200x64xf32, #tpu.memory_space<hbm>>
    %dma_wait3A_223 = tpu.memref_squeeze %dma_wait3A_222 : memref<1x200x64xf32, #tpu.memory_space<hbm>> -> memref<200x64xf32, #tpu.memory_space<hbm>>
    %dma_wait3A_224 = arith.constant 0 : i32
    %dma_wait3A_225 = arith.constant 0 : i32
    %dma_wait3A_226 = tpu.memref_slice %arg13[%dma_wait3A_224, %dma_wait3A_225] : memref<400x64xf32, #tpu.memory_space<vmem>> -> memref<200x64xf32, #tpu.memory_space<vmem>>
    tpu.wait_dma2 semaphore(%arg25 : memref<!tpu.dma_semaphore, #tpu.memory_space<semaphore_mem>>) src(%dma_wait3A_226 : memref<200x64xf32, #tpu.memory_space<vmem>>) dst(%dma_wait3A_223 : memref<200x64xf32, #tpu.memory_space<hbm>>)
    %dma_wait3A_227 = arith.constant 0 : i32
    %dma_wait3A_228 = arith.constant 200 : i32
    %dma_wait3A_229 = arith.constant 0 : i32
    %dma_wait3A_230 = tpu.memref_slice %arg13[%dma_wait3A_228, %dma_wait3A_229] : memref<400x64xf32, #tpu.memory_space<vmem>> -> memref<200x64xf32, #tpu.memory_space<vmem>>
    %dma_wait3A_231 = arith.constant 0 : i32
    %dma_wait3A_232 = arith.constant 0 : i32
    %dma_wait3A_233 = tpu.memref_slice %arg5[%dma_wait3A_227, %dma_wait3A_231, %dma_wait3A_232] : memref<4096x200x64xf32, #tpu.memory_space<hbm>> -> memref<1x200x64xf32, #tpu.memory_space<hbm>>
    %dma_wait3A_234 = tpu.memref_squeeze %dma_wait3A_233 : memref<1x200x64xf32, #tpu.memory_space<hbm>> -> memref<200x64xf32, #tpu.memory_space<hbm>>
    %dma_wait3A_235 = arith.constant 0 : i32
    %dma_wait3A_236 = arith.constant 0 : i32
    %dma_wait3A_237 = tpu.memref_slice %arg5[%dma_wait3A_227, %dma_wait3A_235, %dma_wait3A_236] : memref<4096x200x64xf32, #tpu.memory_space<hbm>> -> memref<1x200x64xf32, #tpu.memory_space<hbm>>
    %dma_wait3A_238 = tpu.memref_squeeze %dma_wait3A_237 : memref<1x200x64xf32, #tpu.memory_space<hbm>> -> memref<200x64xf32, #tpu.memory_space<hbm>>
    %dma_wait3A_239 = arith.constant 200 : i32
    %dma_wait3A_240 = arith.constant 0 : i32
    %dma_wait3A_241 = tpu.memref_slice %arg13[%dma_wait3A_239, %dma_wait3A_240] : memref<400x64xf32, #tpu.memory_space<vmem>> -> memref<200x64xf32, #tpu.memory_space<vmem>>
    tpu.wait_dma2 semaphore(%arg25 : memref<!tpu.dma_semaphore, #tpu.memory_space<semaphore_mem>>) src(%dma_wait3A_241 : memref<200x64xf32, #tpu.memory_space<vmem>>) dst(%dma_wait3A_238 : memref<200x64xf32, #tpu.memory_space<hbm>>)
    %dma_wait3A_242 = arith.constant 0 : i32
    %dma_wait3A_243 = arith.constant 0 : i32
    %dma_wait3A_244 = arith.constant 0 : i32
    %dma_wait3A_245 = tpu.memref_slice %arg14[%dma_wait3A_243, %dma_wait3A_244] : memref<400x64xf32, #tpu.memory_space<vmem>> -> memref<200x64xf32, #tpu.memory_space<vmem>>
    %dma_wait3A_246 = arith.constant 0 : i32
    %dma_wait3A_247 = arith.constant 0 : i32
    %dma_wait3A_248 = tpu.memref_slice %arg5[%dma_wait3A_242, %dma_wait3A_246, %dma_wait3A_247] : memref<4096x200x64xf32, #tpu.memory_space<hbm>> -> memref<1x200x64xf32, #tpu.memory_space<hbm>>
    %dma_wait3A_249 = tpu.memref_squeeze %dma_wait3A_248 : memref<1x200x64xf32, #tpu.memory_space<hbm>> -> memref<200x64xf32, #tpu.memory_space<hbm>>
    %dma_wait3A_250 = arith.constant 0 : i32
    %dma_wait3A_251 = arith.constant 0 : i32
    %dma_wait3A_252 = tpu.memref_slice %arg5[%dma_wait3A_242, %dma_wait3A_250, %dma_wait3A_251] : memref<4096x200x64xf32, #tpu.memory_space<hbm>> -> memref<1x200x64xf32, #tpu.memory_space<hbm>>
    %dma_wait3A_253 = tpu.memref_squeeze %dma_wait3A_252 : memref<1x200x64xf32, #tpu.memory_space<hbm>> -> memref<200x64xf32, #tpu.memory_space<hbm>>
    %dma_wait3A_254 = arith.constant 0 : i32
    %dma_wait3A_255 = arith.constant 0 : i32
    %dma_wait3A_256 = tpu.memref_slice %arg14[%dma_wait3A_254, %dma_wait3A_255] : memref<400x64xf32, #tpu.memory_space<vmem>> -> memref<200x64xf32, #tpu.memory_space<vmem>>
    tpu.wait_dma2 semaphore(%arg26 : memref<!tpu.dma_semaphore, #tpu.memory_space<semaphore_mem>>) src(%dma_wait3A_256 : memref<200x64xf32, #tpu.memory_space<vmem>>) dst(%dma_wait3A_253 : memref<200x64xf32, #tpu.memory_space<hbm>>)
    %dma_wait3A_257 = arith.constant 0 : i32
    %dma_wait3A_258 = arith.constant 200 : i32
    %dma_wait3A_259 = arith.constant 0 : i32
    %dma_wait3A_260 = tpu.memref_slice %arg14[%dma_wait3A_258, %dma_wait3A_259] : memref<400x64xf32, #tpu.memory_space<vmem>> -> memref<200x64xf32, #tpu.memory_space<vmem>>
    %dma_wait3A_261 = arith.constant 0 : i32
    %dma_wait3A_262 = arith.constant 0 : i32
    %dma_wait3A_263 = tpu.memref_slice %arg5[%dma_wait3A_257, %dma_wait3A_261, %dma_wait3A_262] : memref<4096x200x64xf32, #tpu.memory_space<hbm>> -> memref<1x200x64xf32, #tpu.memory_space<hbm>>
    %dma_wait3A_264 = tpu.memref_squeeze %dma_wait3A_263 : memref<1x200x64xf32, #tpu.memory_space<hbm>> -> memref<200x64xf32, #tpu.memory_space<hbm>>
    %dma_wait3A_265 = arith.constant 0 : i32
    %dma_wait3A_266 = arith.constant 0 : i32
    %dma_wait3A_267 = tpu.memref_slice %arg5[%dma_wait3A_257, %dma_wait3A_265, %dma_wait3A_266] : memref<4096x200x64xf32, #tpu.memory_space<hbm>> -> memref<1x200x64xf32, #tpu.memory_space<hbm>>
    %dma_wait3A_268 = tpu.memref_squeeze %dma_wait3A_267 : memref<1x200x64xf32, #tpu.memory_space<hbm>> -> memref<200x64xf32, #tpu.memory_space<hbm>>
    %dma_wait3A_269 = arith.constant 200 : i32
    %dma_wait3A_270 = arith.constant 0 : i32
    %dma_wait3A_271 = tpu.memref_slice %arg14[%dma_wait3A_269, %dma_wait3A_270] : memref<400x64xf32, #tpu.memory_space<vmem>> -> memref<200x64xf32, #tpu.memory_space<vmem>>
    tpu.wait_dma2 semaphore(%arg26 : memref<!tpu.dma_semaphore, #tpu.memory_space<semaphore_mem>>) src(%dma_wait3A_271 : memref<200x64xf32, #tpu.memory_space<vmem>>) dst(%dma_wait3A_268 : memref<200x64xf32, #tpu.memory_space<hbm>>)
    return
  }
}

</mosaic_0001>

<sc_bundles>
// kernel: kernel.3.cloned.1.call-start
scs
__scs_entry_jumppad:
0x0: {  	(pc) =	sbr.rel $0x88, $3  }
0x1: {  	(tag) =	ssettag $0x0;
	lr =	simm.s32 $0x1  }
0x2: {  	[smem:$0x3F9E] =	sst lr;
	_ =	strace $0xD0000000  }
0x3: {  	_ = 	snop  }
0x4: {  	_ = 	snop  }
0x5: {  	_ = 	snop  }
0x6: {  	_ = 	snop  }
0x7: {  	_ = 	snop  }
__scs_overlays_trampoline_lowered:
0x8: {  	[smem:$0x3FAD] =	sst s0  }
0x9: {  	[smem:$0x3FAE] =	sst s1  }
0xa: {  	[smem:$0x3FAF] =	sst s2  }
0xb: {  	[smem:$0x3FB0] =	sst s3  }
0xc: {  	[smem:$0x3FB1] =	sst s4  }
0xd: {  	[smem:$0x3FB2] =	sst s5  }
0xe: {  	[smem:$0x3FB3] =	sst s6  }
0xf: {  	[smem:$0x3FB4] =	sst s7  }
0x10: {  	[smem:$0x3FB5] =	sst s8  }
0x11: {  	[smem:$0x3FB6] =	sst s9;
	s0 =	simm.s32 @!p0 $0x0  }
0x12: {  	s1 =	sld [smem:$0x3F9C];
	s0 =	simm.s32 @p0 $0x1  }
0x13: {  	[smem:$0x3FB7] =	sst s0;
	s0 =	simm.s32 @!p1 $0x0  }
0x14: {  	s2 =	sld [smem:$0x3F9B];
	s0 =	simm.s32 @p1 $0x1  }
0x15: {  	[smem:$0x3FB8] =	sst s0;
	s0 =	simm.s32 @!p2 $0x0  }
0x16: {  	s3 =	sld [smem:$0x3FDB];
	s0 =	simm.s32 @p2 $0x1  }
0x17: {  	s4 =	simm.s32 $0x1BF5;
	[smem:$0x3FBA] =	sst s0  }
0x18: {  	s0 =	sld [smem:$0x3F9D];
	_ =	swait.ge [sflag:s4], $0x0  }
0x19: {  	s7 =	sld [smem:$0x3F9E]  }
0x1a: {  	s8 =	sadd.s32 $0xFFFFE003, lr  }
0x1b: {  	s9 =	sadd.s32 $0xFFFFFEF7, lr;
	s5 =	simm.s32 $0xFFFFFFFF;
	p2 =	slt.u32 s8, $0xFFFFF086  }
0x1c: {  	p1 =	slt.u32 s9, $0xF7A;
	s5 =	simm.s32 @!p2 $0x0  }
0x1d: {  	s5 =	simm.s32 @p1 $0x1;
	p0 =	seq.s32 s7, s2  }
0x1e: {  	s7 =	smul.u32 @!p0 $0xF7A, s2;
	p2 =	seq.s32 @!p0 s5, $0x0  }
0x1f: {  	s9 =	smul.u32 $0xF7A, s1;
	s8 =	simm.s32 @!p0 $0x1BF5;
	p2 =	por !p2, p0  }
0x20: {  	[sflag:s8] =	ssyncset.s32 @!p0 $0xFFFFF086;
	s6 =	sadd.s32 @!p0 s3, s7;
	s7 =	simm.s32 @!p0 $0x108  }
0x21: {  	s3 =	sadd.s32 s3, s9;
	s6 =	sadd.s32 @!p0 $0x88, s6;
	s7 =	simm.s32 @p2 $0x1082  }
0x22: {  	[simem:s7], [sflag:s8] =	dma.local @!p0 [hbm:s6], $0xF7A  }
0x23: {  	s9 =	sor.u32 $0xD0000000, s2;
	s6 =	simm.s32 $0x108;
	_ =	swait.ge @!p0 [sflag:s8], $0x0  }
0x24: {  	s3 =	sadd.s32 $0x88, s3;
	s6 =	simm.s32 @!p1 $0x1082;
	[sflag:s4] =	ssyncset.s32 $0xFFFFF086  }
0x25: {  	[simem:s6], [sflag:s4] =	dma.local [hbm:s3], $0xF7A  }
0x26: {  	[smem:$0x3F9E] =	sst s1;
	(tag) =	ssettag s2;
	_ =	strace s9  }
0x27: {  	s1 =	sld [smem:$0x3FAE]  }
0x28: {  	s2 =	sld [smem:$0x3FAF]  }
0x29: {  	s4 =	sld [smem:$0x3FB1]  }
0x2a: {  	p0 =	seq.s32 s5, $0x0;
	s5 =	sld [smem:$0x3FB2]  }
0x2b: {  	s6 =	sld [smem:$0x3FB3]  }
0x2c: {  	s7 =	sld [smem:$0x3FB4]  }
0x2d: {  	s3 =	simm.s32 $0x108;
	s8 =	sld [smem:$0x3FB5]  }
0x2e: {  	s3 =	simm.s32 @!p0 $0x1082;
	s9 =	sld [smem:$0x3FB6]  }
0x2f: {  	lr =	sadd.s32 s0, s3;
	s0 =	sld [smem:$0x3FAD]  }
0x30: {  	s3 =	sld [smem:$0x3FB0]  }
0x31: {  	[smem:$0x3FB9] =	sst s10  }
0x32: {  	s10 =	sld [smem:$0x3FB7];
	_ =	sdelay $0x3  }
0x33: {  	p0 =	seq.s32 s10, $0x1;
	s10 =	sld [smem:$0x3FB9];
	_ =	sdelay $0x3  }
0x34: {  	[smem:$0x3FB9] =	sst s10  }
0x35: {  	s10 =	sld [smem:$0x3FB8];
	_ =	sdelay $0x3  }
0x36: {  	p1 =	seq.s32 s10, $0x1;
	s10 =	sld [smem:$0x3FB9];
	_ =	sdelay $0x3  }
0x37: {  	[smem:$0x3FB9] =	sst s10  }
0x38: {  	s10 =	sld [smem:$0x3FBA]  }
0x39: {  	_ = 	snop;
	(pc) =	sbr.ind lr, $3  }
0x3a: {  	_ = 	snop  }
0x3b: {  	_ = 	snop  }
0x3c: {  	p2 =	seq.s32 s10, $0x1;
	s10 =	sld [smem:$0x3FB9]  }
0x3d: {  	_ =	shalt  }
0x3e: {  	_ =	shalt  }
0x3f: {  	_ =	shalt  }
0x40: {  	_ =	shalt  }
0x41: {  	_ =	shalt  }
0x42: {  	_ =	shalt  }
0x43: {  	_ =	shalt  }
0x44: {  	_ =	shalt  }
0x45: {  	_ =	shalt  }
0x46: {  	_ =	shalt  }
0x47: {  	_ =	shalt  }
0x48: {  	_ =	shalt  }
0x49: {  	_ =	shalt  }
0x4a: {  	_ =	shalt  }
0x4b: {  	_ =	shalt  }
0x4c: {  	_ =	shalt  }
0x4d: {  	_ =	shalt  }
0x4e: {  	_ =	shalt  }
0x4f: {  	_ =	shalt  }
0x50: {  	_ =	shalt  }
0x51: {  	_ =	shalt  }
0x52: {  	_ =	shalt  }
0x53: {  	_ =	shalt  }
0x54: {  	_ =	shalt  }
0x55: {  	_ =	shalt  }
0x56: {  	_ =	shalt  }
0x57: {  	_ =	shalt  }
0x58: {  	_ =	shalt  }
0x59: {  	_ =	shalt  }
0x5a: {  	_ =	shalt  }
0x5b: {  	_ =	shalt  }
0x5c: {  	_ =	shalt  }
0x5d: {  	_ =	shalt  }
0x5e: {  	_ =	shalt  }
0x5f: {  	_ =	shalt  }
0x60: {  	_ =	shalt  }
0x61: {  	_ =	shalt  }
0x62: {  	_ =	shalt  }
0x63: {  	_ =	shalt  }
0x64: {  	_ =	shalt  }
0x65: {  	_ =	shalt  }
0x66: {  	_ =	shalt  }
0x67: {  	_ =	shalt  }
0x68: {  	_ =	shalt  }
0x69: {  	_ =	shalt  }
0x6a: {  	_ =	shalt  }
0x6b: {  	_ =	shalt  }
0x6c: {  	_ =	shalt  }
0x6d: {  	_ =	shalt  }
0x6e: {  	_ =	shalt  }
0x6f: {  	_ =	shalt  }
0x70: {  	_ =	shalt  }
0x71: {  	_ =	shalt  }
0x72: {  	_ =	shalt  }
0x73: {  	_ =	shalt  }
0x74: {  	_ =	shalt  }
0x75: {  	_ =	shalt  }
0x76: {  	_ =	shalt  }
0x77: {  	_ =	shalt  }
0x78: {  	_ =	shalt  }
0x79: {  	_ =	shalt  }
0x7a: {  	_ =	shalt  }
0x7b: {  	_ =	shalt  }
0x7c: {  	_ =	shalt  }
0x7d: {  	_ =	shalt  }
0x7e: {  	_ =	shalt  }
0x7f: {  	_ =	shalt  }
0x80: {  	_ =	shalt  }
0x81: {  	_ =	shalt  }
0x82: {  	_ =	shalt  }
0x83: {  	_ =	shalt  }
0x84: {  	_ =	shalt  }
0x85: {  	_ =	shalt  }
0x86: {  	_ =	shalt  }
0x87: {  	_ =	shalt  }
.Lfunc_end0:
.L_simem_size_0:
called_computation.1_lowered:
.L_overlay_start_0:
0x88: {  	s2 =	sld [smem:$0x3FD9]  }
0x89: {  	s3 =	sld [smem:$0x3FFE];
	_ =	sdelay $0x1  }
0x8a: {  	s1 =	srdreg.scid  }
0x8b: {  	s0 =	sand.u32 $0x1, s1  }
0x8c: {  	s17 =	sshll.u32 s0, $0xA;
	s2 =	sadd.s32 s3, s2  }
0x8d: {  	s2 =	sadd.s32 s2, s17  }
0x8e: {  	[smem:$0x3FC5] =	sst s2  }
0x8f: {  	_ = 	snop  }
0x90: {  	s2 =	sld [smem:$0x3FD0];
	(tm) =	ssettm $0x1  }
0x91: {  	s18 =	sld [smem:$0x3FFB];
	_ =	sdelay $0x3  }
0x92: {  	_ =	strace s18  }
0x93: {  	s3 =	sld [smem:$0x3FFC];
	_ =	sdelay $0x3  }
0x94: {  	_ =	strace s3  }
0x95: {  	s3 =	sld [smem:$0x3FFD];
	_ =	sdelay $0x3  }
0x96: {  	_ =	strace s3  }
0x97: {  	_ =	strace $0x8FFFFFFF  }
0x98: {  	s19 =	sld [smem:$0x3FDB];
	_ =	sdelay $0x1  }
0x99: {  	s4 =	simm.s32 $_scs_section_size  }
0x9a: {  	s5 =	simm.s32 $_size__tile_overlayer_lowered;
	s6 =	simm.s32 $_tile_overlayer_lowered  }
0x9b: {  	s22 =	simm.s32 $0x1BFF;
	s21 =	sshll.u32 s6, $0x1;
	s3 =	sadd.s32 s4, s19  }
0x9c: {  	s7 =	simm.s32 $0x0;
	s20 =	sshll.u32 s5, $0x1;
	s5 =	sadd.s32 s21, s3  }
0x9d: {  	[timem:s7], [sflag:s22] =	dma.local [hbm:s5], s20  }
0x9e: {  	_ =	swait.ge [sflag:s22], s20  }
0x9f: {  	s4 =	ssub.s32 $0x0, s20;
	[sflag:s22] =	ssyncset.done $0x0  }
0xa0: {  	[sflag:s22] =	ssyncadd.s32 s4;
	_ =	sdelay $0x1  }
0xa1: {  	s23 =	simm.s32 $0x1B8B  }
0xa2: {  	_ =	swait.ge [sflag:s23], $0x1  }
0xa3: {  	[sflag:s23] =	ssyncset.done $0x0  }
0xa4: {  	s25 =	simm.s32 $0x1B8E;
	s24 =	sld [smem:$0x3FFE];
	[sflag:s23] =	ssyncadd.s32 $0xFFFFFFFF  }
0xa5: {  	s26 =	simm.s32 $execute0_lowered;
	[smem:$0x3FD2] =	sst s25  }
0xa6: {  	s5 =	sshll.u32 s26, $0x1;
	_ =	strace $0x80000046;
	[dreg:$0x1] =	wrdreg $0xFFFFFFFF  }
0xa7: {  	s28 =	simm.s32 $_size_execute0_lowered;
	s3 =	sadd.s32 s3, s5;
	[dreg:$0x0] =	wrdreg $0x0  }
0xa8: {  	s5 =	sshll.u32 s28, $0x1;
	[dreg:$0x2] =	wrdreg s3  }
0xa9: {  	[dreg:$0x3] =	wrdreg s5  }
0xaa: {  	[dreg:$0x4] =	wrdreg $0xC0  }
0xab: {  	_ =	task [dreg:s7], $0x5FFFF  }
0xac: {  	[dreg:$0x1] =	wrdreg $0xFFFFFFFF  }
0xad: {  	[dreg:$0x0] =	wrdreg $0x60  }
0xae: {  	[dreg:$0x2] =	wrdreg s24  }
0xaf: {  	[dreg:$0x3] =	wrdreg s2  }
0xb0: {  	[dreg:$0x4] =	wrdreg $0x9  }
0xb1: {  	_ =	task.clear_ibuf [dreg:s7], $0x5FFFF;
	_ =	strace $0x90000046  }
0xb2: {  	s29 =	simm.s32 $0x9;
	_ =	strace $0x80000048  }
0xb3: {  	_ =	swait.ge [sflag:s29], $0x1  }
0xb4: {  	[sflag:s29] =	ssyncadd.s32 $0xFFFFFFFF  }
0xb5: {  	_ =	strace $0x90000048  }
0xb6: {  	_ =	sfence  }
0xb7: {  	s30 =	sld [smem:$0x0];
	_ =	sdelay $0x2  }
0xb8: {  	s31 =	sshll.u32 s1, $0xD;
	s1 =	sshrl.u32 s1, $0x2  }
0xb9: {  	s3 =	sand.u32 $0x4000, s31;
	s1 =	sadd.s32 s1, s30  }
0xba: {  	s0 =	sor.u32 s3, s0;
	s1 =	sshll.u32 s1, $0x11  }
0xbb: {  	s0 =	sor.u32 s1, s0  }
0xbc: {  	s0 =	sadd.s32 $0x8F2B, s0  }
0xbd: {  	[sflag:s0] =	ssyncadd.remote.s32 $0x1  }
0xbe: {  	_ =	sfence.sel $0xFFFF  }
0xbf: {  	[dreg:$0x0] =	wrdreg $0xFFFFFFFF;
	(pc) =	sbr.abs _section_cstart, $3  }
0xc0: {  	[dreg:$0x1] =	wrdreg $0xFFFFFFFF  }
0xc1: {  	_ =	task.clear_ibuf [dreg:s7], $0x2FFFF;
	_ =	strace $0x9FFFFFFF  }
0xc2: {  	(tm) =	ssettm $0x7FFFFFFF  }
0xc3: {  	_ =	shalt  }
tec
execute0_lowered:
.L_overlay_start_1:
0x0: {  	(tag) =	ssettag $0x1  }
0x1: {  	s0 =	rddreg [dreg:$0x0]  }
0x2: {  	s2 =	rddreg [dreg:$0x1]  }
0x3: {  	s1 =	srdreg.scid;
	s3 =	simm.s32 $0x0;
	s4 =	stileid.u32  }
0x4: {  	s28 =	simm.s32 $0x9C40;
	s15 =	simm.s32 $0x6;
	s20 =	simm.s32 $0x3  }
0x5: {  	s11 =	simm.s32 $0x7;
	s12 =	simm.s32 $0x4;
	s13 =	simm.s32 $0x16440  }
0x6: {  	s9 =	simm.s32 $0x8;
	s10 =	simm.s32 $0x19640;
	s29 =	simm.s32 $0xA  }
0x7: {  	s22 =	simm.s32 $0xB;
	s14 =	simm.s32 $0x0;
	s1 =	sand.u32 $0x1, s1  }
0x8: {  	[smem:$0x7FF] =	sst s3;
	s4 =	sshll.u32 s4, $0x8;
	s6 =	sadd.s32 $0xF43000, s0  }
0x9: {  	s5 =	sshll.u32 s1, $0x7;
	_ =	strace $0x80000047;
	s1 =	ssub.s32 $0x2, s1  }
0xa: {  	s4 =	sor.u32 s5, s4;
	s5 =	sadd.s32 $0xC00, s0;
	s0 =	sadd.s32 $0x19C00, s0  }
0xb: {  	s23 =	sshrl.u32 s1, $0x1;
	s7 =	smul.u32 $0x19, s4;
	[dreg:$0x3] =	wrdreg s0  }
0xc: {  	s0 =	ssub.s32 s1, s23;
	s24 =	smul.u32 $0xC8, s4;
	s16 =	sor.u32 $0x8, s4  }
0xd: {  	s17 =	sor.u32 $0xA, s4;
	s18 =	sor.u32 $0xC, s4;
	s0 =	smax.u32 s0, $0x1  }
0xe: {  	s19 =	sor.u32 $0xE, s4;
	s8 =	sadd.s32 s5, s7;
	[dreg:$0xc] =	wrdreg s0  }
0xf: {  	s23 =	simm.s32 $0x5;
	s7 =	sadd.s32 $0x19, s8;
	[dreg:$0x4] =	wrdreg s8  }
0x10: {  	s31 =	sshrl.u32 s24, $0x3;
	s25 =	sadd.s32 $0x32, s8;
	[dreg:$0x5] =	wrdreg s7  }
0x11: {  	s1 =	sadd.s32 $0x578, s24;
	s26 =	sadd.s32 $0x4B, s8;
	[dreg:$0x6] =	wrdreg s25  }
0x12: {  	s0 =	simm.s32 $0x50;
	s30 =	sadd.s32 $0x64, s8;
	[dreg:$0x7] =	wrdreg s26  }
0x13: {  	s8 =	sadd.s32 $0x7D, s8;
	s1 =	sshrl.u32 s1, $0x3;
	[dreg:$0x8] =	wrdreg s30  }
0x14: {  	[dreg:$0x9] =	wrdreg s8;
	s7 =	sadd.s32 s5, s31;
	s1 =	sadd.s32 s5, s1  }
0x15: {  	s25 =	simm.s32 $0x2;
	s7 =	sadd.s32 $0x96, s7;
	[dreg:$0xb] =	wrdreg s1  }
0x16: {  	s8 =	simm.s32 $0x10040;
	s1 =	simm.s32 $0xC;
	[dreg:$0xa] =	wrdreg s7  }
.LBB2_1:
0x17: {  	[dreg:$0xd] =	wrdreg s14  }
0x18: {  	s7 =	rddreg [dreg:$0x3];
	s26 =	simm.s32 $0xD  }
0x19: {  	[tilespmem:s3], [sflag:$0xD] =	stream.linear.gather [hbm4b:s7+s3], $0x3200, $0x38;
	[tilespmem:$0x1C840] =	vst v63  }
0x1a: {  	_ =	swait.ge [sflag:s26], $0x3200  }
0x1b: {  	[sflag:s26] =	ssyncset.done $0x0  }
0x1c: {  	s14 =	simm.s32 $0x3200;
	s30 =	rddreg [dreg:$0x4];
	[sflag:s26] =	ssyncadd.s32 $0xFFFFCE00  }
0x1d: {  	[tilespmem:s14], [sflag:$0x1] =	stream.linear.gather [hbm4b:s30+s3], $0xC8, $0x38;
	[tilespmem:$0x1C840] =	vst v63  }
0x1e: {  	s21 =	simm.s32 $0x32C8;
	s31 =	rddreg [dreg:$0x5]  }
0x1f: {  	[tilespmem:s21], [sflag:$0x1] =	stream.linear.gather [hbm4b:s31+s3], $0xC8, $0x38;
	[tilespmem:$0x1C840] =	vst v63  }
0x20: {  	s24 =	rddreg [dreg:$0x6];
	s26 =	simm.s32 $0x3390  }
0x21: {  	[tilespmem:s26], [sflag:$0x2] =	stream.linear.gather [hbm4b:s24+s3], $0xC8, $0x38;
	[tilespmem:$0x1C840] =	vst v63  }
0x22: {  	s30 =	rddreg [dreg:$0x7];
	s31 =	simm.s32 $0x3458  }
0x23: {  	[tilespmem:s31], [sflag:$0x2] =	stream.linear.gather [hbm4b:s30+s3], $0xC8, $0x38;
	[tilespmem:$0x1C840] =	vst v63  }
0x24: {  	s24 =	rddreg [dreg:$0x8];
	s26 =	simm.s32 $0x3520  }
0x25: {  	[tilespmem:s26], [sflag:$0x3] =	stream.linear.gather [hbm4b:s24+s3], $0xC8, $0x38;
	[tilespmem:$0x1C840] =	vst v63  }
0x26: {  	s30 =	rddreg [dreg:$0x9];
	s31 =	simm.s32 $0x35E8  }
0x27: {  	[tilespmem:s31], [sflag:$0x3] =	stream.linear.gather [hbm4b:s30+s3], $0xC8, $0x38;
	[tilespmem:$0x1C840] =	vst v63  }
0x28: {  	s24 =	rddreg [dreg:$0xa];
	s26 =	simm.s32 $0x36B0  }
0x29: {  	[tilespmem:s26], [sflag:$0x4] =	stream.linear.gather [hbm4b:s24+s3], $0xC8, $0x38;
	[tilespmem:$0x1C840] =	vst v63  }
0x2a: {  	s30 =	rddreg [dreg:$0xb];
	s31 =	simm.s32 $0x3778;
	s24 =	simm.s32 $0x1  }
0x2b: {  	[tilespmem:s31], [sflag:$0x4] =	stream.linear.gather [hbm4b:s30+s3], $0xC8, $0x38;
	[tilespmem:$0x1C840] =	vst v63  }
0x2c: {  	_ =	swait.ge [sflag:s24], $0xC8  }
0x2d: {  	[sflag:s24] =	ssyncset.done $0x0  }
0x2e: {  	[sflag:s24] =	ssyncadd.s32 $0xFFFFFF38  }
0x2f: {  	_ =	swait.ge [sflag:s24], $0xC8  }
0x30: {  	[sflag:s24] =	ssyncset.done $0x0  }
0x31: {  	s26 =	simm.s32 $0x3840;
	[sflag:s24] =	ssyncadd.s32 $0xFFFFFF38  }
0x32: {  	[tilespmem:s26], [sflag:$0x5] =	stream.indirect.gather [hbm4b:s6+s0], $0x40, s14, s0, $0xb8;
	[tilespmem:$0x1C840] =	vst v63  }
0x33: {  	s30 =	simm.s32 $0x3250;
	s31 =	simm.s32 $0x4C40  }
0x34: {  	[tilespmem:s31], [sflag:$0x5] =	stream.indirect.gather [hbm4b:s6+s0], $0x40, s30, s0, $0xb8;
	[tilespmem:$0x1C840] =	vst v63  }
0x35: {  	s21 =	simm.s32 $0x6040;
	s14 =	simm.s32 $0x32A0  }
0x36: {  	[tilespmem:s21], [sflag:$0x5] =	stream.indirect.gather [hbm4b:s6+s0], $0x40, s14, s0, $0xb8;
	[tilespmem:$0x1C840] =	vst v63  }
0x37: {  	s24 =	simm.s32 $0x32F0;
	s26 =	simm.s32 $0x7440  }
0x38: {  	[tilespmem:s26], [sflag:$0x5] =	stream.indirect.gather [hbm4b:s6+s0], $0x40, s24, s0, $0xb8;
	[tilespmem:$0x1C840] =	vst v63  }
0x39: {  	s30 =	simm.s32 $0x3340;
	s31 =	simm.s32 $0x8840;
	s14 =	simm.s32 $0x0  }
0x3a: {  	[tilespmem:s31], [sflag:$0x5] =	stream.indirect.gather [hbm4b:s6+s0], $0x40, s30, s0, $0xb8;
	[tilespmem:$0x1C840] =	vst v63  }
.LBB2_2:
0x3b: {  	s31 =	sshll.u32 s14, $0x3;
	p0 =	seq.s32 s14, $0xF  }
0x3c: {  	_ =	swait.ge [sflag:s23], $0x6400;
	s21 =	sadd.s32 @!p0 s31, s16  }
0x3d: {  	[sflag:s23] =	ssyncset.done $0x0;
	s30 =	simm.s32 @!p0 $0x0;
	s24 =	smul.u32 @!p0 $0x19, s21  }
0x3e: {  	s7 =	simm.s32 @!p0 $0x3200;
	p1 =	seq.s32 @!p0 s14, $0x0;
	[sflag:s23] =	ssyncadd.s32 $0xFFFF9C00  }
0x3f: {  	s21 =	smul.u32 @!p0 $0xC8, s21;
	p1 =	por p0, !p1;
	s24 =	sadd.s32 @!p0 s5, s24  }
0x40: {  	[tilespmem:s7], [sflag:$0x1] =	stream.linear.gather @!p0 [hbm4b:s24+s30], $0xC8, $0x38;
	[tilespmem:$0x1C840] =	vst v63  }
.Ltmp0:
0x41: {  	_ = 	snop;
	(pc) =	sbr.rel @!p1 .LBB2_3-.Ltmp0, $4  }
0x42: {  	s7 =	sadd.s32 @!p0 $0xC8, s21  }
0x43: {  	s7 =	sshrl.u32 @!p0 s7, $0x3  }
0x44: {  	s21 =	simm.s32 @!p0 $0x32C8;
	s7 =	sadd.s32 @!p0 s5, s7  }
0x45: {  	[tilespmem:s21], [sflag:$0x1] =	stream.linear.gather @!p0 [hbm4b:s7+s30], $0xC8, $0x38;
	[tilespmem:$0x1C840] =	vst v63  }
0x46: {  	_ =	swait.ge [sflag:s29], $0x3200  }
.Ltmp1:
0x47: {  	[sflag:s29] =	ssyncset.done $0x0;
	(pc) =	sbr.rel .LBB2_5-.Ltmp1, $4  }
0x48: {  	[sflag:s29] =	ssyncadd.s32 $0xFFFFCE00  }
0x49: {  	_ =	swait.ge [sflag:s29], $0x3200  }
0x4a: {  	[sflag:s29] =	ssyncset.done $0x0  }
0x4b: {  	p1 =	por $0x0, $0x0;
	[sflag:s29] =	ssyncadd.s32 $0xFFFFCE00  }
.LBB2_3:
0x4c: {  	p1 =	por @!p0 $0x1, $0x1  }
.LBB2_5:
0x4d: {  	_ =	swait.ge [sflag:s25], $0xC8  }
0x4e: {  	[sflag:s25] =	ssyncset.done $0x0  }
0x4f: {  	[sflag:s25] =	ssyncadd.s32 $0xFFFFFF38  }
0x50: {  	_ =	swait.ge [sflag:s25], $0xC8  }
0x51: {  	[sflag:s25] =	ssyncset.done $0x0  }
0x52: {  	s7 =	simm.s32 $0x3390;
	[sflag:s25] =	ssyncadd.s32 $0xFFFFFF38  }
0x53: {  	[tilespmem:s28], [sflag:$0x6] =	stream.indirect.gather [hbm4b:s6+s0], $0x40, s7, s0, $0xb8;
	[tilespmem:$0x1C840] =	vst v63  }
0x54: {  	s24 =	simm.s32 $0x33E0;
	s21 =	simm.s32 $0xB040  }
0x55: {  	[tilespmem:s21], [sflag:$0x6] =	stream.indirect.gather [hbm4b:s6+s0], $0x40, s24, s0, $0xb8;
	[tilespmem:$0x1C840] =	vst v63  }
0x56: {  	s26 =	simm.s32 $0x3430;
	s30 =	simm.s32 $0xC440  }
0x57: {  	[tilespmem:s30], [sflag:$0x6] =	stream.indirect.gather [hbm4b:s6+s0], $0x40, s26, s0, $0xb8;
	[tilespmem:$0x1C840] =	vst v63  }
0x58: {  	s21 =	simm.s32 $0x3480;
	s24 =	simm.s32 $0xD840  }
0x59: {  	[tilespmem:s24], [sflag:$0x6] =	stream.indirect.gather [hbm4b:s6+s0], $0x40, s21, s0, $0xb8;
	[tilespmem:$0x1C840] =	vst v63  }
0x5a: {  	s26 =	simm.s32 $0x34D0;
	s30 =	simm.s32 $0xEC40;
	s24 =	simm.s32 $0x0  }
0x5b: {  	[tilespmem:s30], [sflag:$0x6] =	stream.indirect.gather [hbm4b:s6+s0], $0x40, s26, s0, $0xb8;
	[tilespmem:$0x1C840] =	vst v63  }
0x5c: {  	v3 =	vld [tilespmem:s24+$0x0]  }
0x5d: {  	v1 =	vld [tilespmem:s24+$0x10]  }
0x5e: {  	v0 =	vld [tilespmem:s24+$0x20]  }
0x5f: {  	v2 =	vld [tilespmem:s24+$0x30]  }
0x60: {  	v8 =	vld [tilespmem:s24+$0x3840]  }
0x61: {  	v10 =	vld [tilespmem:s24+$0x6A40]  }
0x62: {  	v7 =	vld [tilespmem:s24+$0x3850]  }
0x63: {  	v6 =	vld [tilespmem:s24+$0x6A50]  }
0x64: {  	v4 =	vld [tilespmem:s24+$0x3860]  }
0x65: {  	v5 =	vld [tilespmem:s24+$0x6A60];
	v9 =	vadd.f32 v8, v3  }
0x66: {  	s21 =	simm.s32 $0x100;
	v8 =	vadd.f32 v10, v3;
	v3 =	vld [tilespmem:s24+$0x3870]  }
.LBB2_6:
0x67: {  	s7 =	sshra.s32 s21, $0x2;
	p2 =	sne.s32 s21, $0xC700;
	[tilespmem:s24+$0x3840] =	vst v9;
	v7 =	vadd.f32 v7, v1;
	v9 =	vld [tilespmem:s24+$0x6A70]  }
0x68: {  	v10 =	vld [tilespmem:s7+$0x0];
	[tilespmem:s24+$0x6A40] =	vst v8;
	v6 =	vadd.f32 v6, v1  }
0x69: {  	v1 =	vld [tilespmem:s7+$0x10];
	[tilespmem:s24+$0x3850] =	vst v7;
	v4 =	vadd.f32 v4, v0  }
0x6a: {  	[tilespmem:s24+$0x6A50] =	vst v6;
	v5 =	vadd.f32 v5, v0;
	v0 =	vld [tilespmem:s7+$0x20]  }
0x6b: {  	v8 =	vld [tilespmem:s7+$0x30];
	[tilespmem:s24+$0x3860] =	vst v4;
	v3 =	vadd.f32 v3, v2  }
0x6c: {  	v11 =	vld [tilespmem:s7+$0x3840];
	[tilespmem:s24+$0x6A60] =	vst v5;
	v2 =	vadd.f32 v9, v2  }
0x6d: {  	v12 =	vld [tilespmem:s7+$0x6A40];
	[tilespmem:s24+$0x3870] =	vst v3  }
.Ltmp2:
0x6e: {  	v7 =	vld [tilespmem:s7+$0x3850];
	[tilespmem:s24+$0x6A70] =	vst v2;
	s24 =	smov.u32 s7;
	(pc) =	sbr.rel @p2 .LBB2_6-.Ltmp2, $4  }
0x6f: {  	v6 =	vld [tilespmem:s24+$0x6A50]  }
0x70: {  	v4 =	vld [tilespmem:s24+$0x3860];
	v2 =	vmov v8  }
0x71: {  	v9 =	vadd.f32 v11, v10;
	v5 =	vld [tilespmem:s24+$0x6A60]  }
0x72: {  	s21 =	sadd.s32 $0x100, s21;
	v8 =	vadd.f32 v12, v10;
	v3 =	vld [tilespmem:s24+$0x3870]  }
0x73: {  	[tilespmem:s24+$0x3840] =	vst v9;
	v7 =	vadd.f32 v7, v1;
	v9 =	vld [tilespmem:s24+$0x6A70]  }
0x74: {  	[tilespmem:s24+$0x6A40] =	vst v8;
	v1 =	vadd.f32 v6, v1  }
0x75: {  	[tilespmem:s24+$0x3850] =	vst v7;
	v4 =	vadd.f32 v4, v0  }
0x76: {  	[tilespmem:s24+$0x6A50] =	vst v1;
	v0 =	vadd.f32 v5, v0  }
0x77: {  	s21 =	sor.u32 s4, s31;
	[tilespmem:s24+$0x3860] =	vst v4;
	v1 =	vadd.f32 v3, v2  }
0x78: {  	s7 =	smul.u32 $0x640, s21;
	[tilespmem:s24+$0x6A60] =	vst v0;
	v0 =	vadd.f32 v9, v2  }
0x79: {  	[tilespmem:s24+$0x3870] =	vst v1  }
0x7a: {  	s26 =	simm.s32 $0x3840;
	s7 =	sadd.s32 s2, s7;
	[tilespmem:s24+$0x6A70] =	vst v0;
	s24 =	smul.u32 $0x3200, s21  }
0x7b: {  	[hbm4b:s7+s3] =	stream.linear.scatter [tilespmem:s26], [sflag:$0x9], $0x3200, $0x38;
	[tilespmem:$0x1C840] =	vst v63  }
0x7c: {  	s24 =	sshrl.u32 s24, $0x3  }
0x7d: {  	s7 =	sadd.s32 s2, s24  }
0x7e: {  	s26 =	simm.s32 $0x6A40;
	s7 =	sadd.s32 $0x640, s7  }
0x7f: {  	[hbm4b:s7+s3] =	stream.linear.scatter [tilespmem:s26], [sflag:$0x9], $0x3200, $0x38;
	[tilespmem:$0x1C840] =	vst v63  }
0x80: {  	s7 =	sadd.s32 @!p0 s31, s17  }
0x81: {  	s24 =	smul.u32 @!p0 $0x19, s7  }
0x82: {  	_ =	swait.ge [sflag:s15], $0x6400;
	s7 =	smul.u32 @!p0 $0xC8, s7  }
0x83: {  	s30 =	simm.s32 @!p0 $0x0;
	s26 =	simm.s32 @!p0 $0x3390;
	[sflag:s15] =	ssyncset.done $0x0  }
0x84: {  	[sflag:s15] =	ssyncadd.s32 $0xFFFF9C00;
	s24 =	sadd.s32 @!p0 s5, s24;
	s7 =	sadd.s32 @!p0 $0xC8, s7  }
0x85: {  	[tilespmem:s26], [sflag:$0x2] =	stream.linear.gather @!p0 [hbm4b:s24+s30], $0xC8, $0x38;
	[tilespmem:$0x1C840] =	vst v63  }
0x86: {  	s7 =	sshrl.u32 @!p0 s7, $0x3  }
0x87: {  	p1 =	por p0, !p1;
	s24 =	simm.s32 @!p0 $0x3458;
	s7 =	sadd.s32 @!p0 s5, s7  }
0x88: {  	[tilespmem:s24], [sflag:$0x2] =	stream.linear.gather @!p0 [hbm4b:s7+s30], $0xC8, $0x38;
	[tilespmem:$0x1C840] =	vst v63  }
0x89: {  	_ =	swait.ge @p1 [sflag:s22], $0x3200  }
0x8a: {  	[sflag:s22] =	ssyncset.done @p1 $0x0  }
0x8b: {  	[sflag:s22] =	ssyncadd.s32 @p1 $0xFFFFCE00  }
0x8c: {  	_ =	swait.ge @p1 [sflag:s22], $0x3200  }
0x8d: {  	[sflag:s22] =	ssyncset.done @p1 $0x0  }
0x8e: {  	[sflag:s22] =	ssyncadd.s32 @p1 $0xFFFFCE00  }
0x8f: {  	_ =	swait.ge [sflag:s20], $0xC8  }
0x90: {  	[sflag:s20] =	ssyncset.done $0x0  }
0x91: {  	[sflag:s20] =	ssyncadd.s32 $0xFFFFFF38  }
0x92: {  	_ =	swait.ge [sflag:s20], $0xC8  }
0x93: {  	[sflag:s20] =	ssyncset.done $0x0  }
0x94: {  	s26 =	simm.s32 $0x3520;
	[sflag:s20] =	ssyncadd.s32 $0xFFFFFF38  }
0x95: {  	[tilespmem:s8], [sflag:$0x7] =	stream.indirect.gather [hbm4b:s6+s0], $0x40, s26, s0, $0xb8;
	[tilespmem:$0x1C840] =	vst v63  }
0x96: {  	s24 =	simm.s32 $0x3570;
	s26 =	simm.s32 $0x11440  }
0x97: {  	[tilespmem:s26], [sflag:$0x7] =	stream.indirect.gather [hbm4b:s6+s0], $0x40, s24, s0, $0xb8;
	[tilespmem:$0x1C840] =	vst v63  }
0x98: {  	s24 =	simm.s32 $0x35C0;
	s26 =	simm.s32 $0x12840  }
0x99: {  	[tilespmem:s26], [sflag:$0x7] =	stream.indirect.gather [hbm4b:s6+s0], $0x40, s24, s0, $0xb8;
	[tilespmem:$0x1C840] =	vst v63  }
0x9a: {  	s24 =	simm.s32 $0x3610;
	s26 =	simm.s32 $0x13C40  }
0x9b: {  	[tilespmem:s26], [sflag:$0x7] =	stream.indirect.gather [hbm4b:s6+s0], $0x40, s24, s0, $0xb8;
	[tilespmem:$0x1C840] =	vst v63  }
0x9c: {  	s24 =	simm.s32 $0x3660;
	s26 =	simm.s32 $0x15040  }
0x9d: {  	[tilespmem:s26], [sflag:$0x7] =	stream.indirect.gather [hbm4b:s6+s0], $0x40, s24, s0, $0xb8;
	[tilespmem:$0x1C840] =	vst v63  }
0x9e: {  	s24 =	simm.s32 $0x0  }
0x9f: {  	v3 =	vld [tilespmem:s24+$0x0]  }
0xa0: {  	v1 =	vld [tilespmem:s24+$0x10]  }
0xa1: {  	v0 =	vld [tilespmem:s24+$0x20]  }
0xa2: {  	v2 =	vld [tilespmem:s24+$0x30]  }
0xa3: {  	v8 =	vld [tilespmem:s24+$0x9C40]  }
0xa4: {  	v10 =	vld [tilespmem:s24+$0xCE40]  }
0xa5: {  	v7 =	vld [tilespmem:s24+$0x9C50]  }
0xa6: {  	v6 =	vld [tilespmem:s24+$0xCE50]  }
0xa7: {  	v4 =	vld [tilespmem:s24+$0x9C60]  }
0xa8: {  	v5 =	vld [tilespmem:s24+$0xCE60];
	v9 =	vadd.f32 v8, v3  }
0xa9: {  	s30 =	simm.s32 $0x100;
	v8 =	vadd.f32 v10, v3;
	v3 =	vld [tilespmem:s24+$0x9C70]  }
.LBB2_8:
0xaa: {  	s7 =	sshra.s32 s30, $0x2;
	p2 =	sne.s32 s30, $0xC700;
	[tilespmem:s24+$0x9C40] =	vst v9;
	v7 =	vadd.f32 v7, v1;
	v9 =	vld [tilespmem:s24+$0xCE70]  }
0xab: {  	v10 =	vld [tilespmem:s7+$0x0];
	[tilespmem:s24+$0xCE40] =	vst v8;
	v6 =	vadd.f32 v6, v1  }
0xac: {  	v1 =	vld [tilespmem:s7+$0x10];
	[tilespmem:s24+$0x9C50] =	vst v7;
	v4 =	vadd.f32 v4, v0  }
0xad: {  	[tilespmem:s24+$0xCE50] =	vst v6;
	v5 =	vadd.f32 v5, v0;
	v0 =	vld [tilespmem:s7+$0x20]  }
0xae: {  	v8 =	vld [tilespmem:s7+$0x30];
	[tilespmem:s24+$0x9C60] =	vst v4;
	v3 =	vadd.f32 v3, v2  }
0xaf: {  	v11 =	vld [tilespmem:s7+$0x9C40];
	[tilespmem:s24+$0xCE60] =	vst v5;
	v2 =	vadd.f32 v9, v2  }
0xb0: {  	v12 =	vld [tilespmem:s7+$0xCE40];
	[tilespmem:s24+$0x9C70] =	vst v3  }
.Ltmp3:
0xb1: {  	v7 =	vld [tilespmem:s7+$0x9C50];
	[tilespmem:s24+$0xCE70] =	vst v2;
	s24 =	smov.u32 s7;
	(pc) =	sbr.rel @p2 .LBB2_8-.Ltmp3, $4  }
0xb2: {  	v6 =	vld [tilespmem:s24+$0xCE50]  }
0xb3: {  	v4 =	vld [tilespmem:s24+$0x9C60];
	v2 =	vmov v8  }
0xb4: {  	v9 =	vadd.f32 v11, v10;
	v5 =	vld [tilespmem:s24+$0xCE60]  }
0xb5: {  	s30 =	sadd.s32 $0x100, s30;
	v8 =	vadd.f32 v12, v10;
	v3 =	vld [tilespmem:s24+$0x9C70]  }
0xb6: {  	[tilespmem:s24+$0x9C40] =	vst v9;
	v7 =	vadd.f32 v7, v1;
	v9 =	vld [tilespmem:s24+$0xCE70]  }
0xb7: {  	[tilespmem:s24+$0xCE40] =	vst v8;
	v1 =	vadd.f32 v6, v1  }
0xb8: {  	s7 =	sor.u32 $0x2, s21;
	[tilespmem:s24+$0x9C50] =	vst v7;
	v4 =	vadd.f32 v4, v0  }
0xb9: {  	s26 =	smul.u32 $0x640, s7;
	[tilespmem:s24+$0xCE50] =	vst v1;
	v0 =	vadd.f32 v5, v0  }
0xba: {  	s7 =	smul.u32 $0x3200, s7;
	[tilespmem:s24+$0x9C60] =	vst v4;
	v1 =	vadd.f32 v3, v2  }
0xbb: {  	[tilespmem:s24+$0xCE60] =	vst v0;
	v0 =	vadd.f32 v9, v2  }
0xbc: {  	s7 =	sshrl.u32 s7, $0x3;
	[tilespmem:s24+$0x9C70] =	vst v1  }
0xbd: {  	s26 =	sadd.s32 s2, s26;
	s7 =	sadd.s32 s2, s7;
	[tilespmem:s24+$0xCE70] =	vst v0  }
0xbe: {  	[hbm4b:s26+s3] =	stream.linear.scatter [tilespmem:s28], [sflag:$0xA], $0x3200, $0x38;
	[tilespmem:$0x1C840] =	vst v63  }
0xbf: {  	s7 =	sadd.s32 $0x640, s7;
	s26 =	simm.s32 $0xCE40  }
0xc0: {  	[hbm4b:s7+s3] =	stream.linear.scatter [tilespmem:s26], [sflag:$0xA], $0x3200, $0x38;
	[tilespmem:$0x1C840] =	vst v63  }
0xc1: {  	s7 =	sadd.s32 @!p0 s31, s18  }
0xc2: {  	s24 =	smul.u32 @!p0 $0x19, s7  }
0xc3: {  	_ =	swait.ge [sflag:s11], $0x6400;
	s7 =	smul.u32 @!p0 $0xC8, s7  }
0xc4: {  	s30 =	simm.s32 @!p0 $0x3520;
	s26 =	simm.s32 @!p0 $0x0;
	[sflag:s11] =	ssyncset.done $0x0  }
0xc5: {  	[sflag:s11] =	ssyncadd.s32 $0xFFFF9C00;
	s24 =	sadd.s32 @!p0 s5, s24;
	s7 =	sadd.s32 @!p0 $0xC8, s7  }
0xc6: {  	[tilespmem:s30], [sflag:$0x3] =	stream.linear.gather @!p0 [hbm4b:s24+s26], $0xC8, $0x38;
	[tilespmem:$0x1C840] =	vst v63  }
0xc7: {  	s7 =	sshrl.u32 @!p0 s7, $0x3  }
0xc8: {  	s24 =	simm.s32 @!p0 $0x35E8;
	s7 =	sadd.s32 @!p0 s5, s7  }
0xc9: {  	[tilespmem:s24], [sflag:$0x3] =	stream.linear.gather @!p0 [hbm4b:s7+s26], $0xC8, $0x38;
	[tilespmem:$0x1C840] =	vst v63  }
0xca: {  	_ =	swait.ge @p1 [sflag:s1], $0x3200  }
0xcb: {  	[sflag:s1] =	ssyncset.done @p1 $0x0  }
0xcc: {  	[sflag:s1] =	ssyncadd.s32 @p1 $0xFFFFCE00  }
0xcd: {  	_ =	swait.ge @p1 [sflag:s1], $0x3200  }
0xce: {  	[sflag:s1] =	ssyncset.done @p1 $0x0  }
0xcf: {  	[sflag:s1] =	ssyncadd.s32 @p1 $0xFFFFCE00  }
0xd0: {  	_ =	swait.ge [sflag:s12], $0xC8  }
0xd1: {  	[sflag:s12] =	ssyncset.done $0x0  }
0xd2: {  	[sflag:s12] =	ssyncadd.s32 $0xFFFFFF38  }
0xd3: {  	_ =	swait.ge [sflag:s12], $0xC8  }
0xd4: {  	[sflag:s12] =	ssyncset.done $0x0  }
0xd5: {  	s26 =	simm.s32 $0x36B0;
	[sflag:s12] =	ssyncadd.s32 $0xFFFFFF38  }
0xd6: {  	[tilespmem:s13], [sflag:$0x8] =	stream.indirect.gather [hbm4b:s6+s0], $0x40, s26, s0, $0xb8;
	[tilespmem:$0x1C840] =	vst v63  }
0xd7: {  	s24 =	simm.s32 $0x3700;
	s26 =	simm.s32 $0x17840  }
0xd8: {  	[tilespmem:s26], [sflag:$0x8] =	stream.indirect.gather [hbm4b:s6+s0], $0x40, s24, s0, $0xb8;
	[tilespmem:$0x1C840] =	vst v63  }
0xd9: {  	s24 =	simm.s32 $0x3750;
	s26 =	simm.s32 $0x18C40  }
0xda: {  	[tilespmem:s26], [sflag:$0x8] =	stream.indirect.gather [hbm4b:s6+s0], $0x40, s24, s0, $0xb8;
	[tilespmem:$0x1C840] =	vst v63  }
0xdb: {  	s24 =	simm.s32 $0x37A0;
	s26 =	simm.s32 $0x1A040  }
0xdc: {  	[tilespmem:s26], [sflag:$0x8] =	stream.indirect.gather [hbm4b:s6+s0], $0x40, s24, s0, $0xb8;
	[tilespmem:$0x1C840] =	vst v63  }
0xdd: {  	s24 =	simm.s32 $0x37F0;
	s26 =	simm.s32 $0x1B440  }
0xde: {  	[tilespmem:s26], [sflag:$0x8] =	stream.indirect.gather [hbm4b:s6+s0], $0x40, s24, s0, $0xb8;
	[tilespmem:$0x1C840] =	vst v63  }
0xdf: {  	s24 =	simm.s32 $0x0  }
0xe0: {  	v3 =	vld [tilespmem:s24+$0x0]  }
0xe1: {  	v1 =	vld [tilespmem:s24+$0x10]  }
0xe2: {  	v0 =	vld [tilespmem:s24+$0x20]  }
0xe3: {  	v2 =	vld [tilespmem:s24+$0x30]  }
0xe4: {  	v8 =	vld [tilespmem:s24+$0x10040]  }
0xe5: {  	v10 =	vld [tilespmem:s24+$0x13240]  }
0xe6: {  	v7 =	vld [tilespmem:s24+$0x10050]  }
0xe7: {  	v6 =	vld [tilespmem:s24+$0x13250]  }
0xe8: {  	v4 =	vld [tilespmem:s24+$0x10060]  }
0xe9: {  	v5 =	vld [tilespmem:s24+$0x13260];
	v9 =	vadd.f32 v8, v3  }
0xea: {  	s30 =	simm.s32 $0x100;
	v8 =	vadd.f32 v10, v3;
	v3 =	vld [tilespmem:s24+$0x10070]  }
.LBB2_10:
0xeb: {  	s7 =	sshra.s32 s30, $0x2;
	p1 =	sne.s32 s30, $0xC700;
	[tilespmem:s24+$0x10040] =	vst v9;
	v7 =	vadd.f32 v7, v1;
	v9 =	vld [tilespmem:s24+$0x13270]  }
0xec: {  	v10 =	vld [tilespmem:s7+$0x0];
	[tilespmem:s24+$0x13240] =	vst v8;
	v6 =	vadd.f32 v6, v1  }
0xed: {  	v1 =	vld [tilespmem:s7+$0x10];
	[tilespmem:s24+$0x10050] =	vst v7;
	v4 =	vadd.f32 v4, v0  }
0xee: {  	[tilespmem:s24+$0x13250] =	vst v6;
	v5 =	vadd.f32 v5, v0;
	v0 =	vld [tilespmem:s7+$0x20]  }
0xef: {  	v8 =	vld [tilespmem:s7+$0x30];
	[tilespmem:s24+$0x10060] =	vst v4;
	v3 =	vadd.f32 v3, v2  }
0xf0: {  	v11 =	vld [tilespmem:s7+$0x10040];
	[tilespmem:s24+$0x13260] =	vst v5;
	v2 =	vadd.f32 v9, v2  }
0xf1: {  	v12 =	vld [tilespmem:s7+$0x13240];
	[tilespmem:s24+$0x10070] =	vst v3  }
.Ltmp4:
0xf2: {  	v7 =	vld [tilespmem:s7+$0x10050];
	[tilespmem:s24+$0x13270] =	vst v2;
	s24 =	smov.u32 s7;
	(pc) =	sbr.rel @p1 .LBB2_10-.Ltmp4, $4  }
0xf3: {  	v6 =	vld [tilespmem:s24+$0x13250]  }
0xf4: {  	v4 =	vld [tilespmem:s24+$0x10060];
	v2 =	vmov v8  }
0xf5: {  	v9 =	vadd.f32 v11, v10;
	v5 =	vld [tilespmem:s24+$0x13260]  }
0xf6: {  	s30 =	sadd.s32 $0x100, s30;
	v8 =	vadd.f32 v12, v10;
	v3 =	vld [tilespmem:s24+$0x10070]  }
0xf7: {  	[tilespmem:s24+$0x10040] =	vst v9;
	v7 =	vadd.f32 v7, v1;
	v9 =	vld [tilespmem:s24+$0x13270]  }
0xf8: {  	[tilespmem:s24+$0x13240] =	vst v8;
	v1 =	vadd.f32 v6, v1  }
0xf9: {  	s7 =	sor.u32 $0x4, s21;
	[tilespmem:s24+$0x10050] =	vst v7;
	v4 =	vadd.f32 v4, v0  }
0xfa: {  	s26 =	smul.u32 $0x640, s7;
	[tilespmem:s24+$0x13250] =	vst v1;
	v0 =	vadd.f32 v5, v0  }
0xfb: {  	s7 =	smul.u32 $0x3200, s7;
	[tilespmem:s24+$0x10060] =	vst v4;
	v1 =	vadd.f32 v3, v2  }
0xfc: {  	[tilespmem:s24+$0x13260] =	vst v0;
	v0 =	vadd.f32 v9, v2  }
0xfd: {  	s7 =	sshrl.u32 s7, $0x3;
	[tilespmem:s24+$0x10070] =	vst v1  }
0xfe: {  	s26 =	sadd.s32 s2, s26;
	s7 =	sadd.s32 s2, s7;
	[tilespmem:s24+$0x13270] =	vst v0  }
0xff: {  	[hbm4b:s26+s3] =	stream.linear.scatter [tilespmem:s8], [sflag:$0xB], $0x3200, $0x38;
	[tilespmem:$0x1C840] =	vst v63  }
0x100: {  	s7 =	sadd.s32 $0x640, s7;
	s26 =	simm.s32 $0x13240  }
0x101: {  	[hbm4b:s7+s3] =	stream.linear.scatter [tilespmem:s26], [sflag:$0xB], $0x3200, $0x38;
	[tilespmem:$0x1C840] =	vst v63  }
0x102: {  	_ =	swait.ge [sflag:s9], $0x6400  }
0x103: {  	[sflag:s9] =	ssyncset.done $0x0  }
0x104: {  	s7 =	simm.s32 @p0 $0x9;
	[sflag:s9] =	ssyncadd.s32 $0xFFFF9C00  }
0x105: {  	_ =	swait.ge @p0 [sflag:s7], $0x3200  }
0x106: {  	[sflag:s7] =	ssyncset.done @p0 $0x0  }
0x107: {  	s24 =	sadd.s32 @!p0 s31, s19;
	[sflag:s7] =	ssyncadd.s32 @p0 $0xFFFFCE00  }
0x108: {  	s26 =	smul.u32 @!p0 $0x19, s24;
	_ =	swait.ge @p0 [sflag:s7], $0x3200  }
0x109: {  	s30 =	simm.s32 @!p0 $0x36B0;
	s24 =	smul.u32 @!p0 $0xC8, s24;
	[sflag:s7] =	ssyncset.done @p0 $0x0  }
0x10a: {  	[sflag:s7] =	ssyncadd.s32 @p0 $0xFFFFCE00;
	s7 =	sadd.s32 @!p0 s5, s26;
	s26 =	simm.s32 @!p0 $0x0  }
0x10b: {  	[tilespmem:s30], [sflag:$0x4] =	stream.linear.gather @!p0 [hbm4b:s7+s26], $0xC8, $0x38;
	[tilespmem:$0x1C840] =	vst v63  }
0x10c: {  	s7 =	sadd.s32 @!p0 $0xC8, s24  }
0x10d: {  	s7 =	sshrl.u32 @!p0 s7, $0x3  }
0x10e: {  	s24 =	simm.s32 @!p0 $0x3778;
	s7 =	sadd.s32 @!p0 s5, s7  }
0x10f: {  	[tilespmem:s24], [sflag:$0x4] =	stream.linear.gather @!p0 [hbm4b:s7+s26], $0xC8, $0x38;
	[tilespmem:$0x1C840] =	vst v63  }
0x110: {  	s7 =	simm.s32 @!p0 $0x9  }
0x111: {  	_ =	swait.ge @!p0 [sflag:s7], $0x3200  }
0x112: {  	[sflag:s7] =	ssyncset.done @!p0 $0x0  }
0x113: {  	[sflag:s7] =	ssyncadd.s32 @!p0 $0xFFFFCE00  }
0x114: {  	_ =	swait.ge @!p0 [sflag:s7], $0x3200  }
0x115: {  	[sflag:s7] =	ssyncset.done @!p0 $0x0  }
0x116: {  	[sflag:s7] =	ssyncadd.s32 @!p0 $0xFFFFCE00;
	s7 =	simm.s32 @!p0 $0x1  }
0x117: {  	_ =	swait.ge @!p0 [sflag:s7], $0xC8  }
0x118: {  	[sflag:s7] =	ssyncset.done @!p0 $0x0  }
0x119: {  	[sflag:s7] =	ssyncadd.s32 @!p0 $0xFFFFFF38  }
0x11a: {  	_ =	swait.ge @!p0 [sflag:s7], $0xC8  }
0x11b: {  	s24 =	simm.s32 @!p0 $0x3200;
	[sflag:s7] =	ssyncset.done @!p0 $0x0  }
0x11c: {  	s26 =	simm.s32 @!p0 $0x3840;
	[sflag:s7] =	ssyncadd.s32 @!p0 $0xFFFFFF38;
	s7 =	simm.s32 @!p0 $0x50  }
0x11d: {  	[tilespmem:s26], [sflag:$0x5] =	stream.indirect.gather @!p0 [hbm4b:s6+s7], $0x40, s24, s7, $0xb8;
	[tilespmem:$0x1C840] =	vst v63  }
0x11e: {  	s24 =	simm.s32 @!p0 $0x3250;
	s26 =	simm.s32 @!p0 $0x4C40  }
0x11f: {  	[tilespmem:s26], [sflag:$0x5] =	stream.indirect.gather @!p0 [hbm4b:s6+s7], $0x40, s24, s7, $0xb8;
	[tilespmem:$0x1C840] =	vst v63  }
0x120: {  	s24 =	simm.s32 @!p0 $0x32A0;
	s26 =	simm.s32 @!p0 $0x6040  }
0x121: {  	[tilespmem:s26], [sflag:$0x5] =	stream.indirect.gather @!p0 [hbm4b:s6+s7], $0x40, s24, s7, $0xb8;
	[tilespmem:$0x1C840] =	vst v63  }
0x122: {  	s24 =	simm.s32 @!p0 $0x32F0;
	s26 =	simm.s32 @!p0 $0x7440  }
0x123: {  	[tilespmem:s26], [sflag:$0x5] =	stream.indirect.gather @!p0 [hbm4b:s6+s7], $0x40, s24, s7, $0xb8;
	[tilespmem:$0x1C840] =	vst v63  }
0x124: {  	s24 =	simm.s32 @!p0 $0x3340;
	s26 =	simm.s32 @!p0 $0x8840  }
0x125: {  	[tilespmem:s26], [sflag:$0x5] =	stream.indirect.gather @!p0 [hbm4b:s6+s7], $0x40, s24, s7, $0xb8;
	[tilespmem:$0x1C840] =	vst v63  }
0x126: {  	s24 =	simm.s32 $0x0  }
0x127: {  	v3 =	vld [tilespmem:s24+$0x0]  }
0x128: {  	v1 =	vld [tilespmem:s24+$0x10]  }
0x129: {  	v0 =	vld [tilespmem:s24+$0x20]  }
0x12a: {  	v2 =	vld [tilespmem:s24+$0x30]  }
0x12b: {  	v8 =	vld [tilespmem:s24+$0x16440]  }
0x12c: {  	v10 =	vld [tilespmem:s24+$0x19640]  }
0x12d: {  	v7 =	vld [tilespmem:s24+$0x16450]  }
0x12e: {  	v6 =	vld [tilespmem:s24+$0x19650]  }
0x12f: {  	v4 =	vld [tilespmem:s24+$0x16460]  }
0x130: {  	v5 =	vld [tilespmem:s24+$0x19660];
	v9 =	vadd.f32 v8, v3  }
0x131: {  	s30 =	simm.s32 $0x100;
	v8 =	vadd.f32 v10, v3;
	v3 =	vld [tilespmem:s24+$0x16470]  }
.LBB2_12:
0x132: {  	s7 =	sshra.s32 s30, $0x2;
	p0 =	sne.s32 s30, $0xC700;
	[tilespmem:s24+$0x16440] =	vst v9;
	v7 =	vadd.f32 v7, v1;
	v9 =	vld [tilespmem:s24+$0x19670]  }
0x133: {  	v10 =	vld [tilespmem:s7+$0x0];
	[tilespmem:s24+$0x19640] =	vst v8;
	v6 =	vadd.f32 v6, v1  }
0x134: {  	v1 =	vld [tilespmem:s7+$0x10];
	[tilespmem:s24+$0x16450] =	vst v7;
	v4 =	vadd.f32 v4, v0  }
0x135: {  	[tilespmem:s24+$0x19650] =	vst v6;
	v5 =	vadd.f32 v5, v0;
	v0 =	vld [tilespmem:s7+$0x20]  }
0x136: {  	v8 =	vld [tilespmem:s7+$0x30];
	[tilespmem:s24+$0x16460] =	vst v4;
	v3 =	vadd.f32 v3, v2  }
0x137: {  	v11 =	vld [tilespmem:s7+$0x16440];
	[tilespmem:s24+$0x19660] =	vst v5;
	v2 =	vadd.f32 v9, v2  }
0x138: {  	v12 =	vld [tilespmem:s7+$0x19640];
	[tilespmem:s24+$0x16470] =	vst v3  }
.Ltmp5:
0x139: {  	v7 =	vld [tilespmem:s7+$0x16450];
	[tilespmem:s24+$0x19670] =	vst v2;
	s24 =	smov.u32 s7;
	(pc) =	sbr.rel @p0 .LBB2_12-.Ltmp5, $4  }
0x13a: {  	v6 =	vld [tilespmem:s24+$0x19650]  }
0x13b: {  	v4 =	vld [tilespmem:s24+$0x16460];
	v2 =	vmov v8  }
0x13c: {  	v9 =	vadd.f32 v11, v10;
	v5 =	vld [tilespmem:s24+$0x19660]  }
0x13d: {  	s30 =	sadd.s32 $0x100, s30;
	v8 =	vadd.f32 v12, v10;
	v3 =	vld [tilespmem:s24+$0x16470]  }
0x13e: {  	[tilespmem:s24+$0x16440] =	vst v9;
	v7 =	vadd.f32 v7, v1;
	v59 =	vld [tilespmem:s24+$0x19670]  }
0x13f: {  	[tilespmem:s24+$0x19640] =	vst v8;
	v60 =	vadd.f32 v6, v1  }
0x140: {  	s7 =	sor.u32 $0x6, s21;
	[tilespmem:s24+$0x16450] =	vst v7;
	v4 =	vadd.f32 v4, v0  }
0x141: {  	s21 =	smul.u32 $0x640, s7;
	[tilespmem:s24+$0x19650] =	vst v60;
	v61 =	vadd.f32 v5, v0  }
0x142: {  	s14 =	sadd.s32 $0x1, s14;
	s7 =	smul.u32 $0x3200, s7;
	[tilespmem:s24+$0x16460] =	vst v4;
	v62 =	vadd.f32 v3, v2  }
0x143: {  	p0 =	sne.s32 s14, $0x10;
	[tilespmem:s24+$0x19660] =	vst v61;
	v63 =	vadd.f32 v59, v2  }
.Ltmp6:
0x144: {  	s7 =	sshrl.u32 s7, $0x3;
	[tilespmem:s24+$0x16470] =	vst v62;
	(pc) =	sbr.rel @p0 .LBB2_2-.Ltmp6, $4  }
0x145: {  	s21 =	sadd.s32 s2, s21;
	s7 =	sadd.s32 s2, s7;
	[tilespmem:s24+$0x19670] =	vst v63  }
0x146: {  	[hbm4b:s21+s3] =	stream.linear.scatter [tilespmem:s13], [sflag:$0xC], $0x3200, $0x38;
	[tilespmem:$0x1C840] =	vst v63  }
0x147: {  	s7 =	sadd.s32 $0x640, s7  }
0x148: {  	[hbm4b:s7+s3] =	stream.linear.scatter [tilespmem:s10], [sflag:$0xC], $0x3200, $0x38;
	[tilespmem:$0x1C840] =	vst v63  }
0x149: {  	_ =	swait.ge [sflag:s29], $0x3200  }
0x14a: {  	[sflag:s29] =	ssyncset.done $0x0  }
0x14b: {  	[sflag:s29] =	ssyncadd.s32 $0xFFFFCE00  }
0x14c: {  	_ =	swait.ge [sflag:s29], $0x3200  }
0x14d: {  	[sflag:s29] =	ssyncset.done $0x0  }
0x14e: {  	[sflag:s29] =	ssyncadd.s32 $0xFFFFCE00  }
0x14f: {  	_ =	swait.ge [sflag:s22], $0x3200  }
0x150: {  	[sflag:s22] =	ssyncset.done $0x0  }
0x151: {  	[sflag:s22] =	ssyncadd.s32 $0xFFFFCE00  }
0x152: {  	_ =	swait.ge [sflag:s22], $0x3200  }
0x153: {  	[sflag:s22] =	ssyncset.done $0x0  }
0x154: {  	[sflag:s22] =	ssyncadd.s32 $0xFFFFCE00  }
0x155: {  	_ =	swait.ge [sflag:s1], $0x3200  }
0x156: {  	[sflag:s1] =	ssyncset.done $0x0  }
0x157: {  	[sflag:s1] =	ssyncadd.s32 $0xFFFFCE00  }
0x158: {  	_ =	swait.ge [sflag:s1], $0x3200  }
0x159: {  	s14 =	rddreg [dreg:$0xd]  }
0x15a: {  	s7 =	rddreg [dreg:$0xc];
	s14 =	sadd.s32 $0x1, s14  }
0x15b: {  	p0 =	sne.s32 s14, s7  }
.Ltmp7:
0x15c: {  	_ = 	snop;
	(pc) =	sbr.rel @p0 .LBB2_1-.Ltmp7, $3  }
0x15d: {  	_ =	sdelay $0x1  }
0x15e: {  	[sflag:s1] =	ssyncset.done $0x0  }
0x15f: {  	[sflag:s1] =	ssyncadd.s32 $0xFFFFCE00  }
0x160: {  	_ =	sfence.sel $0x180000  }
0x161: {  	[bflag:$0x0] =	sbarrier.arrive $0xFFFF  }
0x162: {  	_ =	strace $0x90000047  }
0x163: {  	s0 =	stileid.u32;
	[bflag:$0x2] =	sbarrier.arrive $0xFFFF  }
0x164: {  	p0 =	sne.s32 s0, $0x0;
	s0 =	rddreg [dreg:$0x2]  }
0x165: {  	s0 =	sadd.s32 @!p0 $0x100000, s0  }
0x166: {  	[sflag:s0] =	ssyncadd.tile.s32 @!p0 $0x1;
	_ =	shalt  }
.Lfunc_end2:
_tile_overlayer_lowered:
.L_overlay_start_2:
0x167: {  	(tag) =	ssettag $0x2  }
0x168: {  	s0 =	rddreg [dreg:$0x0];
	s2 =	stileid.u32  }
0x169: {  	s1 =	rddreg [dreg:$0x1];
	p0 =	sne.s32 s2, $0x0  }
0x16a: {  	s3 =	rddreg [dreg:$0x2];
	[bflag:$0x3] =	sbarrier.arrive $0xFFFF;
	s2 =	simm.s32 @!p0 $0x1C0D  }
0x16b: {  	[timem:s3], [sflag:s2] =	dma.local @!p0 [hbm:s0], s1  }
0x16c: {  	s0 =	simm.s32 @!p0 $0xD  }
0x16d: {  	_ =	swait.ge @!p0 [sflag:s0], s1  }
0x16e: {  	s1 =	ssub.s32 @!p0 $0x0, s1;
	[sflag:s0] =	ssyncset.done @!p0 $0x0  }
0x16f: {  	[sflag:s0] =	ssyncadd.s32 @!p0 s1  }
0x170: {  	[bflag:$0x3] =	sbarrier.arrive $0xFFFF  }
0x171: {  	_ =	shalt  }

// kernel: sparse-core-data-format-call.cloned.1.call-start
scs
called_computation_lowered:
.L_overlay_start_0:
0x0: {  	s2 =	sld [smem:$0x3FD9]  }
0x1: {  	s3 =	sld [smem:$0x3FFE];
	_ =	sdelay $0x1  }
0x2: {  	s1 =	srdreg.scid  }
0x3: {  	s0 =	sand.u32 $0x1, s1  }
0x4: {  	s18 =	sshll.u32 s0, $0xA;
	s2 =	sadd.s32 s3, s2  }
0x5: {  	s2 =	sadd.s32 s2, s18  }
0x6: {  	[smem:$0x3FC5] =	sst s2  }
0x7: {  	_ = 	snop  }
0x8: {  	s2 =	sld [smem:$0x3FD0];
	(tm) =	ssettm $0x1  }
0x9: {  	s19 =	sld [smem:$0x3FFB];
	_ =	sdelay $0x3  }
0xa: {  	_ =	strace s19  }
0xb: {  	s3 =	sld [smem:$0x3FFC];
	_ =	sdelay $0x3  }
0xc: {  	_ =	strace s3  }
0xd: {  	s3 =	sld [smem:$0x3FFD];
	_ =	sdelay $0x3  }
0xe: {  	_ =	strace s3  }
0xf: {  	_ =	strace $0x8FFFFFFF  }
0x10: {  	s20 =	sld [smem:$0x3FDB];
	_ =	sdelay $0x1  }
0x11: {  	s4 =	simm.s32 $_scs_section_size  }
0x12: {  	s5 =	simm.s32 $_size__tile_overlayer_lowered;
	s6 =	simm.s32 $_tile_overlayer_lowered  }
0x13: {  	s23 =	simm.s32 $0x1BFF;
	s22 =	sshll.u32 s6, $0x1;
	s3 =	sadd.s32 s4, s20  }
0x14: {  	s7 =	simm.s32 $0x0;
	s21 =	sshll.u32 s5, $0x1;
	s5 =	sadd.s32 s22, s3  }
0x15: {  	[timem:s7], [sflag:s23] =	dma.local [hbm:s5], s21  }
0x16: {  	_ =	swait.ge [sflag:s23], s21  }
0x17: {  	s4 =	ssub.s32 $0x0, s21;
	[sflag:s23] =	ssyncset.done $0x0  }
0x18: {  	[sflag:s23] =	ssyncadd.s32 s4;
	_ =	sdelay $0x1  }
0x19: {  	s24 =	simm.s32 $0x1B8B  }
0x1a: {  	_ =	swait.ge [sflag:s24], $0x1  }
0x1b: {  	[sflag:s24] =	ssyncset.done $0x0  }
0x1c: {  	s26 =	simm.s32 $0x1B8E;
	s25 =	sld [smem:$0x3FFE];
	[sflag:s24] =	ssyncadd.s32 $0xFFFFFFFF  }
0x1d: {  	s27 =	simm.s32 $execute0_lowered;
	[smem:$0x3FD2] =	sst s26  }
0x1e: {  	s5 =	sshll.u32 s27, $0x1;
	_ =	strace $0x80000049;
	[dreg:$0x1] =	wrdreg $0xFFFFFFFF  }
0x1f: {  	s28 =	simm.s32 $_size_execute0_lowered;
	s3 =	sadd.s32 s3, s5;
	[dreg:$0x0] =	wrdreg $0x0  }
0x20: {  	s5 =	sshll.u32 s28, $0x1;
	[dreg:$0x2] =	wrdreg s3  }
0x21: {  	[dreg:$0x3] =	wrdreg s5  }
0x22: {  	[dreg:$0x4] =	wrdreg $0xC0  }
0x23: {  	_ =	task [dreg:s7], $0x5FFFF  }
0x24: {  	[dreg:$0x1] =	wrdreg $0xFFFFFFFF  }
0x25: {  	[dreg:$0x0] =	wrdreg $0x60  }
0x26: {  	[dreg:$0x2] =	wrdreg s25  }
0x27: {  	[dreg:$0x3] =	wrdreg s2  }
0x28: {  	[dreg:$0x4] =	wrdreg $0x9  }
0x29: {  	_ =	task.clear_ibuf [dreg:s7], $0x5FFFF;
	_ =	strace $0x90000049  }
0x2a: {  	s29 =	simm.s32 $0x9;
	_ =	strace $0x8000004B  }
0x2b: {  	_ =	swait.ge [sflag:s29], $0x1  }
0x2c: {  	[sflag:s29] =	ssyncadd.s32 $0xFFFFFFFF  }
0x2d: {  	_ =	strace $0x9000004B  }
0x2e: {  	_ =	sfence  }
0x2f: {  	s30 =	sld [smem:$0x0];
	_ =	sdelay $0x2  }
0x30: {  	s31 =	sshll.u32 s1, $0xD;
	s1 =	sshrl.u32 s1, $0x2  }
0x31: {  	s3 =	sand.u32 $0x4000, s31;
	s1 =	sadd.s32 s1, s30  }
0x32: {  	s0 =	sor.u32 s3, s0;
	s1 =	sshll.u32 s1, $0x11  }
0x33: {  	s0 =	sor.u32 s1, s0  }
0x34: {  	s0 =	sadd.s32 $0x8F2B, s0  }
0x35: {  	[sflag:s0] =	ssyncadd.remote.s32 $0x1  }
0x36: {  	_ =	sfence.sel $0xFFFF  }
0x37: {  	[dreg:$0x0] =	wrdreg $0xFFFFFFFF;
	(pc) =	sbr.abs _section_cstart, $3  }
0x38: {  	[dreg:$0x1] =	wrdreg $0xFFFFFFFF  }
0x39: {  	_ =	task.clear_ibuf [dreg:s7], $0x2FFFF;
	_ =	strace $0x9FFFFFFF  }
0x3a: {  	(tm) =	ssettm $0x7FFFFFFF  }
0x3b: {  	_ =	shalt  }
tec
execute0_lowered:
.L_overlay_start_1:
0x0: {  	(tag) =	ssettag $0x1  }
0x1: {  	s0 =	srdreg.scid  }
0x2: {  	s1 =	sshll.u32 s0, $0x4  }
0x3: {  	s0 =	stileid.u32;
	s1 =	sand.u32 $0x10, s1  }
0x4: {  	s1 =	sor.u32 s0, s1  }
0x5: {  	s6 =	rddreg [dreg:$0x0];
	s4 =	simm.s32 $0x1;
	s2 =	sshll.u32 s1, $0x7  }
0x6: {  	s7 =	simm.s32 $0x2;
	s12 =	simm.s32 $0x0;
	s1 =	ssub.s32 $0x1000, s2  }
0x7: {  	s8 =	simm.s32 $0x8000;
	s13 =	simm.s32 $0x0;
	s3 =	sand.u32 $0xF80, s1  }
0x8: {  	s9 =	simm.s32 $0x0;
	s5 =	sshrl.u32 s1, $0xC;
	p0 =	sne.s32 s3, $0x0  }
.Ltmp0:
0x9: {  	s1 =	rddreg [dreg:$0x2];
	s4 =	simm.s32 @!p0 $0x0;
	(pc) =	sbr.rel .LBB1_1-.Ltmp0, $4  }
0xa: {  	s11 =	simm.s32 $0x0;
	s3 =	rddreg [dreg:$0x1];
	s5 =	sadd.s32 s4, s5  }
0xb: {  	_ =	strace $0x8000004A;
	s4 =	simm.s32 $0x1;
	s5 =	smul.u32 $0xC8, s5  }
0xc: {  	s6 =	sadd.s32 $0xC00, s6;
	s10 =	smov.u32 s2;
	[sflag:s4] =	ssyncpa.u1 $0x0  }
0xd: {  	p0 =	por $0x0, $0x0;
	[sflag:s7] =	ssyncpa.u1 $0x0;
	s7 =	sor.u32 $0x1, s5  }
.LBB1_4:
0xe: {  	s16 =	sshll.u32 s13, $0x3;
	s17 =	sand.u32 $0x78, s13  }
0xf: {  	s30 =	sand.u32 $0x7E00, s13;
	s12 =	sshll.u32 s12, $0xF;
	s16 =	sand.u32 $0xC00, s16  }
0x10: {  	[tilespmem:s15+$0x810 ss:$0x81] =	vst.msk $0xffff, v2;
	s31 =	sand.u32 $0x7, s13;
	s16 =	sor.u32 s17, s16;
	s17 =	sadd.s32 s3, s30  }
0x11: {  	[tilespmem:s15+$0x1020 ss:$0x81] =	vst.msk $0xffff, v0;
	s13 =	sshll.u32 s31, $0x12;
	s12 =	sadd.s32 s12, s17;
	s16 =	sshrl.u32 s16, $0x3  }
0x12: {  	[tilespmem:s15+$0x0 ss:$0x81] =	vst.msk $0xffff, v1;
	s13 =	sor.u32 $0x400, s13;
	s12 =	sadd.s32 s16, s12  }
0x13: {  	[hbm4b:s12+s13] =	stream.strided.scatter [tilespmem:s14], [sflag:$0x2], $0x2000, s8, s13, $0x20;
	[tilespmem:$0x8080] =	vst v63  }
.LBB1_5:
0x14: {  	s14 =	sadd.s32 $0x1, s9  }
0x15: {  	s12 =	sadd.s32 $0x1000, s10;
	s16 =	smov.u32 s10;
	p2 =	sgt.s32 s14, $0xC7  }
0x16: {  	s16 =	smov.u32 @p2 s12  }
0x17: {  	s14 =	simm.s32 @p2 $0x0;
	p2 =	sgt.s32 s16, $0xFFF  }
0x18: {  	s16 =	smov.u32 @p2 s2;
	p2 =	sne.s32 s11, s7  }
.Ltmp1:
0x19: {  	p1 =	slt.u32 s11, $0x2;
	(pc) =	sbr.rel @!p2 .LBB1_6-.Ltmp1, $4  }
0x1a: {  	s15 =	simm.s32 @!p1 $0x2  }
0x1b: {  	s13 =	smov.u32 s10;
	p0 =	por !p0, !p0;
	_ =	swait.ge @!p1 [sflag:s15], $0x2000  }
0x1c: {  	s12 =	smov.u32 s9;
	[sflag:s15] =	ssyncset.done @!p1 $0x0;
	s9 =	smov.u32 s14  }
0x1d: {  	s11 =	sadd.s32 $0x1, s11;
	[sflag:s15] =	ssyncadd.s32 @!p1 $0xFFFFE000;
	s10 =	smov.u32 s16  }
.LBB1_1:
0x1e: {  	p1 =	sge.u32 s11, s5  }
0x1f: {  	s14 =	sand.u32 @!p1 $0x1FFFFFF, s9  }
0x20: {  	s15 =	smulhi.u32 @!p1 $0x147AE15, s14;
	_ =	sdelay $0x1  }
0x21: {  	s15 =	smul.u32 @!p1 $0xC8, s15  }
0x22: {  	s16 =	sxor.u32 @!p1 $0xFFFFFFFF, s11;
	s17 =	smul.u32 @!p1 $0xC80, s10  }
0x23: {  	s31 =	sadd.s32 $0xFFFFFFFF, s11;
	s16 =	sshll.u32 @!p1 s16, $0xD;
	s14 =	ssub.s32 @!p1 s14, s15  }
0x24: {  	s15 =	sand.u32 @!p1 $0x2000, s16;
	s16 =	sadd.s32 @!p1 s6, s17;
	s14 =	sshll.u32 @!p1 s14, $0x4  }
0x25: {  	s17 =	simm.s32 @!p1 $0x6400;
	s14 =	sadd.s32 @!p1 s14, s16;
	s16 =	simm.s32 @!p1 $0x40  }
0x26: {  	[tilespmem:s15], [sflag:$0x1] =	stream.strided.gather @!p1 [hbm4b:s14+s16], $0x2000, s17, s16, $0x38;
	[tilespmem:$0x8080] =	vst v63  }
0x27: {  	p1 =	sge.u32 s31, s5  }
.Ltmp2:
0x28: {  	_ = 	snop;
	(pc) =	sbr.rel @p1 .LBB1_5-.Ltmp2, $1  }
0x29: {  	_ =	sdelay $0x3  }
0x2a: {  	s14 =	simm.s32 $0x1  }
0x2b: {  	_ =	swait.ge [sflag:s4], $0x2000;
	s14 =	simm.s32 @!p0 $0x0  }
0x2c: {  	[sflag:s4] =	ssyncset.done $0x0;
	s15 =	sshll.u32 s14, $0xD  }
0x2d: {  	[sflag:s4] =	ssyncadd.s32 $0xFFFFE000;
	s18 =	sor.u32 $0x20, s15  }
0x2e: {  	s14 =	smul.u32 $0x8100, s14;
	v3 =	vld [tilespmem:s18+$0x10]  }
0x2f: {  	s30 =	sand.u32 $0x1, s11;
	v2 =	vld [tilespmem:s18+$0xFFFFFFF0]  }
0x30: {  	s15 =	smul.u32 $0x8100, s30;
	s14 =	sshrl.u32 s14, $0x2;
	v0 =	vld [tilespmem:s18+$0x0]  }
0x31: {  	v1 =	vld [tilespmem:s18+$0xFFFFFFE0];
	s16 =	sor.u32 $0x4000, s14  }
0x32: {  	s31 =	sshrl.u32 s15, $0x2;
	s15 =	sadd.s32 $0x0, s16  }
0x33: {  	s17 =	simm.s32 $0x4;
	s18 =	sadd.s32 $0x40, s18;
	s14 =	sor.u32 $0x4000, s31;
	[tilespmem:s15+$0x1830 ss:$0x81] =	vst.msk $0xffff, v3  }
.LBB1_3:
0x34: {  	v3 =	vld [tilespmem:s18+$0x10];
	p1 =	sne.s32 s17, $0x1FC;
	[tilespmem:s15+$0x810 ss:$0x81] =	vst.msk $0xffff, v2;
	s19 =	smov.u32 s17;
	s17 =	sadd.s32 $0x4, s17  }
.Ltmp3:
0x35: {  	v2 =	vld [tilespmem:s18+$0xFFFFFFF0];
	[tilespmem:s15+$0x1020 ss:$0x81] =	vst.msk $0xffff, v0;
	(pc) =	sbr.rel @p1 .LBB1_3-.Ltmp3, $4  }
0x36: {  	v0 =	vld [tilespmem:s18+$0x0];
	[tilespmem:s15+$0x0 ss:$0x81] =	vst.msk $0xffff, v1  }
0x37: {  	s15 =	sshra.s32 s19, $0x2;
	v1 =	vld [tilespmem:s18+$0xFFFFFFE0]  }
0x38: {  	s15 =	sadd.s32 s15, s16  }
0x39: {  	s18 =	sadd.s32 $0x40, s18;
	[tilespmem:s15+$0x1830 ss:$0x81] =	vst.msk $0xffff, v3  }
.Ltmp4:
0x3a: {  	_ = 	snop;
	(pc) =	sbr.rel .LBB1_4-.Ltmp4, $1  }
0x3b: {  	_ =	sdelay $0x3  }
.LBB1_6:
0x3c: {  	_ =	sfence.sel $0x180000  }
0x3d: {  	s2 =	simm.s32 $0x1;
	[bflag:$0x0] =	sbarrier.arrive $0xFFFF  }
0x3e: {  	s31 =	simm.s32 $0x2;
	[sflag:s2] =	ssyncpa.u1 $0x1  }
0x3f: {  	[sflag:s31] =	ssyncpa.u1 $0x1  }
0x40: {  	p0 =	sne.s32 s0, $0x0;
	_ =	strace $0x9000004A  }
0x41: {  	s0 =	sadd.s32 @!p0 $0x100000, s1;
	[bflag:$0x2] =	sbarrier.arrive $0xFFFF  }
0x42: {  	[sflag:s0] =	ssyncadd.tile.s32 @!p0 $0x1;
	_ =	shalt  }
.Lfunc_end1:
_tile_overlayer_lowered:
.L_overlay_start_2:
0x43: {  	(tag) =	ssettag $0x2  }
0x44: {  	s0 =	rddreg [dreg:$0x0];
	s2 =	stileid.u32  }
0x45: {  	s1 =	rddreg [dreg:$0x1];
	p0 =	sne.s32 s2, $0x0  }
0x46: {  	s3 =	rddreg [dreg:$0x2];
	[bflag:$0x3] =	sbarrier.arrive $0xFFFF;
	s2 =	simm.s32 @!p0 $0x1C01  }
0x47: {  	[timem:s3], [sflag:s2] =	dma.local @!p0 [hbm:s0], s1  }
0x48: {  	s0 =	simm.s32 @!p0 $0x1  }
0x49: {  	_ =	swait.ge @!p0 [sflag:s0], s1  }
0x4a: {  	s1 =	ssub.s32 @!p0 $0x0, s1;
	[sflag:s0] =	ssyncset.done @!p0 $0x0  }
0x4b: {  	[sflag:s0] =	ssyncadd.s32 @!p0 s1  }
0x4c: {  	[bflag:$0x3] =	sbarrier.arrive $0xFFFF  }
0x4d: {  	_ =	shalt  }

</sc_bundles>
